<compile_context>
chip_gen: v7x
topology: tpu7x:2x2x1
jax: 0.10.2.dev20260603
libtpu: 0.0.44.dev20260713+nightly
codegen_flags: <defaults>
</compile_context>

<pallas_src>
import functools

import jax
import jax.numpy as jnp
from jax import lax
from jax.experimental import pallas as pl
from jax.experimental.pallas import tpu as pltpu
from jax.experimental.pallas import tpu_sc as plsc

_NUM_CLASSES = 1000
_HIDDEN = 1024
_BATCH = 16384

_info = plsc.get_sparse_core_info()
_NC, _NS, _L = _info.num_cores, _info.num_subcores, _info.num_lanes
_NW = _NC * _NS
_BPW = _BATCH // _NW
_CH = 32
_NBUF = 2
_NCHUNK = _BPW // _CH


_mesh = plsc.VectorSubcoreMesh(core_axis_name="c", subcore_axis_name="s")


@functools.partial(
    pl.kernel,
    mesh=_mesh,
    compiler_params=pltpu.CompilerParams(use_tc_tiling_on_sc=False),
    out_type=jax.ShapeDtypeStruct((_BATCH, _HIDDEN), jnp.float32),
    scratch_types=[
        pltpu.VMEM((_BPW,), jnp.int32),
        pltpu.VMEM((_BPW,), jnp.int32),
        pltpu.VMEM((_NBUF, _CH, _HIDDEN), jnp.float32),
        pltpu.VMEM((_CH,), jnp.int32),
        pltpu.VMEM((_CH,), jnp.int32),
        pltpu.VMEM_SHARED((_NUM_CLASSES + 1, _HIDDEN), jnp.float32),
        pltpu.SemaphoreType.DMA,
        pltpu.SemaphoreType.DMA,
    ],
)
def _embed(lab_hbm, fd_hbm, table_hbm, out_hbm, lab_v, fd_v, buf, ix0, ix1, table_sp, sem, osem):
    sid = lax.axis_index("s")
    wid = sid * _NC + lax.axis_index("c")
    base = wid * _BPW
    _ROWS_PER_TILE = (_NUM_CLASSES + 1 + _NS - 1) // _NS
    for t in range(_NS):
        start = t * _ROWS_PER_TILE
        cnt = min(_ROWS_PER_TILE, _NUM_CLASSES + 1 - start)
        @pl.when(sid == t)
        def _(start=start, cnt=cnt):
            pltpu.sync_copy(
                table_hbm.at[pl.ds(start, cnt)], table_sp.at[pl.ds(start, cnt)]
            )

    pltpu.async_copy(lab_hbm.at[pl.ds(base, _BPW)], lab_v, sem).wait()
    pltpu.async_copy(fd_hbm.at[pl.ds(base, _BPW)], fd_v, sem).wait()

    for i in range(_BPW // _L):
        sl = pl.ds(i * _L, _L)
        lab_v[sl] = jnp.where(fd_v[sl] == 1, _NUM_CLASSES, lab_v[sl])

    plsc.subcore_barrier()

    wh = [None] * _NCHUNK
    rh = [[None] * _CH for _ in range(_NCHUNK)]

    ix = [ix0, ix1]

    def pull_chunk(c):
        s = c % _NBUF
        for q in range(_CH // _L):
            ix[s][pl.ds(q * _L, _L)] = lab_v[pl.ds(c * _CH + q * _L, _L)]
        rh[c][0] = pltpu.async_copy(table_sp.at[ix[s]], buf.at[s], sem)

    for c in range(_NCHUNK):
        if c < _NBUF - 1:
            pull_chunk(c)
    for c in range(_NCHUNK):
        nxt = c + _NBUF - 1
        if nxt < _NCHUNK:
            if nxt >= _NBUF:
                wh[nxt - _NBUF].wait()
            pull_chunk(nxt)
        rh[c][0].wait()
        wh[c] = pltpu.async_copy(
            buf.at[c % _NBUF], out_hbm.at[pl.ds(base + c * _CH, _CH)], osem
        )
    for c in range(_NCHUNK - _NBUF, _NCHUNK):
        wh[c].wait()


def kernel(labels, force_drop_ids, embedding_table):
    return _embed(
        labels.astype(jnp.int32),
        force_drop_ids.astype(jnp.int32),
        embedding_table,
    )

# --- scband reference (transcript-rebuilt; emitter-appended) ---
"""Pipeline reference for scband-label-embedder-13108240188020 (READ-ONLY COPY).

The authoritative reference and input builder live on the scoring server;
editing this copy changes nothing except your own understanding.
"""

import jax, jax.numpy as jnp
import numpy as np

NUM_CLASSES = 1000
HIDDEN = 1024
BATCH = 16384

def setup_inputs(seed: int = 0) -> dict:
    key = jax.random.key(seed)
    k1, k2, k3 = jax.random.split(key, 3)
    labels = jax.random.randint(k1, (BATCH,), 0, NUM_CLASSES, dtype=jnp.int64 if jax.config.jax_enable_x64 else jnp.int32)
    force_drop_ids = jax.random.randint(k2, (BATCH,), 0, 2, dtype=labels.dtype)
    embedding_table = jax.random.normal(k3, (NUM_CLASSES + 1, HIDDEN), dtype=jnp.float32)
    return {"labels": labels, "force_drop_ids": force_drop_ids, "embedding_table": embedding_table}

def reference(labels, force_drop_ids, embedding_table):
    # token_drop with force_drop_ids provided: drop where force_drop_ids == 1
    drop_ids = force_drop_ids == 1
    labels = jnp.where(drop_ids, NUM_CLASSES, labels)
    # embedding lookup -> gather
    return jnp.take(embedding_table, labels, axis=0)

if __name__ == "__main__":
    import jax
    _d = setup_inputs()
    print(jax.jit(kernel)(*tuple(_d.values())))

</pallas_src>

<mosaic_0001>
#map = affine_map<(d0, d1) -> (0)>
#map1 = affine_map<(d0, d1) -> (0, 0)>
module attributes {stable_mosaic.version = 14 : i64} {
  func.func @_embed(%arg0: i32, %arg1: i32, %arg2: memref<16384xi32, #tpu.memory_space<hbm>>, %arg3: memref<16384xi32, #tpu.memory_space<hbm>>, %arg4: memref<1001x1024xf32, #tpu.memory_space<hbm>>, %arg5: memref<16384x1024xf32, #tpu.memory_space<hbm>>, %arg6: memref<512xi32, #tpu.memory_space<vmem>>, %arg7: memref<512xi32, #tpu.memory_space<vmem>>, %arg8: memref<2x32x1024xf32, #tpu.memory_space<vmem>>, %arg9: memref<32xi32, #tpu.memory_space<vmem>>, %arg10: memref<32xi32, #tpu.memory_space<vmem>>, %arg11: memref<1001x1024xf32, #tpu.memory_space<vmem_shared>>, %arg12: memref<!tpu.dma_semaphore, #tpu.memory_space<semaphore_mem>>, %arg13: memref<!tpu.dma_semaphore, #tpu.memory_space<semaphore_mem>>) attributes {dimension_semantics = [#tpu.dimension_semantics<core_parallel>, #tpu.dimension_semantics<subcore_parallel>], iteration_bounds = array<i64: 2, 16>, scalar_prefetch = 0 : i64, scratch_operands = 8 : i64, tpu.core_type = #tpu.core_type<sc_vector_subcore>, window_params = [{transform_indices = #map}, {transform_indices = #map}, {transform_indices = #map1}, {transform_indices = #map1}]} {
    %mul3A = arith.constant 2 : i32
    %mul3A_0 = arith.muli %arg1, %mul3A : i32
    %add3A = arith.addi %mul3A_0, %arg0 : i32
    %mul3A_1 = arith.constant 512 : i32
    %mul3A_2 = arith.muli %add3A, %mul3A_1 : i32
    %eq3A = arith.constant 0 : i32
    %eq3A_3 = arith.cmpi eq, %arg1, %eq3A : i32
    %convert_element_type3A = arith.extui %eq3A_3 : i1 to i32
    %cond3A = arith.constant 0 : i32
    %cond3A_4 = arith.cmpi ne, %convert_element_type3A, %cond3A : i32
    scf.if %cond3A_4 {
      "tpu.region"() ({
        %run_scoped3A = tpu.sem_alloc : memref<!tpu.dma_semaphore, #tpu.memory_space<semaphore_mem>>
        %dma_start3A_1521 = arith.constant 0 : i32
        %dma_start3A_1522 = arith.constant 0 : i32
        %dma_start3A_1523 = tpu.memref_slice %arg11[%dma_start3A_1521, %dma_start3A_1522] : memref<1001x1024xf32, #tpu.memory_space<vmem_shared>> -> memref<63x1024xf32, #tpu.memory_space<vmem_shared>>
        %dma_start3A_1524 = arith.constant 0 : i32
        %dma_start3A_1525 = arith.constant 0 : i32
        %dma_start3A_1526 = tpu.memref_slice %arg4[%dma_start3A_1524, %dma_start3A_1525] : memref<1001x1024xf32, #tpu.memory_space<hbm>> -> memref<63x1024xf32, #tpu.memory_space<hbm>>
        tpu.enqueue_dma source(%dma_start3A_1526 : memref<63x1024xf32, #tpu.memory_space<hbm>>) target(%dma_start3A_1523 : memref<63x1024xf32, #tpu.memory_space<vmem_shared>>) target_semaphore(%run_scoped3A : memref<!tpu.dma_semaphore, #tpu.memory_space<semaphore_mem>>)
        %dma_wait3A_1527 = arith.constant 0 : i32
        %dma_wait3A_1528 = arith.constant 0 : i32
        %dma_wait3A_1529 = tpu.memref_slice %arg11[%dma_wait3A_1527, %dma_wait3A_1528] : memref<1001x1024xf32, #tpu.memory_space<vmem_shared>> -> memref<63x1024xf32, #tpu.memory_space<vmem_shared>>
        %dma_wait3A_1530 = arith.constant 0 : i32
        %dma_wait3A_1531 = arith.constant 0 : i32
        %dma_wait3A_1532 = tpu.memref_slice %arg4[%dma_wait3A_1530, %dma_wait3A_1531] : memref<1001x1024xf32, #tpu.memory_space<hbm>> -> memref<63x1024xf32, #tpu.memory_space<hbm>>
        tpu.wait_dma2 semaphore(%run_scoped3A : memref<!tpu.dma_semaphore, #tpu.memory_space<semaphore_mem>>) src(%dma_wait3A_1532 : memref<63x1024xf32, #tpu.memory_space<hbm>>) dst(%dma_wait3A_1529 : memref<63x1024xf32, #tpu.memory_space<vmem_shared>>)
        tpu.yield
      }) : () -> ()
    } else {
    }
    %eq3A_5 = arith.constant 1 : i32
    %eq3A_6 = arith.cmpi eq, %arg1, %eq3A_5 : i32
    %convert_element_type3A_7 = arith.extui %eq3A_6 : i1 to i32
    %cond3A_8 = arith.constant 0 : i32
    %cond3A_9 = arith.cmpi ne, %convert_element_type3A_7, %cond3A_8 : i32
    scf.if %cond3A_9 {
      "tpu.region"() ({
        %run_scoped3A = tpu.sem_alloc : memref<!tpu.dma_semaphore, #tpu.memory_space<semaphore_mem>>
        %dma_start3A_1521 = arith.constant 63 : i32
        %dma_start3A_1522 = arith.constant 0 : i32
        %dma_start3A_1523 = tpu.memref_slice %arg11[%dma_start3A_1521, %dma_start3A_1522] : memref<1001x1024xf32, #tpu.memory_space<vmem_shared>> -> memref<63x1024xf32, #tpu.memory_space<vmem_shared>>
        %dma_start3A_1524 = arith.constant 63 : i32
        %dma_start3A_1525 = arith.constant 0 : i32
        %dma_start3A_1526 = tpu.memref_slice %arg4[%dma_start3A_1524, %dma_start3A_1525] : memref<1001x1024xf32, #tpu.memory_space<hbm>> -> memref<63x1024xf32, #tpu.memory_space<hbm>>
        tpu.enqueue_dma source(%dma_start3A_1526 : memref<63x1024xf32, #tpu.memory_space<hbm>>) target(%dma_start3A_1523 : memref<63x1024xf32, #tpu.memory_space<vmem_shared>>) target_semaphore(%run_scoped3A : memref<!tpu.dma_semaphore, #tpu.memory_space<semaphore_mem>>)
        %dma_wait3A_1527 = arith.constant 63 : i32
        %dma_wait3A_1528 = arith.constant 0 : i32
        %dma_wait3A_1529 = tpu.memref_slice %arg11[%dma_wait3A_1527, %dma_wait3A_1528] : memref<1001x1024xf32, #tpu.memory_space<vmem_shared>> -> memref<63x1024xf32, #tpu.memory_space<vmem_shared>>
        %dma_wait3A_1530 = arith.constant 63 : i32
        %dma_wait3A_1531 = arith.constant 0 : i32
        %dma_wait3A_1532 = tpu.memref_slice %arg4[%dma_wait3A_1530, %dma_wait3A_1531] : memref<1001x1024xf32, #tpu.memory_space<hbm>> -> memref<63x1024xf32, #tpu.memory_space<hbm>>
        tpu.wait_dma2 semaphore(%run_scoped3A : memref<!tpu.dma_semaphore, #tpu.memory_space<semaphore_mem>>) src(%dma_wait3A_1532 : memref<63x1024xf32, #tpu.memory_space<hbm>>) dst(%dma_wait3A_1529 : memref<63x1024xf32, #tpu.memory_space<vmem_shared>>)
        tpu.yield
      }) : () -> ()
    } else {
    }
    %eq3A_10 = arith.constant 2 : i32
    %eq3A_11 = arith.cmpi eq, %arg1, %eq3A_10 : i32
    %convert_element_type3A_12 = arith.extui %eq3A_11 : i1 to i32
    %cond3A_13 = arith.constant 0 : i32
    %cond3A_14 = arith.cmpi ne, %convert_element_type3A_12, %cond3A_13 : i32
    scf.if %cond3A_14 {
      "tpu.region"() ({
        %run_scoped3A = tpu.sem_alloc : memref<!tpu.dma_semaphore, #tpu.memory_space<semaphore_mem>>
        %dma_start3A_1521 = arith.constant 126 : i32
        %dma_start3A_1522 = arith.constant 0 : i32
        %dma_start3A_1523 = tpu.memref_slice %arg11[%dma_start3A_1521, %dma_start3A_1522] : memref<1001x1024xf32, #tpu.memory_space<vmem_shared>> -> memref<63x1024xf32, #tpu.memory_space<vmem_shared>>
        %dma_start3A_1524 = arith.constant 126 : i32
        %dma_start3A_1525 = arith.constant 0 : i32
        %dma_start3A_1526 = tpu.memref_slice %arg4[%dma_start3A_1524, %dma_start3A_1525] : memref<1001x1024xf32, #tpu.memory_space<hbm>> -> memref<63x1024xf32, #tpu.memory_space<hbm>>
        tpu.enqueue_dma source(%dma_start3A_1526 : memref<63x1024xf32, #tpu.memory_space<hbm>>) target(%dma_start3A_1523 : memref<63x1024xf32, #tpu.memory_space<vmem_shared>>) target_semaphore(%run_scoped3A : memref<!tpu.dma_semaphore, #tpu.memory_space<semaphore_mem>>)
        %dma_wait3A_1527 = arith.constant 126 : i32
        %dma_wait3A_1528 = arith.constant 0 : i32
        %dma_wait3A_1529 = tpu.memref_slice %arg11[%dma_wait3A_1527, %dma_wait3A_1528] : memref<1001x1024xf32, #tpu.memory_space<vmem_shared>> -> memref<63x1024xf32, #tpu.memory_space<vmem_shared>>
        %dma_wait3A_1530 = arith.constant 126 : i32
        %dma_wait3A_1531 = arith.constant 0 : i32
        %dma_wait3A_1532 = tpu.memref_slice %arg4[%dma_wait3A_1530, %dma_wait3A_1531] : memref<1001x1024xf32, #tpu.memory_space<hbm>> -> memref<63x1024xf32, #tpu.memory_space<hbm>>
        tpu.wait_dma2 semaphore(%run_scoped3A : memref<!tpu.dma_semaphore, #tpu.memory_space<semaphore_mem>>) src(%dma_wait3A_1532 : memref<63x1024xf32, #tpu.memory_space<hbm>>) dst(%dma_wait3A_1529 : memref<63x1024xf32, #tpu.memory_space<vmem_shared>>)
        tpu.yield
      }) : () -> ()
    } else {
    }
    %eq3A_15 = arith.constant 3 : i32
    %eq3A_16 = arith.cmpi eq, %arg1, %eq3A_15 : i32
    %convert_element_type3A_17 = arith.extui %eq3A_16 : i1 to i32
    %cond3A_18 = arith.constant 0 : i32
    %cond3A_19 = arith.cmpi ne, %convert_element_type3A_17, %cond3A_18 : i32
    scf.if %cond3A_19 {
      "tpu.region"() ({
        %run_scoped3A = tpu.sem_alloc : memref<!tpu.dma_semaphore, #tpu.memory_space<semaphore_mem>>
        %dma_start3A_1521 = arith.constant 189 : i32
        %dma_start3A_1522 = arith.constant 0 : i32
        %dma_start3A_1523 = tpu.memref_slice %arg11[%dma_start3A_1521, %dma_start3A_1522] : memref<1001x1024xf32, #tpu.memory_space<vmem_shared>> -> memref<63x1024xf32, #tpu.memory_space<vmem_shared>>
        %dma_start3A_1524 = arith.constant 189 : i32
        %dma_start3A_1525 = arith.constant 0 : i32
        %dma_start3A_1526 = tpu.memref_slice %arg4[%dma_start3A_1524, %dma_start3A_1525] : memref<1001x1024xf32, #tpu.memory_space<hbm>> -> memref<63x1024xf32, #tpu.memory_space<hbm>>
        tpu.enqueue_dma source(%dma_start3A_1526 : memref<63x1024xf32, #tpu.memory_space<hbm>>) target(%dma_start3A_1523 : memref<63x1024xf32, #tpu.memory_space<vmem_shared>>) target_semaphore(%run_scoped3A : memref<!tpu.dma_semaphore, #tpu.memory_space<semaphore_mem>>)
        %dma_wait3A_1527 = arith.constant 189 : i32
        %dma_wait3A_1528 = arith.constant 0 : i32
        %dma_wait3A_1529 = tpu.memref_slice %arg11[%dma_wait3A_1527, %dma_wait3A_1528] : memref<1001x1024xf32, #tpu.memory_space<vmem_shared>> -> memref<63x1024xf32, #tpu.memory_space<vmem_shared>>
        %dma_wait3A_1530 = arith.constant 189 : i32
        %dma_wait3A_1531 = arith.constant 0 : i32
        %dma_wait3A_1532 = tpu.memref_slice %arg4[%dma_wait3A_1530, %dma_wait3A_1531] : memref<1001x1024xf32, #tpu.memory_space<hbm>> -> memref<63x1024xf32, #tpu.memory_space<hbm>>
        tpu.wait_dma2 semaphore(%run_scoped3A : memref<!tpu.dma_semaphore, #tpu.memory_space<semaphore_mem>>) src(%dma_wait3A_1532 : memref<63x1024xf32, #tpu.memory_space<hbm>>) dst(%dma_wait3A_1529 : memref<63x1024xf32, #tpu.memory_space<vmem_shared>>)
        tpu.yield
      }) : () -> ()
    } else {
    }
    %eq3A_20 = arith.constant 4 : i32
    %eq3A_21 = arith.cmpi eq, %arg1, %eq3A_20 : i32
    %convert_element_type3A_22 = arith.extui %eq3A_21 : i1 to i32
    %cond3A_23 = arith.constant 0 : i32
    %cond3A_24 = arith.cmpi ne, %convert_element_type3A_22, %cond3A_23 : i32
    scf.if %cond3A_24 {
      "tpu.region"() ({
        %run_scoped3A = tpu.sem_alloc : memref<!tpu.dma_semaphore, #tpu.memory_space<semaphore_mem>>
        %dma_start3A_1521 = arith.constant 252 : i32
        %dma_start3A_1522 = arith.constant 0 : i32
        %dma_start3A_1523 = tpu.memref_slice %arg11[%dma_start3A_1521, %dma_start3A_1522] : memref<1001x1024xf32, #tpu.memory_space<vmem_shared>> -> memref<63x1024xf32, #tpu.memory_space<vmem_shared>>
        %dma_start3A_1524 = arith.constant 252 : i32
        %dma_start3A_1525 = arith.constant 0 : i32
        %dma_start3A_1526 = tpu.memref_slice %arg4[%dma_start3A_1524, %dma_start3A_1525] : memref<1001x1024xf32, #tpu.memory_space<hbm>> -> memref<63x1024xf32, #tpu.memory_space<hbm>>
        tpu.enqueue_dma source(%dma_start3A_1526 : memref<63x1024xf32, #tpu.memory_space<hbm>>) target(%dma_start3A_1523 : memref<63x1024xf32, #tpu.memory_space<vmem_shared>>) target_semaphore(%run_scoped3A : memref<!tpu.dma_semaphore, #tpu.memory_space<semaphore_mem>>)
        %dma_wait3A_1527 = arith.constant 252 : i32
        %dma_wait3A_1528 = arith.constant 0 : i32
        %dma_wait3A_1529 = tpu.memref_slice %arg11[%dma_wait3A_1527, %dma_wait3A_1528] : memref<1001x1024xf32, #tpu.memory_space<vmem_shared>> -> memref<63x1024xf32, #tpu.memory_space<vmem_shared>>
        %dma_wait3A_1530 = arith.constant 252 : i32
        %dma_wait3A_1531 = arith.constant 0 : i32
        %dma_wait3A_1532 = tpu.memref_slice %arg4[%dma_wait3A_1530, %dma_wait3A_1531] : memref<1001x1024xf32, #tpu.memory_space<hbm>> -> memref<63x1024xf32, #tpu.memory_space<hbm>>
        tpu.wait_dma2 semaphore(%run_scoped3A : memref<!tpu.dma_semaphore, #tpu.memory_space<semaphore_mem>>) src(%dma_wait3A_1532 : memref<63x1024xf32, #tpu.memory_space<hbm>>) dst(%dma_wait3A_1529 : memref<63x1024xf32, #tpu.memory_space<vmem_shared>>)
        tpu.yield
      }) : () -> ()
    } else {
    }
    %eq3A_25 = arith.constant 5 : i32
    %eq3A_26 = arith.cmpi eq, %arg1, %eq3A_25 : i32
    %convert_element_type3A_27 = arith.extui %eq3A_26 : i1 to i32
    %cond3A_28 = arith.constant 0 : i32
    %cond3A_29 = arith.cmpi ne, %convert_element_type3A_27, %cond3A_28 : i32
    scf.if %cond3A_29 {
      "tpu.region"() ({
        %run_scoped3A = tpu.sem_alloc : memref<!tpu.dma_semaphore, #tpu.memory_space<semaphore_mem>>
        %dma_start3A_1521 = arith.constant 315 : i32
        %dma_start3A_1522 = arith.constant 0 : i32
        %dma_start3A_1523 = tpu.memref_slice %arg11[%dma_start3A_1521, %dma_start3A_1522] : memref<1001x1024xf32, #tpu.memory_space<vmem_shared>> -> memref<63x1024xf32, #tpu.memory_space<vmem_shared>>
        %dma_start3A_1524 = arith.constant 315 : i32
        %dma_start3A_1525 = arith.constant 0 : i32
        %dma_start3A_1526 = tpu.memref_slice %arg4[%dma_start3A_1524, %dma_start3A_1525] : memref<1001x1024xf32, #tpu.memory_space<hbm>> -> memref<63x1024xf32, #tpu.memory_space<hbm>>
        tpu.enqueue_dma source(%dma_start3A_1526 : memref<63x1024xf32, #tpu.memory_space<hbm>>) target(%dma_start3A_1523 : memref<63x1024xf32, #tpu.memory_space<vmem_shared>>) target_semaphore(%run_scoped3A : memref<!tpu.dma_semaphore, #tpu.memory_space<semaphore_mem>>)
        %dma_wait3A_1527 = arith.constant 315 : i32
        %dma_wait3A_1528 = arith.constant 0 : i32
        %dma_wait3A_1529 = tpu.memref_slice %arg11[%dma_wait3A_1527, %dma_wait3A_1528] : memref<1001x1024xf32, #tpu.memory_space<vmem_shared>> -> memref<63x1024xf32, #tpu.memory_space<vmem_shared>>
        %dma_wait3A_1530 = arith.constant 315 : i32
        %dma_wait3A_1531 = arith.constant 0 : i32
        %dma_wait3A_1532 = tpu.memref_slice %arg4[%dma_wait3A_1530, %dma_wait3A_1531] : memref<1001x1024xf32, #tpu.memory_space<hbm>> -> memref<63x1024xf32, #tpu.memory_space<hbm>>
        tpu.wait_dma2 semaphore(%run_scoped3A : memref<!tpu.dma_semaphore, #tpu.memory_space<semaphore_mem>>) src(%dma_wait3A_1532 : memref<63x1024xf32, #tpu.memory_space<hbm>>) dst(%dma_wait3A_1529 : memref<63x1024xf32, #tpu.memory_space<vmem_shared>>)
        tpu.yield
      }) : () -> ()
    } else {
    }
    %eq3A_30 = arith.constant 6 : i32
    %eq3A_31 = arith.cmpi eq, %arg1, %eq3A_30 : i32
    %convert_element_type3A_32 = arith.extui %eq3A_31 : i1 to i32
    %cond3A_33 = arith.constant 0 : i32
    %cond3A_34 = arith.cmpi ne, %convert_element_type3A_32, %cond3A_33 : i32
    scf.if %cond3A_34 {
      "tpu.region"() ({
        %run_scoped3A = tpu.sem_alloc : memref<!tpu.dma_semaphore, #tpu.memory_space<semaphore_mem>>
        %dma_start3A_1521 = arith.constant 378 : i32
        %dma_start3A_1522 = arith.constant 0 : i32
        %dma_start3A_1523 = tpu.memref_slice %arg11[%dma_start3A_1521, %dma_start3A_1522] : memref<1001x1024xf32, #tpu.memory_space<vmem_shared>> -> memref<63x1024xf32, #tpu.memory_space<vmem_shared>>
        %dma_start3A_1524 = arith.constant 378 : i32
        %dma_start3A_1525 = arith.constant 0 : i32
        %dma_start3A_1526 = tpu.memref_slice %arg4[%dma_start3A_1524, %dma_start3A_1525] : memref<1001x1024xf32, #tpu.memory_space<hbm>> -> memref<63x1024xf32, #tpu.memory_space<hbm>>
        tpu.enqueue_dma source(%dma_start3A_1526 : memref<63x1024xf32, #tpu.memory_space<hbm>>) target(%dma_start3A_1523 : memref<63x1024xf32, #tpu.memory_space<vmem_shared>>) target_semaphore(%run_scoped3A : memref<!tpu.dma_semaphore, #tpu.memory_space<semaphore_mem>>)
        %dma_wait3A_1527 = arith.constant 378 : i32
        %dma_wait3A_1528 = arith.constant 0 : i32
        %dma_wait3A_1529 = tpu.memref_slice %arg11[%dma_wait3A_1527, %dma_wait3A_1528] : memref<1001x1024xf32, #tpu.memory_space<vmem_shared>> -> memref<63x1024xf32, #tpu.memory_space<vmem_shared>>
        %dma_wait3A_1530 = arith.constant 378 : i32
        %dma_wait3A_1531 = arith.constant 0 : i32
        %dma_wait3A_1532 = tpu.memref_slice %arg4[%dma_wait3A_1530, %dma_wait3A_1531] : memref<1001x1024xf32, #tpu.memory_space<hbm>> -> memref<63x1024xf32, #tpu.memory_space<hbm>>
        tpu.wait_dma2 semaphore(%run_scoped3A : memref<!tpu.dma_semaphore, #tpu.memory_space<semaphore_mem>>) src(%dma_wait3A_1532 : memref<63x1024xf32, #tpu.memory_space<hbm>>) dst(%dma_wait3A_1529 : memref<63x1024xf32, #tpu.memory_space<vmem_shared>>)
        tpu.yield
      }) : () -> ()
    } else {
    }
    %eq3A_35 = arith.constant 7 : i32
    %eq3A_36 = arith.cmpi eq, %arg1, %eq3A_35 : i32
    %convert_element_type3A_37 = arith.extui %eq3A_36 : i1 to i32
    %cond3A_38 = arith.constant 0 : i32
    %cond3A_39 = arith.cmpi ne, %convert_element_type3A_37, %cond3A_38 : i32
    scf.if %cond3A_39 {
      "tpu.region"() ({
        %run_scoped3A = tpu.sem_alloc : memref<!tpu.dma_semaphore, #tpu.memory_space<semaphore_mem>>
        %dma_start3A_1521 = arith.constant 441 : i32
        %dma_start3A_1522 = arith.constant 0 : i32
        %dma_start3A_1523 = tpu.memref_slice %arg11[%dma_start3A_1521, %dma_start3A_1522] : memref<1001x1024xf32, #tpu.memory_space<vmem_shared>> -> memref<63x1024xf32, #tpu.memory_space<vmem_shared>>
        %dma_start3A_1524 = arith.constant 441 : i32
        %dma_start3A_1525 = arith.constant 0 : i32
        %dma_start3A_1526 = tpu.memref_slice %arg4[%dma_start3A_1524, %dma_start3A_1525] : memref<1001x1024xf32, #tpu.memory_space<hbm>> -> memref<63x1024xf32, #tpu.memory_space<hbm>>
        tpu.enqueue_dma source(%dma_start3A_1526 : memref<63x1024xf32, #tpu.memory_space<hbm>>) target(%dma_start3A_1523 : memref<63x1024xf32, #tpu.memory_space<vmem_shared>>) target_semaphore(%run_scoped3A : memref<!tpu.dma_semaphore, #tpu.memory_space<semaphore_mem>>)
        %dma_wait3A_1527 = arith.constant 441 : i32
        %dma_wait3A_1528 = arith.constant 0 : i32
        %dma_wait3A_1529 = tpu.memref_slice %arg11[%dma_wait3A_1527, %dma_wait3A_1528] : memref<1001x1024xf32, #tpu.memory_space<vmem_shared>> -> memref<63x1024xf32, #tpu.memory_space<vmem_shared>>
        %dma_wait3A_1530 = arith.constant 441 : i32
        %dma_wait3A_1531 = arith.constant 0 : i32
        %dma_wait3A_1532 = tpu.memref_slice %arg4[%dma_wait3A_1530, %dma_wait3A_1531] : memref<1001x1024xf32, #tpu.memory_space<hbm>> -> memref<63x1024xf32, #tpu.memory_space<hbm>>
        tpu.wait_dma2 semaphore(%run_scoped3A : memref<!tpu.dma_semaphore, #tpu.memory_space<semaphore_mem>>) src(%dma_wait3A_1532 : memref<63x1024xf32, #tpu.memory_space<hbm>>) dst(%dma_wait3A_1529 : memref<63x1024xf32, #tpu.memory_space<vmem_shared>>)
        tpu.yield
      }) : () -> ()
    } else {
    }
    %eq3A_40 = arith.constant 8 : i32
    %eq3A_41 = arith.cmpi eq, %arg1, %eq3A_40 : i32
    %convert_element_type3A_42 = arith.extui %eq3A_41 : i1 to i32
    %cond3A_43 = arith.constant 0 : i32
    %cond3A_44 = arith.cmpi ne, %convert_element_type3A_42, %cond3A_43 : i32
    scf.if %cond3A_44 {
      "tpu.region"() ({
        %run_scoped3A = tpu.sem_alloc : memref<!tpu.dma_semaphore, #tpu.memory_space<semaphore_mem>>
        %dma_start3A_1521 = arith.constant 504 : i32
        %dma_start3A_1522 = arith.constant 0 : i32
        %dma_start3A_1523 = tpu.memref_slice %arg11[%dma_start3A_1521, %dma_start3A_1522] : memref<1001x1024xf32, #tpu.memory_space<vmem_shared>> -> memref<63x1024xf32, #tpu.memory_space<vmem_shared>>
        %dma_start3A_1524 = arith.constant 504 : i32
        %dma_start3A_1525 = arith.constant 0 : i32
        %dma_start3A_1526 = tpu.memref_slice %arg4[%dma_start3A_1524, %dma_start3A_1525] : memref<1001x1024xf32, #tpu.memory_space<hbm>> -> memref<63x1024xf32, #tpu.memory_space<hbm>>
        tpu.enqueue_dma source(%dma_start3A_1526 : memref<63x1024xf32, #tpu.memory_space<hbm>>) target(%dma_start3A_1523 : memref<63x1024xf32, #tpu.memory_space<vmem_shared>>) target_semaphore(%run_scoped3A : memref<!tpu.dma_semaphore, #tpu.memory_space<semaphore_mem>>)
        %dma_wait3A_1527 = arith.constant 504 : i32
        %dma_wait3A_1528 = arith.constant 0 : i32
        %dma_wait3A_1529 = tpu.memref_slice %arg11[%dma_wait3A_1527, %dma_wait3A_1528] : memref<1001x1024xf32, #tpu.memory_space<vmem_shared>> -> memref<63x1024xf32, #tpu.memory_space<vmem_shared>>
        %dma_wait3A_1530 = arith.constant 504 : i32
        %dma_wait3A_1531 = arith.constant 0 : i32
        %dma_wait3A_1532 = tpu.memref_slice %arg4[%dma_wait3A_1530, %dma_wait3A_1531] : memref<1001x1024xf32, #tpu.memory_space<hbm>> -> memref<63x1024xf32, #tpu.memory_space<hbm>>
        tpu.wait_dma2 semaphore(%run_scoped3A : memref<!tpu.dma_semaphore, #tpu.memory_space<semaphore_mem>>) src(%dma_wait3A_1532 : memref<63x1024xf32, #tpu.memory_space<hbm>>) dst(%dma_wait3A_1529 : memref<63x1024xf32, #tpu.memory_space<vmem_shared>>)
        tpu.yield
      }) : () -> ()
    } else {
    }
    %eq3A_45 = arith.constant 9 : i32
    %eq3A_46 = arith.cmpi eq, %arg1, %eq3A_45 : i32
    %convert_element_type3A_47 = arith.extui %eq3A_46 : i1 to i32
    %cond3A_48 = arith.constant 0 : i32
    %cond3A_49 = arith.cmpi ne, %convert_element_type3A_47, %cond3A_48 : i32
    scf.if %cond3A_49 {
      "tpu.region"() ({
        %run_scoped3A = tpu.sem_alloc : memref<!tpu.dma_semaphore, #tpu.memory_space<semaphore_mem>>
        %dma_start3A_1521 = arith.constant 567 : i32
        %dma_start3A_1522 = arith.constant 0 : i32
        %dma_start3A_1523 = tpu.memref_slice %arg11[%dma_start3A_1521, %dma_start3A_1522] : memref<1001x1024xf32, #tpu.memory_space<vmem_shared>> -> memref<63x1024xf32, #tpu.memory_space<vmem_shared>>
        %dma_start3A_1524 = arith.constant 567 : i32
        %dma_start3A_1525 = arith.constant 0 : i32
        %dma_start3A_1526 = tpu.memref_slice %arg4[%dma_start3A_1524, %dma_start3A_1525] : memref<1001x1024xf32, #tpu.memory_space<hbm>> -> memref<63x1024xf32, #tpu.memory_space<hbm>>
        tpu.enqueue_dma source(%dma_start3A_1526 : memref<63x1024xf32, #tpu.memory_space<hbm>>) target(%dma_start3A_1523 : memref<63x1024xf32, #tpu.memory_space<vmem_shared>>) target_semaphore(%run_scoped3A : memref<!tpu.dma_semaphore, #tpu.memory_space<semaphore_mem>>)
        %dma_wait3A_1527 = arith.constant 567 : i32
        %dma_wait3A_1528 = arith.constant 0 : i32
        %dma_wait3A_1529 = tpu.memref_slice %arg11[%dma_wait3A_1527, %dma_wait3A_1528] : memref<1001x1024xf32, #tpu.memory_space<vmem_shared>> -> memref<63x1024xf32, #tpu.memory_space<vmem_shared>>
        %dma_wait3A_1530 = arith.constant 567 : i32
        %dma_wait3A_1531 = arith.constant 0 : i32
        %dma_wait3A_1532 = tpu.memref_slice %arg4[%dma_wait3A_1530, %dma_wait3A_1531] : memref<1001x1024xf32, #tpu.memory_space<hbm>> -> memref<63x1024xf32, #tpu.memory_space<hbm>>
        tpu.wait_dma2 semaphore(%run_scoped3A : memref<!tpu.dma_semaphore, #tpu.memory_space<semaphore_mem>>) src(%dma_wait3A_1532 : memref<63x1024xf32, #tpu.memory_space<hbm>>) dst(%dma_wait3A_1529 : memref<63x1024xf32, #tpu.memory_space<vmem_shared>>)
        tpu.yield
      }) : () -> ()
    } else {
    }
    %eq3A_50 = arith.constant 10 : i32
    %eq3A_51 = arith.cmpi eq, %arg1, %eq3A_50 : i32
    %convert_element_type3A_52 = arith.extui %eq3A_51 : i1 to i32
    %cond3A_53 = arith.constant 0 : i32
    %cond3A_54 = arith.cmpi ne, %convert_element_type3A_52, %cond3A_53 : i32
    scf.if %cond3A_54 {
      "tpu.region"() ({
        %run_scoped3A = tpu.sem_alloc : memref<!tpu.dma_semaphore, #tpu.memory_space<semaphore_mem>>
        %dma_start3A_1521 = arith.constant 630 : i32
        %dma_start3A_1522 = arith.constant 0 : i32
        %dma_start3A_1523 = tpu.memref_slice %arg11[%dma_start3A_1521, %dma_start3A_1522] : memref<1001x1024xf32, #tpu.memory_space<vmem_shared>> -> memref<63x1024xf32, #tpu.memory_space<vmem_shared>>
        %dma_start3A_1524 = arith.constant 630 : i32
        %dma_start3A_1525 = arith.constant 0 : i32
        %dma_start3A_1526 = tpu.memref_slice %arg4[%dma_start3A_1524, %dma_start3A_1525] : memref<1001x1024xf32, #tpu.memory_space<hbm>> -> memref<63x1024xf32, #tpu.memory_space<hbm>>
        tpu.enqueue_dma source(%dma_start3A_1526 : memref<63x1024xf32, #tpu.memory_space<hbm>>) target(%dma_start3A_1523 : memref<63x1024xf32, #tpu.memory_space<vmem_shared>>) target_semaphore(%run_scoped3A : memref<!tpu.dma_semaphore, #tpu.memory_space<semaphore_mem>>)
        %dma_wait3A_1527 = arith.constant 630 : i32
        %dma_wait3A_1528 = arith.constant 0 : i32
        %dma_wait3A_1529 = tpu.memref_slice %arg11[%dma_wait3A_1527, %dma_wait3A_1528] : memref<1001x1024xf32, #tpu.memory_space<vmem_shared>> -> memref<63x1024xf32, #tpu.memory_space<vmem_shared>>
        %dma_wait3A_1530 = arith.constant 630 : i32
        %dma_wait3A_1531 = arith.constant 0 : i32
        %dma_wait3A_1532 = tpu.memref_slice %arg4[%dma_wait3A_1530, %dma_wait3A_1531] : memref<1001x1024xf32, #tpu.memory_space<hbm>> -> memref<63x1024xf32, #tpu.memory_space<hbm>>
        tpu.wait_dma2 semaphore(%run_scoped3A : memref<!tpu.dma_semaphore, #tpu.memory_space<semaphore_mem>>) src(%dma_wait3A_1532 : memref<63x1024xf32, #tpu.memory_space<hbm>>) dst(%dma_wait3A_1529 : memref<63x1024xf32, #tpu.memory_space<vmem_shared>>)
        tpu.yield
      }) : () -> ()
    } else {
    }
    %eq3A_55 = arith.constant 11 : i32
    %eq3A_56 = arith.cmpi eq, %arg1, %eq3A_55 : i32
    %convert_element_type3A_57 = arith.extui %eq3A_56 : i1 to i32
    %cond3A_58 = arith.constant 0 : i32
    %cond3A_59 = arith.cmpi ne, %convert_element_type3A_57, %cond3A_58 : i32
    scf.if %cond3A_59 {
      "tpu.region"() ({
        %run_scoped3A = tpu.sem_alloc : memref<!tpu.dma_semaphore, #tpu.memory_space<semaphore_mem>>
        %dma_start3A_1521 = arith.constant 693 : i32
        %dma_start3A_1522 = arith.constant 0 : i32
        %dma_start3A_1523 = tpu.memref_slice %arg11[%dma_start3A_1521, %dma_start3A_1522] : memref<1001x1024xf32, #tpu.memory_space<vmem_shared>> -> memref<63x1024xf32, #tpu.memory_space<vmem_shared>>
        %dma_start3A_1524 = arith.constant 693 : i32
        %dma_start3A_1525 = arith.constant 0 : i32
        %dma_start3A_1526 = tpu.memref_slice %arg4[%dma_start3A_1524, %dma_start3A_1525] : memref<1001x1024xf32, #tpu.memory_space<hbm>> -> memref<63x1024xf32, #tpu.memory_space<hbm>>
        tpu.enqueue_dma source(%dma_start3A_1526 : memref<63x1024xf32, #tpu.memory_space<hbm>>) target(%dma_start3A_1523 : memref<63x1024xf32, #tpu.memory_space<vmem_shared>>) target_semaphore(%run_scoped3A : memref<!tpu.dma_semaphore, #tpu.memory_space<semaphore_mem>>)
        %dma_wait3A_1527 = arith.constant 693 : i32
        %dma_wait3A_1528 = arith.constant 0 : i32
        %dma_wait3A_1529 = tpu.memref_slice %arg11[%dma_wait3A_1527, %dma_wait3A_1528] : memref<1001x1024xf32, #tpu.memory_space<vmem_shared>> -> memref<63x1024xf32, #tpu.memory_space<vmem_shared>>
        %dma_wait3A_1530 = arith.constant 693 : i32
        %dma_wait3A_1531 = arith.constant 0 : i32
        %dma_wait3A_1532 = tpu.memref_slice %arg4[%dma_wait3A_1530, %dma_wait3A_1531] : memref<1001x1024xf32, #tpu.memory_space<hbm>> -> memref<63x1024xf32, #tpu.memory_space<hbm>>
        tpu.wait_dma2 semaphore(%run_scoped3A : memref<!tpu.dma_semaphore, #tpu.memory_space<semaphore_mem>>) src(%dma_wait3A_1532 : memref<63x1024xf32, #tpu.memory_space<hbm>>) dst(%dma_wait3A_1529 : memref<63x1024xf32, #tpu.memory_space<vmem_shared>>)
        tpu.yield
      }) : () -> ()
    } else {
    }
    %eq3A_60 = arith.constant 12 : i32
    %eq3A_61 = arith.cmpi eq, %arg1, %eq3A_60 : i32
    %convert_element_type3A_62 = arith.extui %eq3A_61 : i1 to i32
    %cond3A_63 = arith.constant 0 : i32
    %cond3A_64 = arith.cmpi ne, %convert_element_type3A_62, %cond3A_63 : i32
    scf.if %cond3A_64 {
      "tpu.region"() ({
        %run_scoped3A = tpu.sem_alloc : memref<!tpu.dma_semaphore, #tpu.memory_space<semaphore_mem>>
        %dma_start3A_1521 = arith.constant 756 : i32
        %dma_start3A_1522 = arith.constant 0 : i32
        %dma_start3A_1523 = tpu.memref_slice %arg11[%dma_start3A_1521, %dma_start3A_1522] : memref<1001x1024xf32, #tpu.memory_space<vmem_shared>> -> memref<63x1024xf32, #tpu.memory_space<vmem_shared>>
        %dma_start3A_1524 = arith.constant 756 : i32
        %dma_start3A_1525 = arith.constant 0 : i32
        %dma_start3A_1526 = tpu.memref_slice %arg4[%dma_start3A_1524, %dma_start3A_1525] : memref<1001x1024xf32, #tpu.memory_space<hbm>> -> memref<63x1024xf32, #tpu.memory_space<hbm>>
        tpu.enqueue_dma source(%dma_start3A_1526 : memref<63x1024xf32, #tpu.memory_space<hbm>>) target(%dma_start3A_1523 : memref<63x1024xf32, #tpu.memory_space<vmem_shared>>) target_semaphore(%run_scoped3A : memref<!tpu.dma_semaphore, #tpu.memory_space<semaphore_mem>>)
        %dma_wait3A_1527 = arith.constant 756 : i32
        %dma_wait3A_1528 = arith.constant 0 : i32
        %dma_wait3A_1529 = tpu.memref_slice %arg11[%dma_wait3A_1527, %dma_wait3A_1528] : memref<1001x1024xf32, #tpu.memory_space<vmem_shared>> -> memref<63x1024xf32, #tpu.memory_space<vmem_shared>>
        %dma_wait3A_1530 = arith.constant 756 : i32
        %dma_wait3A_1531 = arith.constant 0 : i32
        %dma_wait3A_1532 = tpu.memref_slice %arg4[%dma_wait3A_1530, %dma_wait3A_1531] : memref<1001x1024xf32, #tpu.memory_space<hbm>> -> memref<63x1024xf32, #tpu.memory_space<hbm>>
        tpu.wait_dma2 semaphore(%run_scoped3A : memref<!tpu.dma_semaphore, #tpu.memory_space<semaphore_mem>>) src(%dma_wait3A_1532 : memref<63x1024xf32, #tpu.memory_space<hbm>>) dst(%dma_wait3A_1529 : memref<63x1024xf32, #tpu.memory_space<vmem_shared>>)
        tpu.yield
      }) : () -> ()
    } else {
    }
    %eq3A_65 = arith.constant 13 : i32
    %eq3A_66 = arith.cmpi eq, %arg1, %eq3A_65 : i32
    %convert_element_type3A_67 = arith.extui %eq3A_66 : i1 to i32
    %cond3A_68 = arith.constant 0 : i32
    %cond3A_69 = arith.cmpi ne, %convert_element_type3A_67, %cond3A_68 : i32
    scf.if %cond3A_69 {
      "tpu.region"() ({
        %run_scoped3A = tpu.sem_alloc : memref<!tpu.dma_semaphore, #tpu.memory_space<semaphore_mem>>
        %dma_start3A_1521 = arith.constant 819 : i32
        %dma_start3A_1522 = arith.constant 0 : i32
        %dma_start3A_1523 = tpu.memref_slice %arg11[%dma_start3A_1521, %dma_start3A_1522] : memref<1001x1024xf32, #tpu.memory_space<vmem_shared>> -> memref<63x1024xf32, #tpu.memory_space<vmem_shared>>
        %dma_start3A_1524 = arith.constant 819 : i32
        %dma_start3A_1525 = arith.constant 0 : i32
        %dma_start3A_1526 = tpu.memref_slice %arg4[%dma_start3A_1524, %dma_start3A_1525] : memref<1001x1024xf32, #tpu.memory_space<hbm>> -> memref<63x1024xf32, #tpu.memory_space<hbm>>
        tpu.enqueue_dma source(%dma_start3A_1526 : memref<63x1024xf32, #tpu.memory_space<hbm>>) target(%dma_start3A_1523 : memref<63x1024xf32, #tpu.memory_space<vmem_shared>>) target_semaphore(%run_scoped3A : memref<!tpu.dma_semaphore, #tpu.memory_space<semaphore_mem>>)
        %dma_wait3A_1527 = arith.constant 819 : i32
        %dma_wait3A_1528 = arith.constant 0 : i32
        %dma_wait3A_1529 = tpu.memref_slice %arg11[%dma_wait3A_1527, %dma_wait3A_1528] : memref<1001x1024xf32, #tpu.memory_space<vmem_shared>> -> memref<63x1024xf32, #tpu.memory_space<vmem_shared>>
        %dma_wait3A_1530 = arith.constant 819 : i32
        %dma_wait3A_1531 = arith.constant 0 : i32
        %dma_wait3A_1532 = tpu.memref_slice %arg4[%dma_wait3A_1530, %dma_wait3A_1531] : memref<1001x1024xf32, #tpu.memory_space<hbm>> -> memref<63x1024xf32, #tpu.memory_space<hbm>>
        tpu.wait_dma2 semaphore(%run_scoped3A : memref<!tpu.dma_semaphore, #tpu.memory_space<semaphore_mem>>) src(%dma_wait3A_1532 : memref<63x1024xf32, #tpu.memory_space<hbm>>) dst(%dma_wait3A_1529 : memref<63x1024xf32, #tpu.memory_space<vmem_shared>>)
        tpu.yield
      }) : () -> ()
    } else {
    }
    %eq3A_70 = arith.constant 14 : i32
    %eq3A_71 = arith.cmpi eq, %arg1, %eq3A_70 : i32
    %convert_element_type3A_72 = arith.extui %eq3A_71 : i1 to i32
    %cond3A_73 = arith.constant 0 : i32
    %cond3A_74 = arith.cmpi ne, %convert_element_type3A_72, %cond3A_73 : i32
    scf.if %cond3A_74 {
      "tpu.region"() ({
        %run_scoped3A = tpu.sem_alloc : memref<!tpu.dma_semaphore, #tpu.memory_space<semaphore_mem>>
        %dma_start3A_1521 = arith.constant 882 : i32
        %dma_start3A_1522 = arith.constant 0 : i32
        %dma_start3A_1523 = tpu.memref_slice %arg11[%dma_start3A_1521, %dma_start3A_1522] : memref<1001x1024xf32, #tpu.memory_space<vmem_shared>> -> memref<63x1024xf32, #tpu.memory_space<vmem_shared>>
        %dma_start3A_1524 = arith.constant 882 : i32
        %dma_start3A_1525 = arith.constant 0 : i32
        %dma_start3A_1526 = tpu.memref_slice %arg4[%dma_start3A_1524, %dma_start3A_1525] : memref<1001x1024xf32, #tpu.memory_space<hbm>> -> memref<63x1024xf32, #tpu.memory_space<hbm>>
        tpu.enqueue_dma source(%dma_start3A_1526 : memref<63x1024xf32, #tpu.memory_space<hbm>>) target(%dma_start3A_1523 : memref<63x1024xf32, #tpu.memory_space<vmem_shared>>) target_semaphore(%run_scoped3A : memref<!tpu.dma_semaphore, #tpu.memory_space<semaphore_mem>>)
        %dma_wait3A_1527 = arith.constant 882 : i32
        %dma_wait3A_1528 = arith.constant 0 : i32
        %dma_wait3A_1529 = tpu.memref_slice %arg11[%dma_wait3A_1527, %dma_wait3A_1528] : memref<1001x1024xf32, #tpu.memory_space<vmem_shared>> -> memref<63x1024xf32, #tpu.memory_space<vmem_shared>>
        %dma_wait3A_1530 = arith.constant 882 : i32
        %dma_wait3A_1531 = arith.constant 0 : i32
        %dma_wait3A_1532 = tpu.memref_slice %arg4[%dma_wait3A_1530, %dma_wait3A_1531] : memref<1001x1024xf32, #tpu.memory_space<hbm>> -> memref<63x1024xf32, #tpu.memory_space<hbm>>
        tpu.wait_dma2 semaphore(%run_scoped3A : memref<!tpu.dma_semaphore, #tpu.memory_space<semaphore_mem>>) src(%dma_wait3A_1532 : memref<63x1024xf32, #tpu.memory_space<hbm>>) dst(%dma_wait3A_1529 : memref<63x1024xf32, #tpu.memory_space<vmem_shared>>)
        tpu.yield
      }) : () -> ()
    } else {
    }
    %eq3A_75 = arith.constant 15 : i32
    %eq3A_76 = arith.cmpi eq, %arg1, %eq3A_75 : i32
    %convert_element_type3A_77 = arith.extui %eq3A_76 : i1 to i32
    %cond3A_78 = arith.constant 0 : i32
    %cond3A_79 = arith.cmpi ne, %convert_element_type3A_77, %cond3A_78 : i32
    scf.if %cond3A_79 {
      "tpu.region"() ({
        %run_scoped3A = tpu.sem_alloc : memref<!tpu.dma_semaphore, #tpu.memory_space<semaphore_mem>>
        %dma_start3A_1521 = arith.constant 945 : i32
        %dma_start3A_1522 = arith.constant 0 : i32
        %dma_start3A_1523 = tpu.memref_slice %arg11[%dma_start3A_1521, %dma_start3A_1522] : memref<1001x1024xf32, #tpu.memory_space<vmem_shared>> -> memref<56x1024xf32, #tpu.memory_space<vmem_shared>>
        %dma_start3A_1524 = arith.constant 945 : i32
        %dma_start3A_1525 = arith.constant 0 : i32
        %dma_start3A_1526 = tpu.memref_slice %arg4[%dma_start3A_1524, %dma_start3A_1525] : memref<1001x1024xf32, #tpu.memory_space<hbm>> -> memref<56x1024xf32, #tpu.memory_space<hbm>>
        tpu.enqueue_dma source(%dma_start3A_1526 : memref<56x1024xf32, #tpu.memory_space<hbm>>) target(%dma_start3A_1523 : memref<56x1024xf32, #tpu.memory_space<vmem_shared>>) target_semaphore(%run_scoped3A : memref<!tpu.dma_semaphore, #tpu.memory_space<semaphore_mem>>)
        %dma_wait3A_1527 = arith.constant 945 : i32
        %dma_wait3A_1528 = arith.constant 0 : i32
        %dma_wait3A_1529 = tpu.memref_slice %arg11[%dma_wait3A_1527, %dma_wait3A_1528] : memref<1001x1024xf32, #tpu.memory_space<vmem_shared>> -> memref<56x1024xf32, #tpu.memory_space<vmem_shared>>
        %dma_wait3A_1530 = arith.constant 945 : i32
        %dma_wait3A_1531 = arith.constant 0 : i32
        %dma_wait3A_1532 = tpu.memref_slice %arg4[%dma_wait3A_1530, %dma_wait3A_1531] : memref<1001x1024xf32, #tpu.memory_space<hbm>> -> memref<56x1024xf32, #tpu.memory_space<hbm>>
        tpu.wait_dma2 semaphore(%run_scoped3A : memref<!tpu.dma_semaphore, #tpu.memory_space<semaphore_mem>>) src(%dma_wait3A_1532 : memref<56x1024xf32, #tpu.memory_space<hbm>>) dst(%dma_wait3A_1529 : memref<56x1024xf32, #tpu.memory_space<vmem_shared>>)
        tpu.yield
      }) : () -> ()
    } else {
    }
    %dma_start3A = tpu.memref_slice %arg2[%mul3A_2] : memref<16384xi32, #tpu.memory_space<hbm>> -> memref<512xi32, #tpu.memory_space<hbm>>
    %dma_start3A_80 = tpu.memref_slice %arg2[%mul3A_2] : memref<16384xi32, #tpu.memory_space<hbm>> -> memref<512xi32, #tpu.memory_space<hbm>>
    tpu.enqueue_dma source(%dma_start3A_80 : memref<512xi32, #tpu.memory_space<hbm>>) target(%arg6 : memref<512xi32, #tpu.memory_space<vmem>>) target_semaphore(%arg12 : memref<!tpu.dma_semaphore, #tpu.memory_space<semaphore_mem>>)
    %dma_wait3A = tpu.memref_slice %arg2[%mul3A_2] : memref<16384xi32, #tpu.memory_space<hbm>> -> memref<512xi32, #tpu.memory_space<hbm>>
    %dma_wait3A_81 = tpu.memref_slice %arg2[%mul3A_2] : memref<16384xi32, #tpu.memory_space<hbm>> -> memref<512xi32, #tpu.memory_space<hbm>>
    tpu.wait_dma2 semaphore(%arg12 : memref<!tpu.dma_semaphore, #tpu.memory_space<semaphore_mem>>) src(%dma_wait3A_81 : memref<512xi32, #tpu.memory_space<hbm>>) dst(%arg6 : memref<512xi32, #tpu.memory_space<vmem>>)
    %dma_start3A_82 = tpu.memref_slice %arg3[%mul3A_2] : memref<16384xi32, #tpu.memory_space<hbm>> -> memref<512xi32, #tpu.memory_space<hbm>>
    %dma_start3A_83 = tpu.memref_slice %arg3[%mul3A_2] : memref<16384xi32, #tpu.memory_space<hbm>> -> memref<512xi32, #tpu.memory_space<hbm>>
    tpu.enqueue_dma source(%dma_start3A_83 : memref<512xi32, #tpu.memory_space<hbm>>) target(%arg7 : memref<512xi32, #tpu.memory_space<vmem>>) target_semaphore(%arg12 : memref<!tpu.dma_semaphore, #tpu.memory_space<semaphore_mem>>)
    %dma_wait3A_84 = tpu.memref_slice %arg3[%mul3A_2] : memref<16384xi32, #tpu.memory_space<hbm>> -> memref<512xi32, #tpu.memory_space<hbm>>
    %dma_wait3A_85 = tpu.memref_slice %arg3[%mul3A_2] : memref<16384xi32, #tpu.memory_space<hbm>> -> memref<512xi32, #tpu.memory_space<hbm>>
    tpu.wait_dma2 semaphore(%arg12 : memref<!tpu.dma_semaphore, #tpu.memory_space<semaphore_mem>>) src(%dma_wait3A_85 : memref<512xi32, #tpu.memory_space<hbm>>) dst(%arg7 : memref<512xi32, #tpu.memory_space<vmem>>)
    %get3A = arith.constant 0 : index
    %get3A_86 = tpu.vector_load %arg7[%get3A] {strides = array<i32>} : memref<512xi32, #tpu.memory_space<vmem>>, vector<16xi32>,
    %get3A_87 = vector.shape_cast %get3A_86 : vector<16xi32> to vector<16xi32>
    %eq3A_88 = arith.constant 1 : i32
    %eq3A_89 = vector.broadcast %eq3A_88 : i32 to vector<16xi32>
    %eq3A_90 = arith.cmpi eq, %get3A_87, %eq3A_89 : vector<16xi32>
    %get3A_91 = arith.constant 0 : index
    %get3A_92 = tpu.vector_load %arg6[%get3A_91] {strides = array<i32>} : memref<512xi32, #tpu.memory_space<vmem>>, vector<16xi32>,
    %get3A_93 = vector.shape_cast %get3A_92 : vector<16xi32> to vector<16xi32>
    %jit3A = arith.constant 1000 : i32
    %broadcast_in_dim3A = vector.broadcast %jit3A : i32 to vector<16xi32>
    %select_n3A = arith.select %eq3A_90, %broadcast_in_dim3A, %get3A_93 : vector<16xi1>, vector<16xi32>
    %swap3A = arith.constant 0 : index
    %swap3A_94 = tpu.vector_load %arg6[%swap3A] {strides = array<i32>} : memref<512xi32, #tpu.memory_space<vmem>>, vector<16xi32>,
    %swap3A_95 = vector.shape_cast %swap3A_94 : vector<16xi32> to vector<16xi32>
    %swap3A_96 = vector.shape_cast %select_n3A : vector<16xi32> to vector<16xi32>
    tpu.vector_store %arg6[%swap3A], %swap3A_96 {strides = array<i32>} : memref<512xi32, #tpu.memory_space<vmem>>, vector<16xi32>,
    %get3A_97 = arith.constant 16 : index
    %get3A_98 = tpu.vector_load %arg7[%get3A_97] {strides = array<i32>} : memref<512xi32, #tpu.memory_space<vmem>>, vector<16xi32>,
    %get3A_99 = vector.shape_cast %get3A_98 : vector<16xi32> to vector<16xi32>
    %eq3A_100 = arith.constant 1 : i32
    %eq3A_101 = vector.broadcast %eq3A_100 : i32 to vector<16xi32>
    %eq3A_102 = arith.cmpi eq, %get3A_99, %eq3A_101 : vector<16xi32>
    %get3A_103 = arith.constant 16 : index
    %get3A_104 = tpu.vector_load %arg6[%get3A_103] {strides = array<i32>} : memref<512xi32, #tpu.memory_space<vmem>>, vector<16xi32>,
    %get3A_105 = vector.shape_cast %get3A_104 : vector<16xi32> to vector<16xi32>
    %jit3A_106 = arith.constant 1000 : i32
    %broadcast_in_dim3A_107 = vector.broadcast %jit3A_106 : i32 to vector<16xi32>
    %select_n3A_108 = arith.select %eq3A_102, %broadcast_in_dim3A_107, %get3A_105 : vector<16xi1>, vector<16xi32>
    %swap3A_109 = arith.constant 16 : index
    %swap3A_110 = tpu.vector_load %arg6[%swap3A_109] {strides = array<i32>} : memref<512xi32, #tpu.memory_space<vmem>>, vector<16xi32>,
    %swap3A_111 = vector.shape_cast %swap3A_110 : vector<16xi32> to vector<16xi32>
    %swap3A_112 = vector.shape_cast %select_n3A_108 : vector<16xi32> to vector<16xi32>
    tpu.vector_store %arg6[%swap3A_109], %swap3A_112 {strides = array<i32>} : memref<512xi32, #tpu.memory_space<vmem>>, vector<16xi32>,
    %get3A_113 = arith.constant 32 : index
    %get3A_114 = tpu.vector_load %arg7[%get3A_113] {strides = array<i32>} : memref<512xi32, #tpu.memory_space<vmem>>, vector<16xi32>,
    %get3A_115 = vector.shape_cast %get3A_114 : vector<16xi32> to vector<16xi32>
    %eq3A_116 = arith.constant 1 : i32
    %eq3A_117 = vector.broadcast %eq3A_116 : i32 to vector<16xi32>
    %eq3A_118 = arith.cmpi eq, %get3A_115, %eq3A_117 : vector<16xi32>
    %get3A_119 = arith.constant 32 : index
    %get3A_120 = tpu.vector_load %arg6[%get3A_119] {strides = array<i32>} : memref<512xi32, #tpu.memory_space<vmem>>, vector<16xi32>,
    %get3A_121 = vector.shape_cast %get3A_120 : vector<16xi32> to vector<16xi32>
    %jit3A_122 = arith.constant 1000 : i32
    %broadcast_in_dim3A_123 = vector.broadcast %jit3A_122 : i32 to vector<16xi32>
    %select_n3A_124 = arith.select %eq3A_118, %broadcast_in_dim3A_123, %get3A_121 : vector<16xi1>, vector<16xi32>
    %swap3A_125 = arith.constant 32 : index
    %swap3A_126 = tpu.vector_load %arg6[%swap3A_125] {strides = array<i32>} : memref<512xi32, #tpu.memory_space<vmem>>, vector<16xi32>,
    %swap3A_127 = vector.shape_cast %swap3A_126 : vector<16xi32> to vector<16xi32>
    %swap3A_128 = vector.shape_cast %select_n3A_124 : vector<16xi32> to vector<16xi32>
    tpu.vector_store %arg6[%swap3A_125], %swap3A_128 {strides = array<i32>} : memref<512xi32, #tpu.memory_space<vmem>>, vector<16xi32>,
    %get3A_129 = arith.constant 48 : index
    %get3A_130 = tpu.vector_load %arg7[%get3A_129] {strides = array<i32>} : memref<512xi32, #tpu.memory_space<vmem>>, vector<16xi32>,
    %get3A_131 = vector.shape_cast %get3A_130 : vector<16xi32> to vector<16xi32>
    %eq3A_132 = arith.constant 1 : i32
    %eq3A_133 = vector.broadcast %eq3A_132 : i32 to vector<16xi32>
    %eq3A_134 = arith.cmpi eq, %get3A_131, %eq3A_133 : vector<16xi32>
    %get3A_135 = arith.constant 48 : index
    %get3A_136 = tpu.vector_load %arg6[%get3A_135] {strides = array<i32>} : memref<512xi32, #tpu.memory_space<vmem>>, vector<16xi32>,
    %get3A_137 = vector.shape_cast %get3A_136 : vector<16xi32> to vector<16xi32>
    %jit3A_138 = arith.constant 1000 : i32
    %broadcast_in_dim3A_139 = vector.broadcast %jit3A_138 : i32 to vector<16xi32>
    %select_n3A_140 = arith.select %eq3A_134, %broadcast_in_dim3A_139, %get3A_137 : vector<16xi1>, vector<16xi32>
    %swap3A_141 = arith.constant 48 : index
    %swap3A_142 = tpu.vector_load %arg6[%swap3A_141] {strides = array<i32>} : memref<512xi32, #tpu.memory_space<vmem>>, vector<16xi32>,
    %swap3A_143 = vector.shape_cast %swap3A_142 : vector<16xi32> to vector<16xi32>
    %swap3A_144 = vector.shape_cast %select_n3A_140 : vector<16xi32> to vector<16xi32>
    tpu.vector_store %arg6[%swap3A_141], %swap3A_144 {strides = array<i32>} : memref<512xi32, #tpu.memory_space<vmem>>, vector<16xi32>,
    %get3A_145 = arith.constant 64 : index
    %get3A_146 = tpu.vector_load %arg7[%get3A_145] {strides = array<i32>} : memref<512xi32, #tpu.memory_space<vmem>>, vector<16xi32>,
    %get3A_147 = vector.shape_cast %get3A_146 : vector<16xi32> to vector<16xi32>
    %eq3A_148 = arith.constant 1 : i32
    %eq3A_149 = vector.broadcast %eq3A_148 : i32 to vector<16xi32>
    %eq3A_150 = arith.cmpi eq, %get3A_147, %eq3A_149 : vector<16xi32>
    %get3A_151 = arith.constant 64 : index
    %get3A_152 = tpu.vector_load %arg6[%get3A_151] {strides = array<i32>} : memref<512xi32, #tpu.memory_space<vmem>>, vector<16xi32>,
    %get3A_153 = vector.shape_cast %get3A_152 : vector<16xi32> to vector<16xi32>
    %jit3A_154 = arith.constant 1000 : i32
    %broadcast_in_dim3A_155 = vector.broadcast %jit3A_154 : i32 to vector<16xi32>
    %select_n3A_156 = arith.select %eq3A_150, %broadcast_in_dim3A_155, %get3A_153 : vector<16xi1>, vector<16xi32>
    %swap3A_157 = arith.constant 64 : index
    %swap3A_158 = tpu.vector_load %arg6[%swap3A_157] {strides = array<i32>} : memref<512xi32, #tpu.memory_space<vmem>>, vector<16xi32>,
    %swap3A_159 = vector.shape_cast %swap3A_158 : vector<16xi32> to vector<16xi32>
    %swap3A_160 = vector.shape_cast %select_n3A_156 : vector<16xi32> to vector<16xi32>
    tpu.vector_store %arg6[%swap3A_157], %swap3A_160 {strides = array<i32>} : memref<512xi32, #tpu.memory_space<vmem>>, vector<16xi32>,
    %get3A_161 = arith.constant 80 : index
    %get3A_162 = tpu.vector_load %arg7[%get3A_161] {strides = array<i32>} : memref<512xi32, #tpu.memory_space<vmem>>, vector<16xi32>,
    %get3A_163 = vector.shape_cast %get3A_162 : vector<16xi32> to vector<16xi32>
    %eq3A_164 = arith.constant 1 : i32
    %eq3A_165 = vector.broadcast %eq3A_164 : i32 to vector<16xi32>
    %eq3A_166 = arith.cmpi eq, %get3A_163, %eq3A_165 : vector<16xi32>
    %get3A_167 = arith.constant 80 : index
    %get3A_168 = tpu.vector_load %arg6[%get3A_167] {strides = array<i32>} : memref<512xi32, #tpu.memory_space<vmem>>, vector<16xi32>,
    %get3A_169 = vector.shape_cast %get3A_168 : vector<16xi32> to vector<16xi32>
    %jit3A_170 = arith.constant 1000 : i32
    %broadcast_in_dim3A_171 = vector.broadcast %jit3A_170 : i32 to vector<16xi32>
    %select_n3A_172 = arith.select %eq3A_166, %broadcast_in_dim3A_171, %get3A_169 : vector<16xi1>, vector<16xi32>
    %swap3A_173 = arith.constant 80 : index
    %swap3A_174 = tpu.vector_load %arg6[%swap3A_173] {strides = array<i32>} : memref<512xi32, #tpu.memory_space<vmem>>, vector<16xi32>,
    %swap3A_175 = vector.shape_cast %swap3A_174 : vector<16xi32> to vector<16xi32>
    %swap3A_176 = vector.shape_cast %select_n3A_172 : vector<16xi32> to vector<16xi32>
    tpu.vector_store %arg6[%swap3A_173], %swap3A_176 {strides = array<i32>} : memref<512xi32, #tpu.memory_space<vmem>>, vector<16xi32>,
    %get3A_177 = arith.constant 96 : index
    %get3A_178 = tpu.vector_load %arg7[%get3A_177] {strides = array<i32>} : memref<512xi32, #tpu.memory_space<vmem>>, vector<16xi32>,
    %get3A_179 = vector.shape_cast %get3A_178 : vector<16xi32> to vector<16xi32>
    %eq3A_180 = arith.constant 1 : i32
    %eq3A_181 = vector.broadcast %eq3A_180 : i32 to vector<16xi32>
    %eq3A_182 = arith.cmpi eq, %get3A_179, %eq3A_181 : vector<16xi32>
    %get3A_183 = arith.constant 96 : index
    %get3A_184 = tpu.vector_load %arg6[%get3A_183] {strides = array<i32>} : memref<512xi32, #tpu.memory_space<vmem>>, vector<16xi32>,
    %get3A_185 = vector.shape_cast %get3A_184 : vector<16xi32> to vector<16xi32>
    %jit3A_186 = arith.constant 1000 : i32
    %broadcast_in_dim3A_187 = vector.broadcast %jit3A_186 : i32 to vector<16xi32>
    %select_n3A_188 = arith.select %eq3A_182, %broadcast_in_dim3A_187, %get3A_185 : vector<16xi1>, vector<16xi32>
    %swap3A_189 = arith.constant 96 : index
    %swap3A_190 = tpu.vector_load %arg6[%swap3A_189] {strides = array<i32>} : memref<512xi32, #tpu.memory_space<vmem>>, vector<16xi32>,
    %swap3A_191 = vector.shape_cast %swap3A_190 : vector<16xi32> to vector<16xi32>
    %swap3A_192 = vector.shape_cast %select_n3A_188 : vector<16xi32> to vector<16xi32>
    tpu.vector_store %arg6[%swap3A_189], %swap3A_192 {strides = array<i32>} : memref<512xi32, #tpu.memory_space<vmem>>, vector<16xi32>,
    %get3A_193 = arith.constant 112 : index
    %get3A_194 = tpu.vector_load %arg7[%get3A_193] {strides = array<i32>} : memref<512xi32, #tpu.memory_space<vmem>>, vector<16xi32>,
    %get3A_195 = vector.shape_cast %get3A_194 : vector<16xi32> to vector<16xi32>
    %eq3A_196 = arith.constant 1 : i32
    %eq3A_197 = vector.broadcast %eq3A_196 : i32 to vector<16xi32>
    %eq3A_198 = arith.cmpi eq, %get3A_195, %eq3A_197 : vector<16xi32>
    %get3A_199 = arith.constant 112 : index
    %get3A_200 = tpu.vector_load %arg6[%get3A_199] {strides = array<i32>} : memref<512xi32, #tpu.memory_space<vmem>>, vector<16xi32>,
    %get3A_201 = vector.shape_cast %get3A_200 : vector<16xi32> to vector<16xi32>
    %jit3A_202 = arith.constant 1000 : i32
    %broadcast_in_dim3A_203 = vector.broadcast %jit3A_202 : i32 to vector<16xi32>
    %select_n3A_204 = arith.select %eq3A_198, %broadcast_in_dim3A_203, %get3A_201 : vector<16xi1>, vector<16xi32>
    %swap3A_205 = arith.constant 112 : index
    %swap3A_206 = tpu.vector_load %arg6[%swap3A_205] {strides = array<i32>} : memref<512xi32, #tpu.memory_space<vmem>>, vector<16xi32>,
    %swap3A_207 = vector.shape_cast %swap3A_206 : vector<16xi32> to vector<16xi32>
    %swap3A_208 = vector.shape_cast %select_n3A_204 : vector<16xi32> to vector<16xi32>
    tpu.vector_store %arg6[%swap3A_205], %swap3A_208 {strides = array<i32>} : memref<512xi32, #tpu.memory_space<vmem>>, vector<16xi32>,
    %get3A_209 = arith.constant 128 : index
    %get3A_210 = tpu.vector_load %arg7[%get3A_209] {strides = array<i32>} : memref<512xi32, #tpu.memory_space<vmem>>, vector<16xi32>,
    %get3A_211 = vector.shape_cast %get3A_210 : vector<16xi32> to vector<16xi32>
    %eq3A_212 = arith.constant 1 : i32
    %eq3A_213 = vector.broadcast %eq3A_212 : i32 to vector<16xi32>
    %eq3A_214 = arith.cmpi eq, %get3A_211, %eq3A_213 : vector<16xi32>
    %get3A_215 = arith.constant 128 : index
    %get3A_216 = tpu.vector_load %arg6[%get3A_215] {strides = array<i32>} : memref<512xi32, #tpu.memory_space<vmem>>, vector<16xi32>,
    %get3A_217 = vector.shape_cast %get3A_216 : vector<16xi32> to vector<16xi32>
    %jit3A_218 = arith.constant 1000 : i32
    %broadcast_in_dim3A_219 = vector.broadcast %jit3A_218 : i32 to vector<16xi32>
    %select_n3A_220 = arith.select %eq3A_214, %broadcast_in_dim3A_219, %get3A_217 : vector<16xi1>, vector<16xi32>
    %swap3A_221 = arith.constant 128 : index
    %swap3A_222 = tpu.vector_load %arg6[%swap3A_221] {strides = array<i32>} : memref<512xi32, #tpu.memory_space<vmem>>, vector<16xi32>,
    %swap3A_223 = vector.shape_cast %swap3A_222 : vector<16xi32> to vector<16xi32>
    %swap3A_224 = vector.shape_cast %select_n3A_220 : vector<16xi32> to vector<16xi32>
    tpu.vector_store %arg6[%swap3A_221], %swap3A_224 {strides = array<i32>} : memref<512xi32, #tpu.memory_space<vmem>>, vector<16xi32>,
    %get3A_225 = arith.constant 144 : index
    %get3A_226 = tpu.vector_load %arg7[%get3A_225] {strides = array<i32>} : memref<512xi32, #tpu.memory_space<vmem>>, vector<16xi32>,
    %get3A_227 = vector.shape_cast %get3A_226 : vector<16xi32> to vector<16xi32>
    %eq3A_228 = arith.constant 1 : i32
    %eq3A_229 = vector.broadcast %eq3A_228 : i32 to vector<16xi32>
    %eq3A_230 = arith.cmpi eq, %get3A_227, %eq3A_229 : vector<16xi32>
    %get3A_231 = arith.constant 144 : index
    %get3A_232 = tpu.vector_load %arg6[%get3A_231] {strides = array<i32>} : memref<512xi32, #tpu.memory_space<vmem>>, vector<16xi32>,
    %get3A_233 = vector.shape_cast %get3A_232 : vector<16xi32> to vector<16xi32>
    %jit3A_234 = arith.constant 1000 : i32
    %broadcast_in_dim3A_235 = vector.broadcast %jit3A_234 : i32 to vector<16xi32>
    %select_n3A_236 = arith.select %eq3A_230, %broadcast_in_dim3A_235, %get3A_233 : vector<16xi1>, vector<16xi32>
    %swap3A_237 = arith.constant 144 : index
    %swap3A_238 = tpu.vector_load %arg6[%swap3A_237] {strides = array<i32>} : memref<512xi32, #tpu.memory_space<vmem>>, vector<16xi32>,
    %swap3A_239 = vector.shape_cast %swap3A_238 : vector<16xi32> to vector<16xi32>
    %swap3A_240 = vector.shape_cast %select_n3A_236 : vector<16xi32> to vector<16xi32>
    tpu.vector_store %arg6[%swap3A_237], %swap3A_240 {strides = array<i32>} : memref<512xi32, #tpu.memory_space<vmem>>, vector<16xi32>,
    %get3A_241 = arith.constant 160 : index
    %get3A_242 = tpu.vector_load %arg7[%get3A_241] {strides = array<i32>} : memref<512xi32, #tpu.memory_space<vmem>>, vector<16xi32>,
    %get3A_243 = vector.shape_cast %get3A_242 : vector<16xi32> to vector<16xi32>
    %eq3A_244 = arith.constant 1 : i32
    %eq3A_245 = vector.broadcast %eq3A_244 : i32 to vector<16xi32>
    %eq3A_246 = arith.cmpi eq, %get3A_243, %eq3A_245 : vector<16xi32>
    %get3A_247 = arith.constant 160 : index
    %get3A_248 = tpu.vector_load %arg6[%get3A_247] {strides = array<i32>} : memref<512xi32, #tpu.memory_space<vmem>>, vector<16xi32>,
    %get3A_249 = vector.shape_cast %get3A_248 : vector<16xi32> to vector<16xi32>
    %jit3A_250 = arith.constant 1000 : i32
    %broadcast_in_dim3A_251 = vector.broadcast %jit3A_250 : i32 to vector<16xi32>
    %select_n3A_252 = arith.select %eq3A_246, %broadcast_in_dim3A_251, %get3A_249 : vector<16xi1>, vector<16xi32>
    %swap3A_253 = arith.constant 160 : index
    %swap3A_254 = tpu.vector_load %arg6[%swap3A_253] {strides = array<i32>} : memref<512xi32, #tpu.memory_space<vmem>>, vector<16xi32>,
    %swap3A_255 = vector.shape_cast %swap3A_254 : vector<16xi32> to vector<16xi32>
    %swap3A_256 = vector.shape_cast %select_n3A_252 : vector<16xi32> to vector<16xi32>
    tpu.vector_store %arg6[%swap3A_253], %swap3A_256 {strides = array<i32>} : memref<512xi32, #tpu.memory_space<vmem>>, vector<16xi32>,
    %get3A_257 = arith.constant 176 : index
    %get3A_258 = tpu.vector_load %arg7[%get3A_257] {strides = array<i32>} : memref<512xi32, #tpu.memory_space<vmem>>, vector<16xi32>,
    %get3A_259 = vector.shape_cast %get3A_258 : vector<16xi32> to vector<16xi32>
    %eq3A_260 = arith.constant 1 : i32
    %eq3A_261 = vector.broadcast %eq3A_260 : i32 to vector<16xi32>
    %eq3A_262 = arith.cmpi eq, %get3A_259, %eq3A_261 : vector<16xi32>
    %get3A_263 = arith.constant 176 : index
    %get3A_264 = tpu.vector_load %arg6[%get3A_263] {strides = array<i32>} : memref<512xi32, #tpu.memory_space<vmem>>, vector<16xi32>,
    %get3A_265 = vector.shape_cast %get3A_264 : vector<16xi32> to vector<16xi32>
    %jit3A_266 = arith.constant 1000 : i32
    %broadcast_in_dim3A_267 = vector.broadcast %jit3A_266 : i32 to vector<16xi32>
    %select_n3A_268 = arith.select %eq3A_262, %broadcast_in_dim3A_267, %get3A_265 : vector<16xi1>, vector<16xi32>
    %swap3A_269 = arith.constant 176 : index
    %swap3A_270 = tpu.vector_load %arg6[%swap3A_269] {strides = array<i32>} : memref<512xi32, #tpu.memory_space<vmem>>, vector<16xi32>,
    %swap3A_271 = vector.shape_cast %swap3A_270 : vector<16xi32> to vector<16xi32>
    %swap3A_272 = vector.shape_cast %select_n3A_268 : vector<16xi32> to vector<16xi32>
    tpu.vector_store %arg6[%swap3A_269], %swap3A_272 {strides = array<i32>} : memref<512xi32, #tpu.memory_space<vmem>>, vector<16xi32>,
    %get3A_273 = arith.constant 192 : index
    %get3A_274 = tpu.vector_load %arg7[%get3A_273] {strides = array<i32>} : memref<512xi32, #tpu.memory_space<vmem>>, vector<16xi32>,
    %get3A_275 = vector.shape_cast %get3A_274 : vector<16xi32> to vector<16xi32>
    %eq3A_276 = arith.constant 1 : i32
    %eq3A_277 = vector.broadcast %eq3A_276 : i32 to vector<16xi32>
    %eq3A_278 = arith.cmpi eq, %get3A_275, %eq3A_277 : vector<16xi32>
    %get3A_279 = arith.constant 192 : index
    %get3A_280 = tpu.vector_load %arg6[%get3A_279] {strides = array<i32>} : memref<512xi32, #tpu.memory_space<vmem>>, vector<16xi32>,
    %get3A_281 = vector.shape_cast %get3A_280 : vector<16xi32> to vector<16xi32>
    %jit3A_282 = arith.constant 1000 : i32
    %broadcast_in_dim3A_283 = vector.broadcast %jit3A_282 : i32 to vector<16xi32>
    %select_n3A_284 = arith.select %eq3A_278, %broadcast_in_dim3A_283, %get3A_281 : vector<16xi1>, vector<16xi32>
    %swap3A_285 = arith.constant 192 : index
    %swap3A_286 = tpu.vector_load %arg6[%swap3A_285] {strides = array<i32>} : memref<512xi32, #tpu.memory_space<vmem>>, vector<16xi32>,
    %swap3A_287 = vector.shape_cast %swap3A_286 : vector<16xi32> to vector<16xi32>
    %swap3A_288 = vector.shape_cast %select_n3A_284 : vector<16xi32> to vector<16xi32>
    tpu.vector_store %arg6[%swap3A_285], %swap3A_288 {strides = array<i32>} : memref<512xi32, #tpu.memory_space<vmem>>, vector<16xi32>,
    %get3A_289 = arith.constant 208 : index
    %get3A_290 = tpu.vector_load %arg7[%get3A_289] {strides = array<i32>} : memref<512xi32, #tpu.memory_space<vmem>>, vector<16xi32>,
    %get3A_291 = vector.shape_cast %get3A_290 : vector<16xi32> to vector<16xi32>
    %eq3A_292 = arith.constant 1 : i32
    %eq3A_293 = vector.broadcast %eq3A_292 : i32 to vector<16xi32>
    %eq3A_294 = arith.cmpi eq, %get3A_291, %eq3A_293 : vector<16xi32>
    %get3A_295 = arith.constant 208 : index
    %get3A_296 = tpu.vector_load %arg6[%get3A_295] {strides = array<i32>} : memref<512xi32, #tpu.memory_space<vmem>>, vector<16xi32>,
    %get3A_297 = vector.shape_cast %get3A_296 : vector<16xi32> to vector<16xi32>
    %jit3A_298 = arith.constant 1000 : i32
    %broadcast_in_dim3A_299 = vector.broadcast %jit3A_298 : i32 to vector<16xi32>
    %select_n3A_300 = arith.select %eq3A_294, %broadcast_in_dim3A_299, %get3A_297 : vector<16xi1>, vector<16xi32>
    %swap3A_301 = arith.constant 208 : index
    %swap3A_302 = tpu.vector_load %arg6[%swap3A_301] {strides = array<i32>} : memref<512xi32, #tpu.memory_space<vmem>>, vector<16xi32>,
    %swap3A_303 = vector.shape_cast %swap3A_302 : vector<16xi32> to vector<16xi32>
    %swap3A_304 = vector.shape_cast %select_n3A_300 : vector<16xi32> to vector<16xi32>
    tpu.vector_store %arg6[%swap3A_301], %swap3A_304 {strides = array<i32>} : memref<512xi32, #tpu.memory_space<vmem>>, vector<16xi32>,
    %get3A_305 = arith.constant 224 : index
    %get3A_306 = tpu.vector_load %arg7[%get3A_305] {strides = array<i32>} : memref<512xi32, #tpu.memory_space<vmem>>, vector<16xi32>,
    %get3A_307 = vector.shape_cast %get3A_306 : vector<16xi32> to vector<16xi32>
    %eq3A_308 = arith.constant 1 : i32
    %eq3A_309 = vector.broadcast %eq3A_308 : i32 to vector<16xi32>
    %eq3A_310 = arith.cmpi eq, %get3A_307, %eq3A_309 : vector<16xi32>
    %get3A_311 = arith.constant 224 : index
    %get3A_312 = tpu.vector_load %arg6[%get3A_311] {strides = array<i32>} : memref<512xi32, #tpu.memory_space<vmem>>, vector<16xi32>,
    %get3A_313 = vector.shape_cast %get3A_312 : vector<16xi32> to vector<16xi32>
    %jit3A_314 = arith.constant 1000 : i32
    %broadcast_in_dim3A_315 = vector.broadcast %jit3A_314 : i32 to vector<16xi32>
    %select_n3A_316 = arith.select %eq3A_310, %broadcast_in_dim3A_315, %get3A_313 : vector<16xi1>, vector<16xi32>
    %swap3A_317 = arith.constant 224 : index
    %swap3A_318 = tpu.vector_load %arg6[%swap3A_317] {strides = array<i32>} : memref<512xi32, #tpu.memory_space<vmem>>, vector<16xi32>,
    %swap3A_319 = vector.shape_cast %swap3A_318 : vector<16xi32> to vector<16xi32>
    %swap3A_320 = vector.shape_cast %select_n3A_316 : vector<16xi32> to vector<16xi32>
    tpu.vector_store %arg6[%swap3A_317], %swap3A_320 {strides = array<i32>} : memref<512xi32, #tpu.memory_space<vmem>>, vector<16xi32>,
    %get3A_321 = arith.constant 240 : index
    %get3A_322 = tpu.vector_load %arg7[%get3A_321] {strides = array<i32>} : memref<512xi32, #tpu.memory_space<vmem>>, vector<16xi32>,
    %get3A_323 = vector.shape_cast %get3A_322 : vector<16xi32> to vector<16xi32>
    %eq3A_324 = arith.constant 1 : i32
    %eq3A_325 = vector.broadcast %eq3A_324 : i32 to vector<16xi32>
    %eq3A_326 = arith.cmpi eq, %get3A_323, %eq3A_325 : vector<16xi32>
    %get3A_327 = arith.constant 240 : index
    %get3A_328 = tpu.vector_load %arg6[%get3A_327] {strides = array<i32>} : memref<512xi32, #tpu.memory_space<vmem>>, vector<16xi32>,
    %get3A_329 = vector.shape_cast %get3A_328 : vector<16xi32> to vector<16xi32>
    %jit3A_330 = arith.constant 1000 : i32
    %broadcast_in_dim3A_331 = vector.broadcast %jit3A_330 : i32 to vector<16xi32>
    %select_n3A_332 = arith.select %eq3A_326, %broadcast_in_dim3A_331, %get3A_329 : vector<16xi1>, vector<16xi32>
    %swap3A_333 = arith.constant 240 : index
    %swap3A_334 = tpu.vector_load %arg6[%swap3A_333] {strides = array<i32>} : memref<512xi32, #tpu.memory_space<vmem>>, vector<16xi32>,
    %swap3A_335 = vector.shape_cast %swap3A_334 : vector<16xi32> to vector<16xi32>
    %swap3A_336 = vector.shape_cast %select_n3A_332 : vector<16xi32> to vector<16xi32>
    tpu.vector_store %arg6[%swap3A_333], %swap3A_336 {strides = array<i32>} : memref<512xi32, #tpu.memory_space<vmem>>, vector<16xi32>,
    %get3A_337 = arith.constant 256 : index
    %get3A_338 = tpu.vector_load %arg7[%get3A_337] {strides = array<i32>} : memref<512xi32, #tpu.memory_space<vmem>>, vector<16xi32>,
    %get3A_339 = vector.shape_cast %get3A_338 : vector<16xi32> to vector<16xi32>
    %eq3A_340 = arith.constant 1 : i32
    %eq3A_341 = vector.broadcast %eq3A_340 : i32 to vector<16xi32>
    %eq3A_342 = arith.cmpi eq, %get3A_339, %eq3A_341 : vector<16xi32>
    %get3A_343 = arith.constant 256 : index
    %get3A_344 = tpu.vector_load %arg6[%get3A_343] {strides = array<i32>} : memref<512xi32, #tpu.memory_space<vmem>>, vector<16xi32>,
    %get3A_345 = vector.shape_cast %get3A_344 : vector<16xi32> to vector<16xi32>
    %jit3A_346 = arith.constant 1000 : i32
    %broadcast_in_dim3A_347 = vector.broadcast %jit3A_346 : i32 to vector<16xi32>
    %select_n3A_348 = arith.select %eq3A_342, %broadcast_in_dim3A_347, %get3A_345 : vector<16xi1>, vector<16xi32>
    %swap3A_349 = arith.constant 256 : index
    %swap3A_350 = tpu.vector_load %arg6[%swap3A_349] {strides = array<i32>} : memref<512xi32, #tpu.memory_space<vmem>>, vector<16xi32>,
    %swap3A_351 = vector.shape_cast %swap3A_350 : vector<16xi32> to vector<16xi32>
    %swap3A_352 = vector.shape_cast %select_n3A_348 : vector<16xi32> to vector<16xi32>
    tpu.vector_store %arg6[%swap3A_349], %swap3A_352 {strides = array<i32>} : memref<512xi32, #tpu.memory_space<vmem>>, vector<16xi32>,
    %get3A_353 = arith.constant 272 : index
    %get3A_354 = tpu.vector_load %arg7[%get3A_353] {strides = array<i32>} : memref<512xi32, #tpu.memory_space<vmem>>, vector<16xi32>,
    %get3A_355 = vector.shape_cast %get3A_354 : vector<16xi32> to vector<16xi32>
    %eq3A_356 = arith.constant 1 : i32
    %eq3A_357 = vector.broadcast %eq3A_356 : i32 to vector<16xi32>
    %eq3A_358 = arith.cmpi eq, %get3A_355, %eq3A_357 : vector<16xi32>
    %get3A_359 = arith.constant 272 : index
    %get3A_360 = tpu.vector_load %arg6[%get3A_359] {strides = array<i32>} : memref<512xi32, #tpu.memory_space<vmem>>, vector<16xi32>,
    %get3A_361 = vector.shape_cast %get3A_360 : vector<16xi32> to vector<16xi32>
    %jit3A_362 = arith.constant 1000 : i32
    %broadcast_in_dim3A_363 = vector.broadcast %jit3A_362 : i32 to vector<16xi32>
    %select_n3A_364 = arith.select %eq3A_358, %broadcast_in_dim3A_363, %get3A_361 : vector<16xi1>, vector<16xi32>
    %swap3A_365 = arith.constant 272 : index
    %swap3A_366 = tpu.vector_load %arg6[%swap3A_365] {strides = array<i32>} : memref<512xi32, #tpu.memory_space<vmem>>, vector<16xi32>,
    %swap3A_367 = vector.shape_cast %swap3A_366 : vector<16xi32> to vector<16xi32>
    %swap3A_368 = vector.shape_cast %select_n3A_364 : vector<16xi32> to vector<16xi32>
    tpu.vector_store %arg6[%swap3A_365], %swap3A_368 {strides = array<i32>} : memref<512xi32, #tpu.memory_space<vmem>>, vector<16xi32>,
    %get3A_369 = arith.constant 288 : index
    %get3A_370 = tpu.vector_load %arg7[%get3A_369] {strides = array<i32>} : memref<512xi32, #tpu.memory_space<vmem>>, vector<16xi32>,
    %get3A_371 = vector.shape_cast %get3A_370 : vector<16xi32> to vector<16xi32>
    %eq3A_372 = arith.constant 1 : i32
    %eq3A_373 = vector.broadcast %eq3A_372 : i32 to vector<16xi32>
    %eq3A_374 = arith.cmpi eq, %get3A_371, %eq3A_373 : vector<16xi32>
    %get3A_375 = arith.constant 288 : index
    %get3A_376 = tpu.vector_load %arg6[%get3A_375] {strides = array<i32>} : memref<512xi32, #tpu.memory_space<vmem>>, vector<16xi32>,
    %get3A_377 = vector.shape_cast %get3A_376 : vector<16xi32> to vector<16xi32>
    %jit3A_378 = arith.constant 1000 : i32
    %broadcast_in_dim3A_379 = vector.broadcast %jit3A_378 : i32 to vector<16xi32>
    %select_n3A_380 = arith.select %eq3A_374, %broadcast_in_dim3A_379, %get3A_377 : vector<16xi1>, vector<16xi32>
    %swap3A_381 = arith.constant 288 : index
    %swap3A_382 = tpu.vector_load %arg6[%swap3A_381] {strides = array<i32>} : memref<512xi32, #tpu.memory_space<vmem>>, vector<16xi32>,
    %swap3A_383 = vector.shape_cast %swap3A_382 : vector<16xi32> to vector<16xi32>
    %swap3A_384 = vector.shape_cast %select_n3A_380 : vector<16xi32> to vector<16xi32>
    tpu.vector_store %arg6[%swap3A_381], %swap3A_384 {strides = array<i32>} : memref<512xi32, #tpu.memory_space<vmem>>, vector<16xi32>,
    %get3A_385 = arith.constant 304 : index
    %get3A_386 = tpu.vector_load %arg7[%get3A_385] {strides = array<i32>} : memref<512xi32, #tpu.memory_space<vmem>>, vector<16xi32>,
    %get3A_387 = vector.shape_cast %get3A_386 : vector<16xi32> to vector<16xi32>
    %eq3A_388 = arith.constant 1 : i32
    %eq3A_389 = vector.broadcast %eq3A_388 : i32 to vector<16xi32>
    %eq3A_390 = arith.cmpi eq, %get3A_387, %eq3A_389 : vector<16xi32>
    %get3A_391 = arith.constant 304 : index
    %get3A_392 = tpu.vector_load %arg6[%get3A_391] {strides = array<i32>} : memref<512xi32, #tpu.memory_space<vmem>>, vector<16xi32>,
    %get3A_393 = vector.shape_cast %get3A_392 : vector<16xi32> to vector<16xi32>
    %jit3A_394 = arith.constant 1000 : i32
    %broadcast_in_dim3A_395 = vector.broadcast %jit3A_394 : i32 to vector<16xi32>
    %select_n3A_396 = arith.select %eq3A_390, %broadcast_in_dim3A_395, %get3A_393 : vector<16xi1>, vector<16xi32>
    %swap3A_397 = arith.constant 304 : index
    %swap3A_398 = tpu.vector_load %arg6[%swap3A_397] {strides = array<i32>} : memref<512xi32, #tpu.memory_space<vmem>>, vector<16xi32>,
    %swap3A_399 = vector.shape_cast %swap3A_398 : vector<16xi32> to vector<16xi32>
    %swap3A_400 = vector.shape_cast %select_n3A_396 : vector<16xi32> to vector<16xi32>
    tpu.vector_store %arg6[%swap3A_397], %swap3A_400 {strides = array<i32>} : memref<512xi32, #tpu.memory_space<vmem>>, vector<16xi32>,
    %get3A_401 = arith.constant 320 : index
    %get3A_402 = tpu.vector_load %arg7[%get3A_401] {strides = array<i32>} : memref<512xi32, #tpu.memory_space<vmem>>, vector<16xi32>,
    %get3A_403 = vector.shape_cast %get3A_402 : vector<16xi32> to vector<16xi32>
    %eq3A_404 = arith.constant 1 : i32
    %eq3A_405 = vector.broadcast %eq3A_404 : i32 to vector<16xi32>
    %eq3A_406 = arith.cmpi eq, %get3A_403, %eq3A_405 : vector<16xi32>
    %get3A_407 = arith.constant 320 : index
    %get3A_408 = tpu.vector_load %arg6[%get3A_407] {strides = array<i32>} : memref<512xi32, #tpu.memory_space<vmem>>, vector<16xi32>,
    %get3A_409 = vector.shape_cast %get3A_408 : vector<16xi32> to vector<16xi32>
    %jit3A_410 = arith.constant 1000 : i32
    %broadcast_in_dim3A_411 = vector.broadcast %jit3A_410 : i32 to vector<16xi32>
    %select_n3A_412 = arith.select %eq3A_406, %broadcast_in_dim3A_411, %get3A_409 : vector<16xi1>, vector<16xi32>
    %swap3A_413 = arith.constant 320 : index
    %swap3A_414 = tpu.vector_load %arg6[%swap3A_413] {strides = array<i32>} : memref<512xi32, #tpu.memory_space<vmem>>, vector<16xi32>,
    %swap3A_415 = vector.shape_cast %swap3A_414 : vector<16xi32> to vector<16xi32>
    %swap3A_416 = vector.shape_cast %select_n3A_412 : vector<16xi32> to vector<16xi32>
    tpu.vector_store %arg6[%swap3A_413], %swap3A_416 {strides = array<i32>} : memref<512xi32, #tpu.memory_space<vmem>>, vector<16xi32>,
    %get3A_417 = arith.constant 336 : index
    %get3A_418 = tpu.vector_load %arg7[%get3A_417] {strides = array<i32>} : memref<512xi32, #tpu.memory_space<vmem>>, vector<16xi32>,
    %get3A_419 = vector.shape_cast %get3A_418 : vector<16xi32> to vector<16xi32>
    %eq3A_420 = arith.constant 1 : i32
    %eq3A_421 = vector.broadcast %eq3A_420 : i32 to vector<16xi32>
    %eq3A_422 = arith.cmpi eq, %get3A_419, %eq3A_421 : vector<16xi32>
    %get3A_423 = arith.constant 336 : index
    %get3A_424 = tpu.vector_load %arg6[%get3A_423] {strides = array<i32>} : memref<512xi32, #tpu.memory_space<vmem>>, vector<16xi32>,
    %get3A_425 = vector.shape_cast %get3A_424 : vector<16xi32> to vector<16xi32>
    %jit3A_426 = arith.constant 1000 : i32
    %broadcast_in_dim3A_427 = vector.broadcast %jit3A_426 : i32 to vector<16xi32>
    %select_n3A_428 = arith.select %eq3A_422, %broadcast_in_dim3A_427, %get3A_425 : vector<16xi1>, vector<16xi32>
    %swap3A_429 = arith.constant 336 : index
    %swap3A_430 = tpu.vector_load %arg6[%swap3A_429] {strides = array<i32>} : memref<512xi32, #tpu.memory_space<vmem>>, vector<16xi32>,
    %swap3A_431 = vector.shape_cast %swap3A_430 : vector<16xi32> to vector<16xi32>
    %swap3A_432 = vector.shape_cast %select_n3A_428 : vector<16xi32> to vector<16xi32>
    tpu.vector_store %arg6[%swap3A_429], %swap3A_432 {strides = array<i32>} : memref<512xi32, #tpu.memory_space<vmem>>, vector<16xi32>,
    %get3A_433 = arith.constant 352 : index
    %get3A_434 = tpu.vector_load %arg7[%get3A_433] {strides = array<i32>} : memref<512xi32, #tpu.memory_space<vmem>>, vector<16xi32>,
    %get3A_435 = vector.shape_cast %get3A_434 : vector<16xi32> to vector<16xi32>
    %eq3A_436 = arith.constant 1 : i32
    %eq3A_437 = vector.broadcast %eq3A_436 : i32 to vector<16xi32>
    %eq3A_438 = arith.cmpi eq, %get3A_435, %eq3A_437 : vector<16xi32>
    %get3A_439 = arith.constant 352 : index
    %get3A_440 = tpu.vector_load %arg6[%get3A_439] {strides = array<i32>} : memref<512xi32, #tpu.memory_space<vmem>>, vector<16xi32>,
    %get3A_441 = vector.shape_cast %get3A_440 : vector<16xi32> to vector<16xi32>
    %jit3A_442 = arith.constant 1000 : i32
    %broadcast_in_dim3A_443 = vector.broadcast %jit3A_442 : i32 to vector<16xi32>
    %select_n3A_444 = arith.select %eq3A_438, %broadcast_in_dim3A_443, %get3A_441 : vector<16xi1>, vector<16xi32>
    %swap3A_445 = arith.constant 352 : index
    %swap3A_446 = tpu.vector_load %arg6[%swap3A_445] {strides = array<i32>} : memref<512xi32, #tpu.memory_space<vmem>>, vector<16xi32>,
    %swap3A_447 = vector.shape_cast %swap3A_446 : vector<16xi32> to vector<16xi32>
    %swap3A_448 = vector.shape_cast %select_n3A_444 : vector<16xi32> to vector<16xi32>
    tpu.vector_store %arg6[%swap3A_445], %swap3A_448 {strides = array<i32>} : memref<512xi32, #tpu.memory_space<vmem>>, vector<16xi32>,
    %get3A_449 = arith.constant 368 : index
    %get3A_450 = tpu.vector_load %arg7[%get3A_449] {strides = array<i32>} : memref<512xi32, #tpu.memory_space<vmem>>, vector<16xi32>,
    %get3A_451 = vector.shape_cast %get3A_450 : vector<16xi32> to vector<16xi32>
    %eq3A_452 = arith.constant 1 : i32
    %eq3A_453 = vector.broadcast %eq3A_452 : i32 to vector<16xi32>
    %eq3A_454 = arith.cmpi eq, %get3A_451, %eq3A_453 : vector<16xi32>
    %get3A_455 = arith.constant 368 : index
    %get3A_456 = tpu.vector_load %arg6[%get3A_455] {strides = array<i32>} : memref<512xi32, #tpu.memory_space<vmem>>, vector<16xi32>,
    %get3A_457 = vector.shape_cast %get3A_456 : vector<16xi32> to vector<16xi32>
    %jit3A_458 = arith.constant 1000 : i32
    %broadcast_in_dim3A_459 = vector.broadcast %jit3A_458 : i32 to vector<16xi32>
    %select_n3A_460 = arith.select %eq3A_454, %broadcast_in_dim3A_459, %get3A_457 : vector<16xi1>, vector<16xi32>
    %swap3A_461 = arith.constant 368 : index
    %swap3A_462 = tpu.vector_load %arg6[%swap3A_461] {strides = array<i32>} : memref<512xi32, #tpu.memory_space<vmem>>, vector<16xi32>,
    %swap3A_463 = vector.shape_cast %swap3A_462 : vector<16xi32> to vector<16xi32>
    %swap3A_464 = vector.shape_cast %select_n3A_460 : vector<16xi32> to vector<16xi32>
    tpu.vector_store %arg6[%swap3A_461], %swap3A_464 {strides = array<i32>} : memref<512xi32, #tpu.memory_space<vmem>>, vector<16xi32>,
    %get3A_465 = arith.constant 384 : index
    %get3A_466 = tpu.vector_load %arg7[%get3A_465] {strides = array<i32>} : memref<512xi32, #tpu.memory_space<vmem>>, vector<16xi32>,
    %get3A_467 = vector.shape_cast %get3A_466 : vector<16xi32> to vector<16xi32>
    %eq3A_468 = arith.constant 1 : i32
    %eq3A_469 = vector.broadcast %eq3A_468 : i32 to vector<16xi32>
    %eq3A_470 = arith.cmpi eq, %get3A_467, %eq3A_469 : vector<16xi32>
    %get3A_471 = arith.constant 384 : index
    %get3A_472 = tpu.vector_load %arg6[%get3A_471] {strides = array<i32>} : memref<512xi32, #tpu.memory_space<vmem>>, vector<16xi32>,
    %get3A_473 = vector.shape_cast %get3A_472 : vector<16xi32> to vector<16xi32>
    %jit3A_474 = arith.constant 1000 : i32
    %broadcast_in_dim3A_475 = vector.broadcast %jit3A_474 : i32 to vector<16xi32>
    %select_n3A_476 = arith.select %eq3A_470, %broadcast_in_dim3A_475, %get3A_473 : vector<16xi1>, vector<16xi32>
    %swap3A_477 = arith.constant 384 : index
    %swap3A_478 = tpu.vector_load %arg6[%swap3A_477] {strides = array<i32>} : memref<512xi32, #tpu.memory_space<vmem>>, vector<16xi32>,
    %swap3A_479 = vector.shape_cast %swap3A_478 : vector<16xi32> to vector<16xi32>
    %swap3A_480 = vector.shape_cast %select_n3A_476 : vector<16xi32> to vector<16xi32>
    tpu.vector_store %arg6[%swap3A_477], %swap3A_480 {strides = array<i32>} : memref<512xi32, #tpu.memory_space<vmem>>, vector<16xi32>,
    %get3A_481 = arith.constant 400 : index
    %get3A_482 = tpu.vector_load %arg7[%get3A_481] {strides = array<i32>} : memref<512xi32, #tpu.memory_space<vmem>>, vector<16xi32>,
    %get3A_483 = vector.shape_cast %get3A_482 : vector<16xi32> to vector<16xi32>
    %eq3A_484 = arith.constant 1 : i32
    %eq3A_485 = vector.broadcast %eq3A_484 : i32 to vector<16xi32>
    %eq3A_486 = arith.cmpi eq, %get3A_483, %eq3A_485 : vector<16xi32>
    %get3A_487 = arith.constant 400 : index
    %get3A_488 = tpu.vector_load %arg6[%get3A_487] {strides = array<i32>} : memref<512xi32, #tpu.memory_space<vmem>>, vector<16xi32>,
    %get3A_489 = vector.shape_cast %get3A_488 : vector<16xi32> to vector<16xi32>
    %jit3A_490 = arith.constant 1000 : i32
    %broadcast_in_dim3A_491 = vector.broadcast %jit3A_490 : i32 to vector<16xi32>
    %select_n3A_492 = arith.select %eq3A_486, %broadcast_in_dim3A_491, %get3A_489 : vector<16xi1>, vector<16xi32>
    %swap3A_493 = arith.constant 400 : index
    %swap3A_494 = tpu.vector_load %arg6[%swap3A_493] {strides = array<i32>} : memref<512xi32, #tpu.memory_space<vmem>>, vector<16xi32>,
    %swap3A_495 = vector.shape_cast %swap3A_494 : vector<16xi32> to vector<16xi32>
    %swap3A_496 = vector.shape_cast %select_n3A_492 : vector<16xi32> to vector<16xi32>
    tpu.vector_store %arg6[%swap3A_493], %swap3A_496 {strides = array<i32>} : memref<512xi32, #tpu.memory_space<vmem>>, vector<16xi32>,
    %get3A_497 = arith.constant 416 : index
    %get3A_498 = tpu.vector_load %arg7[%get3A_497] {strides = array<i32>} : memref<512xi32, #tpu.memory_space<vmem>>, vector<16xi32>,
    %get3A_499 = vector.shape_cast %get3A_498 : vector<16xi32> to vector<16xi32>
    %eq3A_500 = arith.constant 1 : i32
    %eq3A_501 = vector.broadcast %eq3A_500 : i32 to vector<16xi32>
    %eq3A_502 = arith.cmpi eq, %get3A_499, %eq3A_501 : vector<16xi32>
    %get3A_503 = arith.constant 416 : index
    %get3A_504 = tpu.vector_load %arg6[%get3A_503] {strides = array<i32>} : memref<512xi32, #tpu.memory_space<vmem>>, vector<16xi32>,
    %get3A_505 = vector.shape_cast %get3A_504 : vector<16xi32> to vector<16xi32>
    %jit3A_506 = arith.constant 1000 : i32
    %broadcast_in_dim3A_507 = vector.broadcast %jit3A_506 : i32 to vector<16xi32>
    %select_n3A_508 = arith.select %eq3A_502, %broadcast_in_dim3A_507, %get3A_505 : vector<16xi1>, vector<16xi32>
    %swap3A_509 = arith.constant 416 : index
    %swap3A_510 = tpu.vector_load %arg6[%swap3A_509] {strides = array<i32>} : memref<512xi32, #tpu.memory_space<vmem>>, vector<16xi32>,
    %swap3A_511 = vector.shape_cast %swap3A_510 : vector<16xi32> to vector<16xi32>
    %swap3A_512 = vector.shape_cast %select_n3A_508 : vector<16xi32> to vector<16xi32>
    tpu.vector_store %arg6[%swap3A_509], %swap3A_512 {strides = array<i32>} : memref<512xi32, #tpu.memory_space<vmem>>, vector<16xi32>,
    %get3A_513 = arith.constant 432 : index
    %get3A_514 = tpu.vector_load %arg7[%get3A_513] {strides = array<i32>} : memref<512xi32, #tpu.memory_space<vmem>>, vector<16xi32>,
    %get3A_515 = vector.shape_cast %get3A_514 : vector<16xi32> to vector<16xi32>
    %eq3A_516 = arith.constant 1 : i32
    %eq3A_517 = vector.broadcast %eq3A_516 : i32 to vector<16xi32>
    %eq3A_518 = arith.cmpi eq, %get3A_515, %eq3A_517 : vector<16xi32>
    %get3A_519 = arith.constant 432 : index
    %get3A_520 = tpu.vector_load %arg6[%get3A_519] {strides = array<i32>} : memref<512xi32, #tpu.memory_space<vmem>>, vector<16xi32>,
    %get3A_521 = vector.shape_cast %get3A_520 : vector<16xi32> to vector<16xi32>
    %jit3A_522 = arith.constant 1000 : i32
    %broadcast_in_dim3A_523 = vector.broadcast %jit3A_522 : i32 to vector<16xi32>
    %select_n3A_524 = arith.select %eq3A_518, %broadcast_in_dim3A_523, %get3A_521 : vector<16xi1>, vector<16xi32>
    %swap3A_525 = arith.constant 432 : index
    %swap3A_526 = tpu.vector_load %arg6[%swap3A_525] {strides = array<i32>} : memref<512xi32, #tpu.memory_space<vmem>>, vector<16xi32>,
    %swap3A_527 = vector.shape_cast %swap3A_526 : vector<16xi32> to vector<16xi32>
    %swap3A_528 = vector.shape_cast %select_n3A_524 : vector<16xi32> to vector<16xi32>
    tpu.vector_store %arg6[%swap3A_525], %swap3A_528 {strides = array<i32>} : memref<512xi32, #tpu.memory_space<vmem>>, vector<16xi32>,
    %get3A_529 = arith.constant 448 : index
    %get3A_530 = tpu.vector_load %arg7[%get3A_529] {strides = array<i32>} : memref<512xi32, #tpu.memory_space<vmem>>, vector<16xi32>,
    %get3A_531 = vector.shape_cast %get3A_530 : vector<16xi32> to vector<16xi32>
    %eq3A_532 = arith.constant 1 : i32
    %eq3A_533 = vector.broadcast %eq3A_532 : i32 to vector<16xi32>
    %eq3A_534 = arith.cmpi eq, %get3A_531, %eq3A_533 : vector<16xi32>
    %get3A_535 = arith.constant 448 : index
    %get3A_536 = tpu.vector_load %arg6[%get3A_535] {strides = array<i32>} : memref<512xi32, #tpu.memory_space<vmem>>, vector<16xi32>,
    %get3A_537 = vector.shape_cast %get3A_536 : vector<16xi32> to vector<16xi32>
    %jit3A_538 = arith.constant 1000 : i32
    %broadcast_in_dim3A_539 = vector.broadcast %jit3A_538 : i32 to vector<16xi32>
    %select_n3A_540 = arith.select %eq3A_534, %broadcast_in_dim3A_539, %get3A_537 : vector<16xi1>, vector<16xi32>
    %swap3A_541 = arith.constant 448 : index
    %swap3A_542 = tpu.vector_load %arg6[%swap3A_541] {strides = array<i32>} : memref<512xi32, #tpu.memory_space<vmem>>, vector<16xi32>,
    %swap3A_543 = vector.shape_cast %swap3A_542 : vector<16xi32> to vector<16xi32>
    %swap3A_544 = vector.shape_cast %select_n3A_540 : vector<16xi32> to vector<16xi32>
    tpu.vector_store %arg6[%swap3A_541], %swap3A_544 {strides = array<i32>} : memref<512xi32, #tpu.memory_space<vmem>>, vector<16xi32>,
    %get3A_545 = arith.constant 464 : index
    %get3A_546 = tpu.vector_load %arg7[%get3A_545] {strides = array<i32>} : memref<512xi32, #tpu.memory_space<vmem>>, vector<16xi32>,
    %get3A_547 = vector.shape_cast %get3A_546 : vector<16xi32> to vector<16xi32>
    %eq3A_548 = arith.constant 1 : i32
    %eq3A_549 = vector.broadcast %eq3A_548 : i32 to vector<16xi32>
    %eq3A_550 = arith.cmpi eq, %get3A_547, %eq3A_549 : vector<16xi32>
    %get3A_551 = arith.constant 464 : index
    %get3A_552 = tpu.vector_load %arg6[%get3A_551] {strides = array<i32>} : memref<512xi32, #tpu.memory_space<vmem>>, vector<16xi32>,
    %get3A_553 = vector.shape_cast %get3A_552 : vector<16xi32> to vector<16xi32>
    %jit3A_554 = arith.constant 1000 : i32
    %broadcast_in_dim3A_555 = vector.broadcast %jit3A_554 : i32 to vector<16xi32>
    %select_n3A_556 = arith.select %eq3A_550, %broadcast_in_dim3A_555, %get3A_553 : vector<16xi1>, vector<16xi32>
    %swap3A_557 = arith.constant 464 : index
    %swap3A_558 = tpu.vector_load %arg6[%swap3A_557] {strides = array<i32>} : memref<512xi32, #tpu.memory_space<vmem>>, vector<16xi32>,
    %swap3A_559 = vector.shape_cast %swap3A_558 : vector<16xi32> to vector<16xi32>
    %swap3A_560 = vector.shape_cast %select_n3A_556 : vector<16xi32> to vector<16xi32>
    tpu.vector_store %arg6[%swap3A_557], %swap3A_560 {strides = array<i32>} : memref<512xi32, #tpu.memory_space<vmem>>, vector<16xi32>,
    %get3A_561 = arith.constant 480 : index
    %get3A_562 = tpu.vector_load %arg7[%get3A_561] {strides = array<i32>} : memref<512xi32, #tpu.memory_space<vmem>>, vector<16xi32>,
    %get3A_563 = vector.shape_cast %get3A_562 : vector<16xi32> to vector<16xi32>
    %eq3A_564 = arith.constant 1 : i32
    %eq3A_565 = vector.broadcast %eq3A_564 : i32 to vector<16xi32>
    %eq3A_566 = arith.cmpi eq, %get3A_563, %eq3A_565 : vector<16xi32>
    %get3A_567 = arith.constant 480 : index
    %get3A_568 = tpu.vector_load %arg6[%get3A_567] {strides = array<i32>} : memref<512xi32, #tpu.memory_space<vmem>>, vector<16xi32>,
    %get3A_569 = vector.shape_cast %get3A_568 : vector<16xi32> to vector<16xi32>
    %jit3A_570 = arith.constant 1000 : i32
    %broadcast_in_dim3A_571 = vector.broadcast %jit3A_570 : i32 to vector<16xi32>
    %select_n3A_572 = arith.select %eq3A_566, %broadcast_in_dim3A_571, %get3A_569 : vector<16xi1>, vector<16xi32>
    %swap3A_573 = arith.constant 480 : index
    %swap3A_574 = tpu.vector_load %arg6[%swap3A_573] {strides = array<i32>} : memref<512xi32, #tpu.memory_space<vmem>>, vector<16xi32>,
    %swap3A_575 = vector.shape_cast %swap3A_574 : vector<16xi32> to vector<16xi32>
    %swap3A_576 = vector.shape_cast %select_n3A_572 : vector<16xi32> to vector<16xi32>
    tpu.vector_store %arg6[%swap3A_573], %swap3A_576 {strides = array<i32>} : memref<512xi32, #tpu.memory_space<vmem>>, vector<16xi32>,
    %get3A_577 = arith.constant 496 : index
    %get3A_578 = tpu.vector_load %arg7[%get3A_577] {strides = array<i32>} : memref<512xi32, #tpu.memory_space<vmem>>, vector<16xi32>,
    %get3A_579 = vector.shape_cast %get3A_578 : vector<16xi32> to vector<16xi32>
    %eq3A_580 = arith.constant 1 : i32
    %eq3A_581 = vector.broadcast %eq3A_580 : i32 to vector<16xi32>
    %eq3A_582 = arith.cmpi eq, %get3A_579, %eq3A_581 : vector<16xi32>
    %get3A_583 = arith.constant 496 : index
    %get3A_584 = tpu.vector_load %arg6[%get3A_583] {strides = array<i32>} : memref<512xi32, #tpu.memory_space<vmem>>, vector<16xi32>,
    %get3A_585 = vector.shape_cast %get3A_584 : vector<16xi32> to vector<16xi32>
    %jit3A_586 = arith.constant 1000 : i32
    %broadcast_in_dim3A_587 = vector.broadcast %jit3A_586 : i32 to vector<16xi32>
    %select_n3A_588 = arith.select %eq3A_582, %broadcast_in_dim3A_587, %get3A_585 : vector<16xi1>, vector<16xi32>
    %swap3A_589 = arith.constant 496 : index
    %swap3A_590 = tpu.vector_load %arg6[%swap3A_589] {strides = array<i32>} : memref<512xi32, #tpu.memory_space<vmem>>, vector<16xi32>,
    %swap3A_591 = vector.shape_cast %swap3A_590 : vector<16xi32> to vector<16xi32>
    %swap3A_592 = vector.shape_cast %select_n3A_588 : vector<16xi32> to vector<16xi32>
    tpu.vector_store %arg6[%swap3A_589], %swap3A_592 {strides = array<i32>} : memref<512xi32, #tpu.memory_space<vmem>>, vector<16xi32>,
    %barrier3A = arith.constant 0 : index
    tpu.barrier barrier_id(%barrier3A)
    %get3A_593 = arith.constant 0 : index
    %get3A_594 = tpu.vector_load %arg6[%get3A_593] {strides = array<i32>} : memref<512xi32, #tpu.memory_space<vmem>>, vector<16xi32>,
    %get3A_595 = vector.shape_cast %get3A_594 : vector<16xi32> to vector<16xi32>
    %swap3A_596 = arith.constant 0 : index
    %swap3A_597 = tpu.vector_load %arg9[%swap3A_596] {strides = array<i32>} : memref<32xi32, #tpu.memory_space<vmem>>, vector<16xi32>,
    %swap3A_598 = vector.shape_cast %swap3A_597 : vector<16xi32> to vector<16xi32>
    %swap3A_599 = vector.shape_cast %get3A_595 : vector<16xi32> to vector<16xi32>
    tpu.vector_store %arg9[%swap3A_596], %swap3A_599 {strides = array<i32>} : memref<32xi32, #tpu.memory_space<vmem>>, vector<16xi32>,
    %get3A_600 = arith.constant 16 : index
    %get3A_601 = tpu.vector_load %arg6[%get3A_600] {strides = array<i32>} : memref<512xi32, #tpu.memory_space<vmem>>, vector<16xi32>,
    %get3A_602 = vector.shape_cast %get3A_601 : vector<16xi32> to vector<16xi32>
    %swap3A_603 = arith.constant 16 : index
    %swap3A_604 = tpu.vector_load %arg9[%swap3A_603] {strides = array<i32>} : memref<32xi32, #tpu.memory_space<vmem>>, vector<16xi32>,
    %swap3A_605 = vector.shape_cast %swap3A_604 : vector<16xi32> to vector<16xi32>
    %swap3A_606 = vector.shape_cast %get3A_602 : vector<16xi32> to vector<16xi32>
    tpu.vector_store %arg9[%swap3A_603], %swap3A_606 {strides = array<i32>} : memref<32xi32, #tpu.memory_space<vmem>>, vector<16xi32>,
    %dma_start3A_607 = arith.constant 0 : i32
    %dma_start3A_608 = arith.constant 0 : i32
    %dma_start3A_609 = arith.constant 0 : i32
    %dma_start3A_610 = tpu.memref_slice %arg8[%dma_start3A_607, %dma_start3A_608, %dma_start3A_609] : memref<2x32x1024xf32, #tpu.memory_space<vmem>> -> memref<1x32x1024xf32, #tpu.memory_space<vmem>>
    %dma_start3A_611 = tpu.memref_squeeze %dma_start3A_610 : memref<1x32x1024xf32, #tpu.memory_space<vmem>> -> memref<32x1024xf32, #tpu.memory_space<vmem>>
    %dma_start3A_612 = arith.constant 0 : i32
    %dma_start3A_613 = arith.constant 0 : i32
    %dma_start3A_614 = tpu.memref_slice %arg11[%dma_start3A_612, %dma_start3A_613] : memref<1001x1024xf32, #tpu.memory_space<vmem_shared>> -> memref<1001x1024xf32, #tpu.memory_space<vmem_shared>>
    tpu.enqueue_indirect_dma source(%dma_start3A_614 : memref<1001x1024xf32, #tpu.memory_space<vmem_shared>>) target(%dma_start3A_611 : memref<32x1024xf32, #tpu.memory_space<vmem>>) offsets(%arg9 : memref<32xi32, #tpu.memory_space<vmem>>) semaphore(%arg12 : memref<!tpu.dma_semaphore, #tpu.memory_space<semaphore_mem>>)
    %get3A_615 = arith.constant 32 : index
    %get3A_616 = tpu.vector_load %arg6[%get3A_615] {strides = array<i32>} : memref<512xi32, #tpu.memory_space<vmem>>, vector<16xi32>,
    %get3A_617 = vector.shape_cast %get3A_616 : vector<16xi32> to vector<16xi32>
    %swap3A_618 = arith.constant 0 : index
    %swap3A_619 = tpu.vector_load %arg10[%swap3A_618] {strides = array<i32>} : memref<32xi32, #tpu.memory_space<vmem>>, vector<16xi32>,
    %swap3A_620 = vector.shape_cast %swap3A_619 : vector<16xi32> to vector<16xi32>
    %swap3A_621 = vector.shape_cast %get3A_617 : vector<16xi32> to vector<16xi32>
    tpu.vector_store %arg10[%swap3A_618], %swap3A_621 {strides = array<i32>} : memref<32xi32, #tpu.memory_space<vmem>>, vector<16xi32>,
    %get3A_622 = arith.constant 48 : index
    %get3A_623 = tpu.vector_load %arg6[%get3A_622] {strides = array<i32>} : memref<512xi32, #tpu.memory_space<vmem>>, vector<16xi32>,
    %get3A_624 = vector.shape_cast %get3A_623 : vector<16xi32> to vector<16xi32>
    %swap3A_625 = arith.constant 16 : index
    %swap3A_626 = tpu.vector_load %arg10[%swap3A_625] {strides = array<i32>} : memref<32xi32, #tpu.memory_space<vmem>>, vector<16xi32>,
    %swap3A_627 = vector.shape_cast %swap3A_626 : vector<16xi32> to vector<16xi32>
    %swap3A_628 = vector.shape_cast %get3A_624 : vector<16xi32> to vector<16xi32>
    tpu.vector_store %arg10[%swap3A_625], %swap3A_628 {strides = array<i32>} : memref<32xi32, #tpu.memory_space<vmem>>, vector<16xi32>,
    %dma_start3A_629 = arith.constant 1 : i32
    %dma_start3A_630 = arith.constant 0 : i32
    %dma_start3A_631 = arith.constant 0 : i32
    %dma_start3A_632 = tpu.memref_slice %arg8[%dma_start3A_629, %dma_start3A_630, %dma_start3A_631] : memref<2x32x1024xf32, #tpu.memory_space<vmem>> -> memref<1x32x1024xf32, #tpu.memory_space<vmem>>
    %dma_start3A_633 = tpu.memref_squeeze %dma_start3A_632 : memref<1x32x1024xf32, #tpu.memory_space<vmem>> -> memref<32x1024xf32, #tpu.memory_space<vmem>>
    %dma_start3A_634 = arith.constant 0 : i32
    %dma_start3A_635 = arith.constant 0 : i32
    %dma_start3A_636 = tpu.memref_slice %arg11[%dma_start3A_634, %dma_start3A_635] : memref<1001x1024xf32, #tpu.memory_space<vmem_shared>> -> memref<1001x1024xf32, #tpu.memory_space<vmem_shared>>
    tpu.enqueue_indirect_dma source(%dma_start3A_636 : memref<1001x1024xf32, #tpu.memory_space<vmem_shared>>) target(%dma_start3A_633 : memref<32x1024xf32, #tpu.memory_space<vmem>>) offsets(%arg10 : memref<32xi32, #tpu.memory_space<vmem>>) semaphore(%arg12 : memref<!tpu.dma_semaphore, #tpu.memory_space<semaphore_mem>>)
    %dma_wait3A_637 = arith.constant 0 : i32
    %dma_wait3A_638 = arith.constant 0 : i32
    %dma_wait3A_639 = arith.constant 0 : i32
    %dma_wait3A_640 = tpu.memref_slice %arg8[%dma_wait3A_637, %dma_wait3A_638, %dma_wait3A_639] : memref<2x32x1024xf32, #tpu.memory_space<vmem>> -> memref<1x32x1024xf32, #tpu.memory_space<vmem>>
    %dma_wait3A_641 = tpu.memref_squeeze %dma_wait3A_640 : memref<1x32x1024xf32, #tpu.memory_space<vmem>> -> memref<32x1024xf32, #tpu.memory_space<vmem>>
    %dma_wait3A_642 = arith.constant 0 : i32
    %dma_wait3A_643 = arith.constant 0 : i32
    %dma_wait3A_644 = tpu.memref_slice %arg11[%dma_wait3A_642, %dma_wait3A_643] : memref<1001x1024xf32, #tpu.memory_space<vmem_shared>> -> memref<1001x1024xf32, #tpu.memory_space<vmem_shared>>
    tpu.wait_indirect_dma semaphore(%arg12 : memref<!tpu.dma_semaphore, #tpu.memory_space<semaphore_mem>>) src(%dma_wait3A_644 : memref<1001x1024xf32, #tpu.memory_space<vmem_shared>>) dst(%dma_wait3A_641 : memref<32x1024xf32, #tpu.memory_space<vmem>>)
    %add3A_645 = arith.constant 0 : i32
    %add3A_646 = arith.addi %mul3A_2, %add3A_645 : i32
    %dma_start3A_647 = arith.constant 0 : i32
    %dma_start3A_648 = arith.constant 0 : i32
    %dma_start3A_649 = arith.constant 0 : i32
    %dma_start3A_650 = tpu.memref_slice %arg8[%dma_start3A_647, %dma_start3A_648, %dma_start3A_649] : memref<2x32x1024xf32, #tpu.memory_space<vmem>> -> memref<1x32x1024xf32, #tpu.memory_space<vmem>>
    %dma_start3A_651 = tpu.memref_squeeze %dma_start3A_650 : memref<1x32x1024xf32, #tpu.memory_space<vmem>> -> memref<32x1024xf32, #tpu.memory_space<vmem>>
    %dma_start3A_652 = arith.constant 0 : i32
    %dma_start3A_653 = tpu.memref_slice %arg5[%add3A_646, %dma_start3A_652] : memref<16384x1024xf32, #tpu.memory_space<hbm>> -> memref<32x1024xf32, #tpu.memory_space<hbm>>
    %dma_start3A_654 = arith.constant 0 : i32
    %dma_start3A_655 = tpu.memref_slice %arg5[%add3A_646, %dma_start3A_654] : memref<16384x1024xf32, #tpu.memory_space<hbm>> -> memref<32x1024xf32, #tpu.memory_space<hbm>>
    %dma_start3A_656 = arith.constant 0 : i32
    %dma_start3A_657 = arith.constant 0 : i32
    %dma_start3A_658 = tpu.memref_slice %arg8[%dma_start3A_647, %dma_start3A_656, %dma_start3A_657] : memref<2x32x1024xf32, #tpu.memory_space<vmem>> -> memref<1x32x1024xf32, #tpu.memory_space<vmem>>
    %dma_start3A_659 = tpu.memref_squeeze %dma_start3A_658 : memref<1x32x1024xf32, #tpu.memory_space<vmem>> -> memref<32x1024xf32, #tpu.memory_space<vmem>>
    tpu.enqueue_dma source(%dma_start3A_659 : memref<32x1024xf32, #tpu.memory_space<vmem>>) target(%dma_start3A_655 : memref<32x1024xf32, #tpu.memory_space<hbm>>) target_semaphore(%arg13 : memref<!tpu.dma_semaphore, #tpu.memory_space<semaphore_mem>>)
    %dma_wait3A_660 = arith.constant 0 : i32
    %dma_wait3A_661 = arith.constant 0 : i32
    %dma_wait3A_662 = arith.constant 0 : i32
    %dma_wait3A_663 = tpu.memref_slice %arg8[%dma_wait3A_660, %dma_wait3A_661, %dma_wait3A_662] : memref<2x32x1024xf32, #tpu.memory_space<vmem>> -> memref<1x32x1024xf32, #tpu.memory_space<vmem>>
    %dma_wait3A_664 = tpu.memref_squeeze %dma_wait3A_663 : memref<1x32x1024xf32, #tpu.memory_space<vmem>> -> memref<32x1024xf32, #tpu.memory_space<vmem>>
    %dma_wait3A_665 = arith.constant 0 : i32
    %dma_wait3A_666 = tpu.memref_slice %arg5[%add3A_646, %dma_wait3A_665] : memref<16384x1024xf32, #tpu.memory_space<hbm>> -> memref<32x1024xf32, #tpu.memory_space<hbm>>
    %dma_wait3A_667 = arith.constant 0 : i32
    %dma_wait3A_668 = tpu.memref_slice %arg5[%add3A_646, %dma_wait3A_667] : memref<16384x1024xf32, #tpu.memory_space<hbm>> -> memref<32x1024xf32, #tpu.memory_space<hbm>>
    %dma_wait3A_669 = arith.constant 0 : i32
    %dma_wait3A_670 = arith.constant 0 : i32
    %dma_wait3A_671 = tpu.memref_slice %arg8[%dma_wait3A_660, %dma_wait3A_669, %dma_wait3A_670] : memref<2x32x1024xf32, #tpu.memory_space<vmem>> -> memref<1x32x1024xf32, #tpu.memory_space<vmem>>
    %dma_wait3A_672 = tpu.memref_squeeze %dma_wait3A_671 : memref<1x32x1024xf32, #tpu.memory_space<vmem>> -> memref<32x1024xf32, #tpu.memory_space<vmem>>
    tpu.wait_dma2 semaphore(%arg13 : memref<!tpu.dma_semaphore, #tpu.memory_space<semaphore_mem>>) src(%dma_wait3A_672 : memref<32x1024xf32, #tpu.memory_space<vmem>>) dst(%dma_wait3A_668 : memref<32x1024xf32, #tpu.memory_space<hbm>>)
    %get3A_673 = arith.constant 64 : index
    %get3A_674 = tpu.vector_load %arg6[%get3A_673] {strides = array<i32>} : memref<512xi32, #tpu.memory_space<vmem>>, vector<16xi32>,
    %get3A_675 = vector.shape_cast %get3A_674 : vector<16xi32> to vector<16xi32>
    %swap3A_676 = arith.constant 0 : index
    %swap3A_677 = tpu.vector_load %arg9[%swap3A_676] {strides = array<i32>} : memref<32xi32, #tpu.memory_space<vmem>>, vector<16xi32>,
    %swap3A_678 = vector.shape_cast %swap3A_677 : vector<16xi32> to vector<16xi32>
    %swap3A_679 = vector.shape_cast %get3A_675 : vector<16xi32> to vector<16xi32>
    tpu.vector_store %arg9[%swap3A_676], %swap3A_679 {strides = array<i32>} : memref<32xi32, #tpu.memory_space<vmem>>, vector<16xi32>,
    %get3A_680 = arith.constant 80 : index
    %get3A_681 = tpu.vector_load %arg6[%get3A_680] {strides = array<i32>} : memref<512xi32, #tpu.memory_space<vmem>>, vector<16xi32>,
    %get3A_682 = vector.shape_cast %get3A_681 : vector<16xi32> to vector<16xi32>
    %swap3A_683 = arith.constant 16 : index
    %swap3A_684 = tpu.vector_load %arg9[%swap3A_683] {strides = array<i32>} : memref<32xi32, #tpu.memory_space<vmem>>, vector<16xi32>,
    %swap3A_685 = vector.shape_cast %swap3A_684 : vector<16xi32> to vector<16xi32>
    %swap3A_686 = vector.shape_cast %get3A_682 : vector<16xi32> to vector<16xi32>
    tpu.vector_store %arg9[%swap3A_683], %swap3A_686 {strides = array<i32>} : memref<32xi32, #tpu.memory_space<vmem>>, vector<16xi32>,
    %dma_start3A_687 = arith.constant 0 : i32
    %dma_start3A_688 = arith.constant 0 : i32
    %dma_start3A_689 = arith.constant 0 : i32
    %dma_start3A_690 = tpu.memref_slice %arg8[%dma_start3A_687, %dma_start3A_688, %dma_start3A_689] : memref<2x32x1024xf32, #tpu.memory_space<vmem>> -> memref<1x32x1024xf32, #tpu.memory_space<vmem>>
    %dma_start3A_691 = tpu.memref_squeeze %dma_start3A_690 : memref<1x32x1024xf32, #tpu.memory_space<vmem>> -> memref<32x1024xf32, #tpu.memory_space<vmem>>
    %dma_start3A_692 = arith.constant 0 : i32
    %dma_start3A_693 = arith.constant 0 : i32
    %dma_start3A_694 = tpu.memref_slice %arg11[%dma_start3A_692, %dma_start3A_693] : memref<1001x1024xf32, #tpu.memory_space<vmem_shared>> -> memref<1001x1024xf32, #tpu.memory_space<vmem_shared>>
    tpu.enqueue_indirect_dma source(%dma_start3A_694 : memref<1001x1024xf32, #tpu.memory_space<vmem_shared>>) target(%dma_start3A_691 : memref<32x1024xf32, #tpu.memory_space<vmem>>) offsets(%arg9 : memref<32xi32, #tpu.memory_space<vmem>>) semaphore(%arg12 : memref<!tpu.dma_semaphore, #tpu.memory_space<semaphore_mem>>)
    %dma_wait3A_695 = arith.constant 1 : i32
    %dma_wait3A_696 = arith.constant 0 : i32
    %dma_wait3A_697 = arith.constant 0 : i32
    %dma_wait3A_698 = tpu.memref_slice %arg8[%dma_wait3A_695, %dma_wait3A_696, %dma_wait3A_697] : memref<2x32x1024xf32, #tpu.memory_space<vmem>> -> memref<1x32x1024xf32, #tpu.memory_space<vmem>>
    %dma_wait3A_699 = tpu.memref_squeeze %dma_wait3A_698 : memref<1x32x1024xf32, #tpu.memory_space<vmem>> -> memref<32x1024xf32, #tpu.memory_space<vmem>>
    %dma_wait3A_700 = arith.constant 0 : i32
    %dma_wait3A_701 = arith.constant 0 : i32
    %dma_wait3A_702 = tpu.memref_slice %arg11[%dma_wait3A_700, %dma_wait3A_701] : memref<1001x1024xf32, #tpu.memory_space<vmem_shared>> -> memref<1001x1024xf32, #tpu.memory_space<vmem_shared>>
    tpu.wait_indirect_dma semaphore(%arg12 : memref<!tpu.dma_semaphore, #tpu.memory_space<semaphore_mem>>) src(%dma_wait3A_702 : memref<1001x1024xf32, #tpu.memory_space<vmem_shared>>) dst(%dma_wait3A_699 : memref<32x1024xf32, #tpu.memory_space<vmem>>)
    %add3A_703 = arith.constant 32 : i32
    %add3A_704 = arith.addi %mul3A_2, %add3A_703 : i32
    %dma_start3A_705 = arith.constant 1 : i32
    %dma_start3A_706 = arith.constant 0 : i32
    %dma_start3A_707 = arith.constant 0 : i32
    %dma_start3A_708 = tpu.memref_slice %arg8[%dma_start3A_705, %dma_start3A_706, %dma_start3A_707] : memref<2x32x1024xf32, #tpu.memory_space<vmem>> -> memref<1x32x1024xf32, #tpu.memory_space<vmem>>
    %dma_start3A_709 = tpu.memref_squeeze %dma_start3A_708 : memref<1x32x1024xf32, #tpu.memory_space<vmem>> -> memref<32x1024xf32, #tpu.memory_space<vmem>>
    %dma_start3A_710 = arith.constant 0 : i32
    %dma_start3A_711 = tpu.memref_slice %arg5[%add3A_704, %dma_start3A_710] : memref<16384x1024xf32, #tpu.memory_space<hbm>> -> memref<32x1024xf32, #tpu.memory_space<hbm>>
    %dma_start3A_712 = arith.constant 0 : i32
    %dma_start3A_713 = tpu.memref_slice %arg5[%add3A_704, %dma_start3A_712] : memref<16384x1024xf32, #tpu.memory_space<hbm>> -> memref<32x1024xf32, #tpu.memory_space<hbm>>
    %dma_start3A_714 = arith.constant 0 : i32
    %dma_start3A_715 = arith.constant 0 : i32
    %dma_start3A_716 = tpu.memref_slice %arg8[%dma_start3A_705, %dma_start3A_714, %dma_start3A_715] : memref<2x32x1024xf32, #tpu.memory_space<vmem>> -> memref<1x32x1024xf32, #tpu.memory_space<vmem>>
    %dma_start3A_717 = tpu.memref_squeeze %dma_start3A_716 : memref<1x32x1024xf32, #tpu.memory_space<vmem>> -> memref<32x1024xf32, #tpu.memory_space<vmem>>
    tpu.enqueue_dma source(%dma_start3A_717 : memref<32x1024xf32, #tpu.memory_space<vmem>>) target(%dma_start3A_713 : memref<32x1024xf32, #tpu.memory_space<hbm>>) target_semaphore(%arg13 : memref<!tpu.dma_semaphore, #tpu.memory_space<semaphore_mem>>)
    %dma_wait3A_718 = arith.constant 1 : i32
    %dma_wait3A_719 = arith.constant 0 : i32
    %dma_wait3A_720 = arith.constant 0 : i32
    %dma_wait3A_721 = tpu.memref_slice %arg8[%dma_wait3A_718, %dma_wait3A_719, %dma_wait3A_720] : memref<2x32x1024xf32, #tpu.memory_space<vmem>> -> memref<1x32x1024xf32, #tpu.memory_space<vmem>>
    %dma_wait3A_722 = tpu.memref_squeeze %dma_wait3A_721 : memref<1x32x1024xf32, #tpu.memory_space<vmem>> -> memref<32x1024xf32, #tpu.memory_space<vmem>>
    %dma_wait3A_723 = arith.constant 0 : i32
    %dma_wait3A_724 = tpu.memref_slice %arg5[%add3A_704, %dma_wait3A_723] : memref<16384x1024xf32, #tpu.memory_space<hbm>> -> memref<32x1024xf32, #tpu.memory_space<hbm>>
    %dma_wait3A_725 = arith.constant 0 : i32
    %dma_wait3A_726 = tpu.memref_slice %arg5[%add3A_704, %dma_wait3A_725] : memref<16384x1024xf32, #tpu.memory_space<hbm>> -> memref<32x1024xf32, #tpu.memory_space<hbm>>
    %dma_wait3A_727 = arith.constant 0 : i32
    %dma_wait3A_728 = arith.constant 0 : i32
    %dma_wait3A_729 = tpu.memref_slice %arg8[%dma_wait3A_718, %dma_wait3A_727, %dma_wait3A_728] : memref<2x32x1024xf32, #tpu.memory_space<vmem>> -> memref<1x32x1024xf32, #tpu.memory_space<vmem>>
    %dma_wait3A_730 = tpu.memref_squeeze %dma_wait3A_729 : memref<1x32x1024xf32, #tpu.memory_space<vmem>> -> memref<32x1024xf32, #tpu.memory_space<vmem>>
    tpu.wait_dma2 semaphore(%arg13 : memref<!tpu.dma_semaphore, #tpu.memory_space<semaphore_mem>>) src(%dma_wait3A_730 : memref<32x1024xf32, #tpu.memory_space<vmem>>) dst(%dma_wait3A_726 : memref<32x1024xf32, #tpu.memory_space<hbm>>)
    %get3A_731 = arith.constant 96 : index
    %get3A_732 = tpu.vector_load %arg6[%get3A_731] {strides = array<i32>} : memref<512xi32, #tpu.memory_space<vmem>>, vector<16xi32>,
    %get3A_733 = vector.shape_cast %get3A_732 : vector<16xi32> to vector<16xi32>
    %swap3A_734 = arith.constant 0 : index
    %swap3A_735 = tpu.vector_load %arg10[%swap3A_734] {strides = array<i32>} : memref<32xi32, #tpu.memory_space<vmem>>, vector<16xi32>,
    %swap3A_736 = vector.shape_cast %swap3A_735 : vector<16xi32> to vector<16xi32>
    %swap3A_737 = vector.shape_cast %get3A_733 : vector<16xi32> to vector<16xi32>
    tpu.vector_store %arg10[%swap3A_734], %swap3A_737 {strides = array<i32>} : memref<32xi32, #tpu.memory_space<vmem>>, vector<16xi32>,
    %get3A_738 = arith.constant 112 : index
    %get3A_739 = tpu.vector_load %arg6[%get3A_738] {strides = array<i32>} : memref<512xi32, #tpu.memory_space<vmem>>, vector<16xi32>,
    %get3A_740 = vector.shape_cast %get3A_739 : vector<16xi32> to vector<16xi32>
    %swap3A_741 = arith.constant 16 : index
    %swap3A_742 = tpu.vector_load %arg10[%swap3A_741] {strides = array<i32>} : memref<32xi32, #tpu.memory_space<vmem>>, vector<16xi32>,
    %swap3A_743 = vector.shape_cast %swap3A_742 : vector<16xi32> to vector<16xi32>
    %swap3A_744 = vector.shape_cast %get3A_740 : vector<16xi32> to vector<16xi32>
    tpu.vector_store %arg10[%swap3A_741], %swap3A_744 {strides = array<i32>} : memref<32xi32, #tpu.memory_space<vmem>>, vector<16xi32>,
    %dma_start3A_745 = arith.constant 1 : i32
    %dma_start3A_746 = arith.constant 0 : i32
    %dma_start3A_747 = arith.constant 0 : i32
    %dma_start3A_748 = tpu.memref_slice %arg8[%dma_start3A_745, %dma_start3A_746, %dma_start3A_747] : memref<2x32x1024xf32, #tpu.memory_space<vmem>> -> memref<1x32x1024xf32, #tpu.memory_space<vmem>>
    %dma_start3A_749 = tpu.memref_squeeze %dma_start3A_748 : memref<1x32x1024xf32, #tpu.memory_space<vmem>> -> memref<32x1024xf32, #tpu.memory_space<vmem>>
    %dma_start3A_750 = arith.constant 0 : i32
    %dma_start3A_751 = arith.constant 0 : i32
    %dma_start3A_752 = tpu.memref_slice %arg11[%dma_start3A_750, %dma_start3A_751] : memref<1001x1024xf32, #tpu.memory_space<vmem_shared>> -> memref<1001x1024xf32, #tpu.memory_space<vmem_shared>>
    tpu.enqueue_indirect_dma source(%dma_start3A_752 : memref<1001x1024xf32, #tpu.memory_space<vmem_shared>>) target(%dma_start3A_749 : memref<32x1024xf32, #tpu.memory_space<vmem>>) offsets(%arg10 : memref<32xi32, #tpu.memory_space<vmem>>) semaphore(%arg12 : memref<!tpu.dma_semaphore, #tpu.memory_space<semaphore_mem>>)
    %dma_wait3A_753 = arith.constant 0 : i32
    %dma_wait3A_754 = arith.constant 0 : i32
    %dma_wait3A_755 = arith.constant 0 : i32
    %dma_wait3A_756 = tpu.memref_slice %arg8[%dma_wait3A_753, %dma_wait3A_754, %dma_wait3A_755] : memref<2x32x1024xf32, #tpu.memory_space<vmem>> -> memref<1x32x1024xf32, #tpu.memory_space<vmem>>
    %dma_wait3A_757 = tpu.memref_squeeze %dma_wait3A_756 : memref<1x32x1024xf32, #tpu.memory_space<vmem>> -> memref<32x1024xf32, #tpu.memory_space<vmem>>
    %dma_wait3A_758 = arith.constant 0 : i32
    %dma_wait3A_759 = arith.constant 0 : i32
    %dma_wait3A_760 = tpu.memref_slice %arg11[%dma_wait3A_758, %dma_wait3A_759] : memref<1001x1024xf32, #tpu.memory_space<vmem_shared>> -> memref<1001x1024xf32, #tpu.memory_space<vmem_shared>>
    tpu.wait_indirect_dma semaphore(%arg12 : memref<!tpu.dma_semaphore, #tpu.memory_space<semaphore_mem>>) src(%dma_wait3A_760 : memref<1001x1024xf32, #tpu.memory_space<vmem_shared>>) dst(%dma_wait3A_757 : memref<32x1024xf32, #tpu.memory_space<vmem>>)
    %add3A_761 = arith.constant 64 : i32
    %add3A_762 = arith.addi %mul3A_2, %add3A_761 : i32
    %dma_start3A_763 = arith.constant 0 : i32
    %dma_start3A_764 = arith.constant 0 : i32
    %dma_start3A_765 = arith.constant 0 : i32
    %dma_start3A_766 = tpu.memref_slice %arg8[%dma_start3A_763, %dma_start3A_764, %dma_start3A_765] : memref<2x32x1024xf32, #tpu.memory_space<vmem>> -> memref<1x32x1024xf32, #tpu.memory_space<vmem>>
    %dma_start3A_767 = tpu.memref_squeeze %dma_start3A_766 : memref<1x32x1024xf32, #tpu.memory_space<vmem>> -> memref<32x1024xf32, #tpu.memory_space<vmem>>
    %dma_start3A_768 = arith.constant 0 : i32
    %dma_start3A_769 = tpu.memref_slice %arg5[%add3A_762, %dma_start3A_768] : memref<16384x1024xf32, #tpu.memory_space<hbm>> -> memref<32x1024xf32, #tpu.memory_space<hbm>>
    %dma_start3A_770 = arith.constant 0 : i32
    %dma_start3A_771 = tpu.memref_slice %arg5[%add3A_762, %dma_start3A_770] : memref<16384x1024xf32, #tpu.memory_space<hbm>> -> memref<32x1024xf32, #tpu.memory_space<hbm>>
    %dma_start3A_772 = arith.constant 0 : i32
    %dma_start3A_773 = arith.constant 0 : i32
    %dma_start3A_774 = tpu.memref_slice %arg8[%dma_start3A_763, %dma_start3A_772, %dma_start3A_773] : memref<2x32x1024xf32, #tpu.memory_space<vmem>> -> memref<1x32x1024xf32, #tpu.memory_space<vmem>>
    %dma_start3A_775 = tpu.memref_squeeze %dma_start3A_774 : memref<1x32x1024xf32, #tpu.memory_space<vmem>> -> memref<32x1024xf32, #tpu.memory_space<vmem>>
    tpu.enqueue_dma source(%dma_start3A_775 : memref<32x1024xf32, #tpu.memory_space<vmem>>) target(%dma_start3A_771 : memref<32x1024xf32, #tpu.memory_space<hbm>>) target_semaphore(%arg13 : memref<!tpu.dma_semaphore, #tpu.memory_space<semaphore_mem>>)
    %dma_wait3A_776 = arith.constant 0 : i32
    %dma_wait3A_777 = arith.constant 0 : i32
    %dma_wait3A_778 = arith.constant 0 : i32
    %dma_wait3A_779 = tpu.memref_slice %arg8[%dma_wait3A_776, %dma_wait3A_777, %dma_wait3A_778] : memref<2x32x1024xf32, #tpu.memory_space<vmem>> -> memref<1x32x1024xf32, #tpu.memory_space<vmem>>
    %dma_wait3A_780 = tpu.memref_squeeze %dma_wait3A_779 : memref<1x32x1024xf32, #tpu.memory_space<vmem>> -> memref<32x1024xf32, #tpu.memory_space<vmem>>
    %dma_wait3A_781 = arith.constant 0 : i32
    %dma_wait3A_782 = tpu.memref_slice %arg5[%add3A_762, %dma_wait3A_781] : memref<16384x1024xf32, #tpu.memory_space<hbm>> -> memref<32x1024xf32, #tpu.memory_space<hbm>>
    %dma_wait3A_783 = arith.constant 0 : i32
    %dma_wait3A_784 = tpu.memref_slice %arg5[%add3A_762, %dma_wait3A_783] : memref<16384x1024xf32, #tpu.memory_space<hbm>> -> memref<32x1024xf32, #tpu.memory_space<hbm>>
    %dma_wait3A_785 = arith.constant 0 : i32
    %dma_wait3A_786 = arith.constant 0 : i32
    %dma_wait3A_787 = tpu.memref_slice %arg8[%dma_wait3A_776, %dma_wait3A_785, %dma_wait3A_786] : memref<2x32x1024xf32, #tpu.memory_space<vmem>> -> memref<1x32x1024xf32, #tpu.memory_space<vmem>>
    %dma_wait3A_788 = tpu.memref_squeeze %dma_wait3A_787 : memref<1x32x1024xf32, #tpu.memory_space<vmem>> -> memref<32x1024xf32, #tpu.memory_space<vmem>>
    tpu.wait_dma2 semaphore(%arg13 : memref<!tpu.dma_semaphore, #tpu.memory_space<semaphore_mem>>) src(%dma_wait3A_788 : memref<32x1024xf32, #tpu.memory_space<vmem>>) dst(%dma_wait3A_784 : memref<32x1024xf32, #tpu.memory_space<hbm>>)
    %get3A_789 = arith.constant 128 : index
    %get3A_790 = tpu.vector_load %arg6[%get3A_789] {strides = array<i32>} : memref<512xi32, #tpu.memory_space<vmem>>, vector<16xi32>,
    %get3A_791 = vector.shape_cast %get3A_790 : vector<16xi32> to vector<16xi32>
    %swap3A_792 = arith.constant 0 : index
    %swap3A_793 = tpu.vector_load %arg9[%swap3A_792] {strides = array<i32>} : memref<32xi32, #tpu.memory_space<vmem>>, vector<16xi32>,
    %swap3A_794 = vector.shape_cast %swap3A_793 : vector<16xi32> to vector<16xi32>
    %swap3A_795 = vector.shape_cast %get3A_791 : vector<16xi32> to vector<16xi32>
    tpu.vector_store %arg9[%swap3A_792], %swap3A_795 {strides = array<i32>} : memref<32xi32, #tpu.memory_space<vmem>>, vector<16xi32>,
    %get3A_796 = arith.constant 144 : index
    %get3A_797 = tpu.vector_load %arg6[%get3A_796] {strides = array<i32>} : memref<512xi32, #tpu.memory_space<vmem>>, vector<16xi32>,
    %get3A_798 = vector.shape_cast %get3A_797 : vector<16xi32> to vector<16xi32>
    %swap3A_799 = arith.constant 16 : index
    %swap3A_800 = tpu.vector_load %arg9[%swap3A_799] {strides = array<i32>} : memref<32xi32, #tpu.memory_space<vmem>>, vector<16xi32>,
    %swap3A_801 = vector.shape_cast %swap3A_800 : vector<16xi32> to vector<16xi32>
    %swap3A_802 = vector.shape_cast %get3A_798 : vector<16xi32> to vector<16xi32>
    tpu.vector_store %arg9[%swap3A_799], %swap3A_802 {strides = array<i32>} : memref<32xi32, #tpu.memory_space<vmem>>, vector<16xi32>,
    %dma_start3A_803 = arith.constant 0 : i32
    %dma_start3A_804 = arith.constant 0 : i32
    %dma_start3A_805 = arith.constant 0 : i32
    %dma_start3A_806 = tpu.memref_slice %arg8[%dma_start3A_803, %dma_start3A_804, %dma_start3A_805] : memref<2x32x1024xf32, #tpu.memory_space<vmem>> -> memref<1x32x1024xf32, #tpu.memory_space<vmem>>
    %dma_start3A_807 = tpu.memref_squeeze %dma_start3A_806 : memref<1x32x1024xf32, #tpu.memory_space<vmem>> -> memref<32x1024xf32, #tpu.memory_space<vmem>>
    %dma_start3A_808 = arith.constant 0 : i32
    %dma_start3A_809 = arith.constant 0 : i32
    %dma_start3A_810 = tpu.memref_slice %arg11[%dma_start3A_808, %dma_start3A_809] : memref<1001x1024xf32, #tpu.memory_space<vmem_shared>> -> memref<1001x1024xf32, #tpu.memory_space<vmem_shared>>
    tpu.enqueue_indirect_dma source(%dma_start3A_810 : memref<1001x1024xf32, #tpu.memory_space<vmem_shared>>) target(%dma_start3A_807 : memref<32x1024xf32, #tpu.memory_space<vmem>>) offsets(%arg9 : memref<32xi32, #tpu.memory_space<vmem>>) semaphore(%arg12 : memref<!tpu.dma_semaphore, #tpu.memory_space<semaphore_mem>>)
    %dma_wait3A_811 = arith.constant 1 : i32
    %dma_wait3A_812 = arith.constant 0 : i32
    %dma_wait3A_813 = arith.constant 0 : i32
    %dma_wait3A_814 = tpu.memref_slice %arg8[%dma_wait3A_811, %dma_wait3A_812, %dma_wait3A_813] : memref<2x32x1024xf32, #tpu.memory_space<vmem>> -> memref<1x32x1024xf32, #tpu.memory_space<vmem>>
    %dma_wait3A_815 = tpu.memref_squeeze %dma_wait3A_814 : memref<1x32x1024xf32, #tpu.memory_space<vmem>> -> memref<32x1024xf32, #tpu.memory_space<vmem>>
    %dma_wait3A_816 = arith.constant 0 : i32
    %dma_wait3A_817 = arith.constant 0 : i32
    %dma_wait3A_818 = tpu.memref_slice %arg11[%dma_wait3A_816, %dma_wait3A_817] : memref<1001x1024xf32, #tpu.memory_space<vmem_shared>> -> memref<1001x1024xf32, #tpu.memory_space<vmem_shared>>
    tpu.wait_indirect_dma semaphore(%arg12 : memref<!tpu.dma_semaphore, #tpu.memory_space<semaphore_mem>>) src(%dma_wait3A_818 : memref<1001x1024xf32, #tpu.memory_space<vmem_shared>>) dst(%dma_wait3A_815 : memref<32x1024xf32, #tpu.memory_space<vmem>>)
    %add3A_819 = arith.constant 96 : i32
    %add3A_820 = arith.addi %mul3A_2, %add3A_819 : i32
    %dma_start3A_821 = arith.constant 1 : i32
    %dma_start3A_822 = arith.constant 0 : i32
    %dma_start3A_823 = arith.constant 0 : i32
    %dma_start3A_824 = tpu.memref_slice %arg8[%dma_start3A_821, %dma_start3A_822, %dma_start3A_823] : memref<2x32x1024xf32, #tpu.memory_space<vmem>> -> memref<1x32x1024xf32, #tpu.memory_space<vmem>>
    %dma_start3A_825 = tpu.memref_squeeze %dma_start3A_824 : memref<1x32x1024xf32, #tpu.memory_space<vmem>> -> memref<32x1024xf32, #tpu.memory_space<vmem>>
    %dma_start3A_826 = arith.constant 0 : i32
    %dma_start3A_827 = tpu.memref_slice %arg5[%add3A_820, %dma_start3A_826] : memref<16384x1024xf32, #tpu.memory_space<hbm>> -> memref<32x1024xf32, #tpu.memory_space<hbm>>
    %dma_start3A_828 = arith.constant 0 : i32
    %dma_start3A_829 = tpu.memref_slice %arg5[%add3A_820, %dma_start3A_828] : memref<16384x1024xf32, #tpu.memory_space<hbm>> -> memref<32x1024xf32, #tpu.memory_space<hbm>>
    %dma_start3A_830 = arith.constant 0 : i32
    %dma_start3A_831 = arith.constant 0 : i32
    %dma_start3A_832 = tpu.memref_slice %arg8[%dma_start3A_821, %dma_start3A_830, %dma_start3A_831] : memref<2x32x1024xf32, #tpu.memory_space<vmem>> -> memref<1x32x1024xf32, #tpu.memory_space<vmem>>
    %dma_start3A_833 = tpu.memref_squeeze %dma_start3A_832 : memref<1x32x1024xf32, #tpu.memory_space<vmem>> -> memref<32x1024xf32, #tpu.memory_space<vmem>>
    tpu.enqueue_dma source(%dma_start3A_833 : memref<32x1024xf32, #tpu.memory_space<vmem>>) target(%dma_start3A_829 : memref<32x1024xf32, #tpu.memory_space<hbm>>) target_semaphore(%arg13 : memref<!tpu.dma_semaphore, #tpu.memory_space<semaphore_mem>>)
    %dma_wait3A_834 = arith.constant 1 : i32
    %dma_wait3A_835 = arith.constant 0 : i32
    %dma_wait3A_836 = arith.constant 0 : i32
    %dma_wait3A_837 = tpu.memref_slice %arg8[%dma_wait3A_834, %dma_wait3A_835, %dma_wait3A_836] : memref<2x32x1024xf32, #tpu.memory_space<vmem>> -> memref<1x32x1024xf32, #tpu.memory_space<vmem>>
    %dma_wait3A_838 = tpu.memref_squeeze %dma_wait3A_837 : memref<1x32x1024xf32, #tpu.memory_space<vmem>> -> memref<32x1024xf32, #tpu.memory_space<vmem>>
    %dma_wait3A_839 = arith.constant 0 : i32
    %dma_wait3A_840 = tpu.memref_slice %arg5[%add3A_820, %dma_wait3A_839] : memref<16384x1024xf32, #tpu.memory_space<hbm>> -> memref<32x1024xf32, #tpu.memory_space<hbm>>
    %dma_wait3A_841 = arith.constant 0 : i32
    %dma_wait3A_842 = tpu.memref_slice %arg5[%add3A_820, %dma_wait3A_841] : memref<16384x1024xf32, #tpu.memory_space<hbm>> -> memref<32x1024xf32, #tpu.memory_space<hbm>>
    %dma_wait3A_843 = arith.constant 0 : i32
    %dma_wait3A_844 = arith.constant 0 : i32
    %dma_wait3A_845 = tpu.memref_slice %arg8[%dma_wait3A_834, %dma_wait3A_843, %dma_wait3A_844] : memref<2x32x1024xf32, #tpu.memory_space<vmem>> -> memref<1x32x1024xf32, #tpu.memory_space<vmem>>
    %dma_wait3A_846 = tpu.memref_squeeze %dma_wait3A_845 : memref<1x32x1024xf32, #tpu.memory_space<vmem>> -> memref<32x1024xf32, #tpu.memory_space<vmem>>
    tpu.wait_dma2 semaphore(%arg13 : memref<!tpu.dma_semaphore, #tpu.memory_space<semaphore_mem>>) src(%dma_wait3A_846 : memref<32x1024xf32, #tpu.memory_space<vmem>>) dst(%dma_wait3A_842 : memref<32x1024xf32, #tpu.memory_space<hbm>>)
    %get3A_847 = arith.constant 160 : index
    %get3A_848 = tpu.vector_load %arg6[%get3A_847] {strides = array<i32>} : memref<512xi32, #tpu.memory_space<vmem>>, vector<16xi32>,
    %get3A_849 = vector.shape_cast %get3A_848 : vector<16xi32> to vector<16xi32>
    %swap3A_850 = arith.constant 0 : index
    %swap3A_851 = tpu.vector_load %arg10[%swap3A_850] {strides = array<i32>} : memref<32xi32, #tpu.memory_space<vmem>>, vector<16xi32>,
    %swap3A_852 = vector.shape_cast %swap3A_851 : vector<16xi32> to vector<16xi32>
    %swap3A_853 = vector.shape_cast %get3A_849 : vector<16xi32> to vector<16xi32>
    tpu.vector_store %arg10[%swap3A_850], %swap3A_853 {strides = array<i32>} : memref<32xi32, #tpu.memory_space<vmem>>, vector<16xi32>,
    %get3A_854 = arith.constant 176 : index
    %get3A_855 = tpu.vector_load %arg6[%get3A_854] {strides = array<i32>} : memref<512xi32, #tpu.memory_space<vmem>>, vector<16xi32>,
    %get3A_856 = vector.shape_cast %get3A_855 : vector<16xi32> to vector<16xi32>
    %swap3A_857 = arith.constant 16 : index
    %swap3A_858 = tpu.vector_load %arg10[%swap3A_857] {strides = array<i32>} : memref<32xi32, #tpu.memory_space<vmem>>, vector<16xi32>,
    %swap3A_859 = vector.shape_cast %swap3A_858 : vector<16xi32> to vector<16xi32>
    %swap3A_860 = vector.shape_cast %get3A_856 : vector<16xi32> to vector<16xi32>
    tpu.vector_store %arg10[%swap3A_857], %swap3A_860 {strides = array<i32>} : memref<32xi32, #tpu.memory_space<vmem>>, vector<16xi32>,
    %dma_start3A_861 = arith.constant 1 : i32
    %dma_start3A_862 = arith.constant 0 : i32
    %dma_start3A_863 = arith.constant 0 : i32
    %dma_start3A_864 = tpu.memref_slice %arg8[%dma_start3A_861, %dma_start3A_862, %dma_start3A_863] : memref<2x32x1024xf32, #tpu.memory_space<vmem>> -> memref<1x32x1024xf32, #tpu.memory_space<vmem>>
    %dma_start3A_865 = tpu.memref_squeeze %dma_start3A_864 : memref<1x32x1024xf32, #tpu.memory_space<vmem>> -> memref<32x1024xf32, #tpu.memory_space<vmem>>
    %dma_start3A_866 = arith.constant 0 : i32
    %dma_start3A_867 = arith.constant 0 : i32
    %dma_start3A_868 = tpu.memref_slice %arg11[%dma_start3A_866, %dma_start3A_867] : memref<1001x1024xf32, #tpu.memory_space<vmem_shared>> -> memref<1001x1024xf32, #tpu.memory_space<vmem_shared>>
    tpu.enqueue_indirect_dma source(%dma_start3A_868 : memref<1001x1024xf32, #tpu.memory_space<vmem_shared>>) target(%dma_start3A_865 : memref<32x1024xf32, #tpu.memory_space<vmem>>) offsets(%arg10 : memref<32xi32, #tpu.memory_space<vmem>>) semaphore(%arg12 : memref<!tpu.dma_semaphore, #tpu.memory_space<semaphore_mem>>)
    %dma_wait3A_869 = arith.constant 0 : i32
    %dma_wait3A_870 = arith.constant 0 : i32
    %dma_wait3A_871 = arith.constant 0 : i32
    %dma_wait3A_872 = tpu.memref_slice %arg8[%dma_wait3A_869, %dma_wait3A_870, %dma_wait3A_871] : memref<2x32x1024xf32, #tpu.memory_space<vmem>> -> memref<1x32x1024xf32, #tpu.memory_space<vmem>>
    %dma_wait3A_873 = tpu.memref_squeeze %dma_wait3A_872 : memref<1x32x1024xf32, #tpu.memory_space<vmem>> -> memref<32x1024xf32, #tpu.memory_space<vmem>>
    %dma_wait3A_874 = arith.constant 0 : i32
    %dma_wait3A_875 = arith.constant 0 : i32
    %dma_wait3A_876 = tpu.memref_slice %arg11[%dma_wait3A_874, %dma_wait3A_875] : memref<1001x1024xf32, #tpu.memory_space<vmem_shared>> -> memref<1001x1024xf32, #tpu.memory_space<vmem_shared>>
    tpu.wait_indirect_dma semaphore(%arg12 : memref<!tpu.dma_semaphore, #tpu.memory_space<semaphore_mem>>) src(%dma_wait3A_876 : memref<1001x1024xf32, #tpu.memory_space<vmem_shared>>) dst(%dma_wait3A_873 : memref<32x1024xf32, #tpu.memory_space<vmem>>)
    %add3A_877 = arith.constant 128 : i32
    %add3A_878 = arith.addi %mul3A_2, %add3A_877 : i32
    %dma_start3A_879 = arith.constant 0 : i32
    %dma_start3A_880 = arith.constant 0 : i32
    %dma_start3A_881 = arith.constant 0 : i32
    %dma_start3A_882 = tpu.memref_slice %arg8[%dma_start3A_879, %dma_start3A_880, %dma_start3A_881] : memref<2x32x1024xf32, #tpu.memory_space<vmem>> -> memref<1x32x1024xf32, #tpu.memory_space<vmem>>
    %dma_start3A_883 = tpu.memref_squeeze %dma_start3A_882 : memref<1x32x1024xf32, #tpu.memory_space<vmem>> -> memref<32x1024xf32, #tpu.memory_space<vmem>>
    %dma_start3A_884 = arith.constant 0 : i32
    %dma_start3A_885 = tpu.memref_slice %arg5[%add3A_878, %dma_start3A_884] : memref<16384x1024xf32, #tpu.memory_space<hbm>> -> memref<32x1024xf32, #tpu.memory_space<hbm>>
    %dma_start3A_886 = arith.constant 0 : i32
    %dma_start3A_887 = tpu.memref_slice %arg5[%add3A_878, %dma_start3A_886] : memref<16384x1024xf32, #tpu.memory_space<hbm>> -> memref<32x1024xf32, #tpu.memory_space<hbm>>
    %dma_start3A_888 = arith.constant 0 : i32
    %dma_start3A_889 = arith.constant 0 : i32
    %dma_start3A_890 = tpu.memref_slice %arg8[%dma_start3A_879, %dma_start3A_888, %dma_start3A_889] : memref<2x32x1024xf32, #tpu.memory_space<vmem>> -> memref<1x32x1024xf32, #tpu.memory_space<vmem>>
    %dma_start3A_891 = tpu.memref_squeeze %dma_start3A_890 : memref<1x32x1024xf32, #tpu.memory_space<vmem>> -> memref<32x1024xf32, #tpu.memory_space<vmem>>
    tpu.enqueue_dma source(%dma_start3A_891 : memref<32x1024xf32, #tpu.memory_space<vmem>>) target(%dma_start3A_887 : memref<32x1024xf32, #tpu.memory_space<hbm>>) target_semaphore(%arg13 : memref<!tpu.dma_semaphore, #tpu.memory_space<semaphore_mem>>)
    %dma_wait3A_892 = arith.constant 0 : i32
    %dma_wait3A_893 = arith.constant 0 : i32
    %dma_wait3A_894 = arith.constant 0 : i32
    %dma_wait3A_895 = tpu.memref_slice %arg8[%dma_wait3A_892, %dma_wait3A_893, %dma_wait3A_894] : memref<2x32x1024xf32, #tpu.memory_space<vmem>> -> memref<1x32x1024xf32, #tpu.memory_space<vmem>>
    %dma_wait3A_896 = tpu.memref_squeeze %dma_wait3A_895 : memref<1x32x1024xf32, #tpu.memory_space<vmem>> -> memref<32x1024xf32, #tpu.memory_space<vmem>>
    %dma_wait3A_897 = arith.constant 0 : i32
    %dma_wait3A_898 = tpu.memref_slice %arg5[%add3A_878, %dma_wait3A_897] : memref<16384x1024xf32, #tpu.memory_space<hbm>> -> memref<32x1024xf32, #tpu.memory_space<hbm>>
    %dma_wait3A_899 = arith.constant 0 : i32
    %dma_wait3A_900 = tpu.memref_slice %arg5[%add3A_878, %dma_wait3A_899] : memref<16384x1024xf32, #tpu.memory_space<hbm>> -> memref<32x1024xf32, #tpu.memory_space<hbm>>
    %dma_wait3A_901 = arith.constant 0 : i32
    %dma_wait3A_902 = arith.constant 0 : i32
    %dma_wait3A_903 = tpu.memref_slice %arg8[%dma_wait3A_892, %dma_wait3A_901, %dma_wait3A_902] : memref<2x32x1024xf32, #tpu.memory_space<vmem>> -> memref<1x32x1024xf32, #tpu.memory_space<vmem>>
    %dma_wait3A_904 = tpu.memref_squeeze %dma_wait3A_903 : memref<1x32x1024xf32, #tpu.memory_space<vmem>> -> memref<32x1024xf32, #tpu.memory_space<vmem>>
    tpu.wait_dma2 semaphore(%arg13 : memref<!tpu.dma_semaphore, #tpu.memory_space<semaphore_mem>>) src(%dma_wait3A_904 : memref<32x1024xf32, #tpu.memory_space<vmem>>) dst(%dma_wait3A_900 : memref<32x1024xf32, #tpu.memory_space<hbm>>)
    %get3A_905 = arith.constant 192 : index
    %get3A_906 = tpu.vector_load %arg6[%get3A_905] {strides = array<i32>} : memref<512xi32, #tpu.memory_space<vmem>>, vector<16xi32>,
    %get3A_907 = vector.shape_cast %get3A_906 : vector<16xi32> to vector<16xi32>
    %swap3A_908 = arith.constant 0 : index
    %swap3A_909 = tpu.vector_load %arg9[%swap3A_908] {strides = array<i32>} : memref<32xi32, #tpu.memory_space<vmem>>, vector<16xi32>,
    %swap3A_910 = vector.shape_cast %swap3A_909 : vector<16xi32> to vector<16xi32>
    %swap3A_911 = vector.shape_cast %get3A_907 : vector<16xi32> to vector<16xi32>
    tpu.vector_store %arg9[%swap3A_908], %swap3A_911 {strides = array<i32>} : memref<32xi32, #tpu.memory_space<vmem>>, vector<16xi32>,
    %get3A_912 = arith.constant 208 : index
    %get3A_913 = tpu.vector_load %arg6[%get3A_912] {strides = array<i32>} : memref<512xi32, #tpu.memory_space<vmem>>, vector<16xi32>,
    %get3A_914 = vector.shape_cast %get3A_913 : vector<16xi32> to vector<16xi32>
    %swap3A_915 = arith.constant 16 : index
    %swap3A_916 = tpu.vector_load %arg9[%swap3A_915] {strides = array<i32>} : memref<32xi32, #tpu.memory_space<vmem>>, vector<16xi32>,
    %swap3A_917 = vector.shape_cast %swap3A_916 : vector<16xi32> to vector<16xi32>
    %swap3A_918 = vector.shape_cast %get3A_914 : vector<16xi32> to vector<16xi32>
    tpu.vector_store %arg9[%swap3A_915], %swap3A_918 {strides = array<i32>} : memref<32xi32, #tpu.memory_space<vmem>>, vector<16xi32>,
    %dma_start3A_919 = arith.constant 0 : i32
    %dma_start3A_920 = arith.constant 0 : i32
    %dma_start3A_921 = arith.constant 0 : i32
    %dma_start3A_922 = tpu.memref_slice %arg8[%dma_start3A_919, %dma_start3A_920, %dma_start3A_921] : memref<2x32x1024xf32, #tpu.memory_space<vmem>> -> memref<1x32x1024xf32, #tpu.memory_space<vmem>>
    %dma_start3A_923 = tpu.memref_squeeze %dma_start3A_922 : memref<1x32x1024xf32, #tpu.memory_space<vmem>> -> memref<32x1024xf32, #tpu.memory_space<vmem>>
    %dma_start3A_924 = arith.constant 0 : i32
    %dma_start3A_925 = arith.constant 0 : i32
    %dma_start3A_926 = tpu.memref_slice %arg11[%dma_start3A_924, %dma_start3A_925] : memref<1001x1024xf32, #tpu.memory_space<vmem_shared>> -> memref<1001x1024xf32, #tpu.memory_space<vmem_shared>>
    tpu.enqueue_indirect_dma source(%dma_start3A_926 : memref<1001x1024xf32, #tpu.memory_space<vmem_shared>>) target(%dma_start3A_923 : memref<32x1024xf32, #tpu.memory_space<vmem>>) offsets(%arg9 : memref<32xi32, #tpu.memory_space<vmem>>) semaphore(%arg12 : memref<!tpu.dma_semaphore, #tpu.memory_space<semaphore_mem>>)
    %dma_wait3A_927 = arith.constant 1 : i32
    %dma_wait3A_928 = arith.constant 0 : i32
    %dma_wait3A_929 = arith.constant 0 : i32
    %dma_wait3A_930 = tpu.memref_slice %arg8[%dma_wait3A_927, %dma_wait3A_928, %dma_wait3A_929] : memref<2x32x1024xf32, #tpu.memory_space<vmem>> -> memref<1x32x1024xf32, #tpu.memory_space<vmem>>
    %dma_wait3A_931 = tpu.memref_squeeze %dma_wait3A_930 : memref<1x32x1024xf32, #tpu.memory_space<vmem>> -> memref<32x1024xf32, #tpu.memory_space<vmem>>
    %dma_wait3A_932 = arith.constant 0 : i32
    %dma_wait3A_933 = arith.constant 0 : i32
    %dma_wait3A_934 = tpu.memref_slice %arg11[%dma_wait3A_932, %dma_wait3A_933] : memref<1001x1024xf32, #tpu.memory_space<vmem_shared>> -> memref<1001x1024xf32, #tpu.memory_space<vmem_shared>>
    tpu.wait_indirect_dma semaphore(%arg12 : memref<!tpu.dma_semaphore, #tpu.memory_space<semaphore_mem>>) src(%dma_wait3A_934 : memref<1001x1024xf32, #tpu.memory_space<vmem_shared>>) dst(%dma_wait3A_931 : memref<32x1024xf32, #tpu.memory_space<vmem>>)
    %add3A_935 = arith.constant 160 : i32
    %add3A_936 = arith.addi %mul3A_2, %add3A_935 : i32
    %dma_start3A_937 = arith.constant 1 : i32
    %dma_start3A_938 = arith.constant 0 : i32
    %dma_start3A_939 = arith.constant 0 : i32
    %dma_start3A_940 = tpu.memref_slice %arg8[%dma_start3A_937, %dma_start3A_938, %dma_start3A_939] : memref<2x32x1024xf32, #tpu.memory_space<vmem>> -> memref<1x32x1024xf32, #tpu.memory_space<vmem>>
    %dma_start3A_941 = tpu.memref_squeeze %dma_start3A_940 : memref<1x32x1024xf32, #tpu.memory_space<vmem>> -> memref<32x1024xf32, #tpu.memory_space<vmem>>
    %dma_start3A_942 = arith.constant 0 : i32
    %dma_start3A_943 = tpu.memref_slice %arg5[%add3A_936, %dma_start3A_942] : memref<16384x1024xf32, #tpu.memory_space<hbm>> -> memref<32x1024xf32, #tpu.memory_space<hbm>>
    %dma_start3A_944 = arith.constant 0 : i32
    %dma_start3A_945 = tpu.memref_slice %arg5[%add3A_936, %dma_start3A_944] : memref<16384x1024xf32, #tpu.memory_space<hbm>> -> memref<32x1024xf32, #tpu.memory_space<hbm>>
    %dma_start3A_946 = arith.constant 0 : i32
    %dma_start3A_947 = arith.constant 0 : i32
    %dma_start3A_948 = tpu.memref_slice %arg8[%dma_start3A_937, %dma_start3A_946, %dma_start3A_947] : memref<2x32x1024xf32, #tpu.memory_space<vmem>> -> memref<1x32x1024xf32, #tpu.memory_space<vmem>>
    %dma_start3A_949 = tpu.memref_squeeze %dma_start3A_948 : memref<1x32x1024xf32, #tpu.memory_space<vmem>> -> memref<32x1024xf32, #tpu.memory_space<vmem>>
    tpu.enqueue_dma source(%dma_start3A_949 : memref<32x1024xf32, #tpu.memory_space<vmem>>) target(%dma_start3A_945 : memref<32x1024xf32, #tpu.memory_space<hbm>>) target_semaphore(%arg13 : memref<!tpu.dma_semaphore, #tpu.memory_space<semaphore_mem>>)
    %dma_wait3A_950 = arith.constant 1 : i32
    %dma_wait3A_951 = arith.constant 0 : i32
    %dma_wait3A_952 = arith.constant 0 : i32
    %dma_wait3A_953 = tpu.memref_slice %arg8[%dma_wait3A_950, %dma_wait3A_951, %dma_wait3A_952] : memref<2x32x1024xf32, #tpu.memory_space<vmem>> -> memref<1x32x1024xf32, #tpu.memory_space<vmem>>
    %dma_wait3A_954 = tpu.memref_squeeze %dma_wait3A_953 : memref<1x32x1024xf32, #tpu.memory_space<vmem>> -> memref<32x1024xf32, #tpu.memory_space<vmem>>
    %dma_wait3A_955 = arith.constant 0 : i32
    %dma_wait3A_956 = tpu.memref_slice %arg5[%add3A_936, %dma_wait3A_955] : memref<16384x1024xf32, #tpu.memory_space<hbm>> -> memref<32x1024xf32, #tpu.memory_space<hbm>>
    %dma_wait3A_957 = arith.constant 0 : i32
    %dma_wait3A_958 = tpu.memref_slice %arg5[%add3A_936, %dma_wait3A_957] : memref<16384x1024xf32, #tpu.memory_space<hbm>> -> memref<32x1024xf32, #tpu.memory_space<hbm>>
    %dma_wait3A_959 = arith.constant 0 : i32
    %dma_wait3A_960 = arith.constant 0 : i32
    %dma_wait3A_961 = tpu.memref_slice %arg8[%dma_wait3A_950, %dma_wait3A_959, %dma_wait3A_960] : memref<2x32x1024xf32, #tpu.memory_space<vmem>> -> memref<1x32x1024xf32, #tpu.memory_space<vmem>>
    %dma_wait3A_962 = tpu.memref_squeeze %dma_wait3A_961 : memref<1x32x1024xf32, #tpu.memory_space<vmem>> -> memref<32x1024xf32, #tpu.memory_space<vmem>>
    tpu.wait_dma2 semaphore(%arg13 : memref<!tpu.dma_semaphore, #tpu.memory_space<semaphore_mem>>) src(%dma_wait3A_962 : memref<32x1024xf32, #tpu.memory_space<vmem>>) dst(%dma_wait3A_958 : memref<32x1024xf32, #tpu.memory_space<hbm>>)
    %get3A_963 = arith.constant 224 : index
    %get3A_964 = tpu.vector_load %arg6[%get3A_963] {strides = array<i32>} : memref<512xi32, #tpu.memory_space<vmem>>, vector<16xi32>,
    %get3A_965 = vector.shape_cast %get3A_964 : vector<16xi32> to vector<16xi32>
    %swap3A_966 = arith.constant 0 : index
    %swap3A_967 = tpu.vector_load %arg10[%swap3A_966] {strides = array<i32>} : memref<32xi32, #tpu.memory_space<vmem>>, vector<16xi32>,
    %swap3A_968 = vector.shape_cast %swap3A_967 : vector<16xi32> to vector<16xi32>
    %swap3A_969 = vector.shape_cast %get3A_965 : vector<16xi32> to vector<16xi32>
    tpu.vector_store %arg10[%swap3A_966], %swap3A_969 {strides = array<i32>} : memref<32xi32, #tpu.memory_space<vmem>>, vector<16xi32>,
    %get3A_970 = arith.constant 240 : index
    %get3A_971 = tpu.vector_load %arg6[%get3A_970] {strides = array<i32>} : memref<512xi32, #tpu.memory_space<vmem>>, vector<16xi32>,
    %get3A_972 = vector.shape_cast %get3A_971 : vector<16xi32> to vector<16xi32>
    %swap3A_973 = arith.constant 16 : index
    %swap3A_974 = tpu.vector_load %arg10[%swap3A_973] {strides = array<i32>} : memref<32xi32, #tpu.memory_space<vmem>>, vector<16xi32>,
    %swap3A_975 = vector.shape_cast %swap3A_974 : vector<16xi32> to vector<16xi32>
    %swap3A_976 = vector.shape_cast %get3A_972 : vector<16xi32> to vector<16xi32>
    tpu.vector_store %arg10[%swap3A_973], %swap3A_976 {strides = array<i32>} : memref<32xi32, #tpu.memory_space<vmem>>, vector<16xi32>,
    %dma_start3A_977 = arith.constant 1 : i32
    %dma_start3A_978 = arith.constant 0 : i32
    %dma_start3A_979 = arith.constant 0 : i32
    %dma_start3A_980 = tpu.memref_slice %arg8[%dma_start3A_977, %dma_start3A_978, %dma_start3A_979] : memref<2x32x1024xf32, #tpu.memory_space<vmem>> -> memref<1x32x1024xf32, #tpu.memory_space<vmem>>
    %dma_start3A_981 = tpu.memref_squeeze %dma_start3A_980 : memref<1x32x1024xf32, #tpu.memory_space<vmem>> -> memref<32x1024xf32, #tpu.memory_space<vmem>>
    %dma_start3A_982 = arith.constant 0 : i32
    %dma_start3A_983 = arith.constant 0 : i32
    %dma_start3A_984 = tpu.memref_slice %arg11[%dma_start3A_982, %dma_start3A_983] : memref<1001x1024xf32, #tpu.memory_space<vmem_shared>> -> memref<1001x1024xf32, #tpu.memory_space<vmem_shared>>
    tpu.enqueue_indirect_dma source(%dma_start3A_984 : memref<1001x1024xf32, #tpu.memory_space<vmem_shared>>) target(%dma_start3A_981 : memref<32x1024xf32, #tpu.memory_space<vmem>>) offsets(%arg10 : memref<32xi32, #tpu.memory_space<vmem>>) semaphore(%arg12 : memref<!tpu.dma_semaphore, #tpu.memory_space<semaphore_mem>>)
    %dma_wait3A_985 = arith.constant 0 : i32
    %dma_wait3A_986 = arith.constant 0 : i32
    %dma_wait3A_987 = arith.constant 0 : i32
    %dma_wait3A_988 = tpu.memref_slice %arg8[%dma_wait3A_985, %dma_wait3A_986, %dma_wait3A_987] : memref<2x32x1024xf32, #tpu.memory_space<vmem>> -> memref<1x32x1024xf32, #tpu.memory_space<vmem>>
    %dma_wait3A_989 = tpu.memref_squeeze %dma_wait3A_988 : memref<1x32x1024xf32, #tpu.memory_space<vmem>> -> memref<32x1024xf32, #tpu.memory_space<vmem>>
    %dma_wait3A_990 = arith.constant 0 : i32
    %dma_wait3A_991 = arith.constant 0 : i32
    %dma_wait3A_992 = tpu.memref_slice %arg11[%dma_wait3A_990, %dma_wait3A_991] : memref<1001x1024xf32, #tpu.memory_space<vmem_shared>> -> memref<1001x1024xf32, #tpu.memory_space<vmem_shared>>
    tpu.wait_indirect_dma semaphore(%arg12 : memref<!tpu.dma_semaphore, #tpu.memory_space<semaphore_mem>>) src(%dma_wait3A_992 : memref<1001x1024xf32, #tpu.memory_space<vmem_shared>>) dst(%dma_wait3A_989 : memref<32x1024xf32, #tpu.memory_space<vmem>>)
    %add3A_993 = arith.constant 192 : i32
    %add3A_994 = arith.addi %mul3A_2, %add3A_993 : i32
    %dma_start3A_995 = arith.constant 0 : i32
    %dma_start3A_996 = arith.constant 0 : i32
    %dma_start3A_997 = arith.constant 0 : i32
    %dma_start3A_998 = tpu.memref_slice %arg8[%dma_start3A_995, %dma_start3A_996, %dma_start3A_997] : memref<2x32x1024xf32, #tpu.memory_space<vmem>> -> memref<1x32x1024xf32, #tpu.memory_space<vmem>>
    %dma_start3A_999 = tpu.memref_squeeze %dma_start3A_998 : memref<1x32x1024xf32, #tpu.memory_space<vmem>> -> memref<32x1024xf32, #tpu.memory_space<vmem>>
    %dma_start3A_1000 = arith.constant 0 : i32
    %dma_start3A_1001 = tpu.memref_slice %arg5[%add3A_994, %dma_start3A_1000] : memref<16384x1024xf32, #tpu.memory_space<hbm>> -> memref<32x1024xf32, #tpu.memory_space<hbm>>
    %dma_start3A_1002 = arith.constant 0 : i32
    %dma_start3A_1003 = tpu.memref_slice %arg5[%add3A_994, %dma_start3A_1002] : memref<16384x1024xf32, #tpu.memory_space<hbm>> -> memref<32x1024xf32, #tpu.memory_space<hbm>>
    %dma_start3A_1004 = arith.constant 0 : i32
    %dma_start3A_1005 = arith.constant 0 : i32
    %dma_start3A_1006 = tpu.memref_slice %arg8[%dma_start3A_995, %dma_start3A_1004, %dma_start3A_1005] : memref<2x32x1024xf32, #tpu.memory_space<vmem>> -> memref<1x32x1024xf32, #tpu.memory_space<vmem>>
    %dma_start3A_1007 = tpu.memref_squeeze %dma_start3A_1006 : memref<1x32x1024xf32, #tpu.memory_space<vmem>> -> memref<32x1024xf32, #tpu.memory_space<vmem>>
    tpu.enqueue_dma source(%dma_start3A_1007 : memref<32x1024xf32, #tpu.memory_space<vmem>>) target(%dma_start3A_1003 : memref<32x1024xf32, #tpu.memory_space<hbm>>) target_semaphore(%arg13 : memref<!tpu.dma_semaphore, #tpu.memory_space<semaphore_mem>>)
    %dma_wait3A_1008 = arith.constant 0 : i32
    %dma_wait3A_1009 = arith.constant 0 : i32
    %dma_wait3A_1010 = arith.constant 0 : i32
    %dma_wait3A_1011 = tpu.memref_slice %arg8[%dma_wait3A_1008, %dma_wait3A_1009, %dma_wait3A_1010] : memref<2x32x1024xf32, #tpu.memory_space<vmem>> -> memref<1x32x1024xf32, #tpu.memory_space<vmem>>
    %dma_wait3A_1012 = tpu.memref_squeeze %dma_wait3A_1011 : memref<1x32x1024xf32, #tpu.memory_space<vmem>> -> memref<32x1024xf32, #tpu.memory_space<vmem>>
    %dma_wait3A_1013 = arith.constant 0 : i32
    %dma_wait3A_1014 = tpu.memref_slice %arg5[%add3A_994, %dma_wait3A_1013] : memref<16384x1024xf32, #tpu.memory_space<hbm>> -> memref<32x1024xf32, #tpu.memory_space<hbm>>
    %dma_wait3A_1015 = arith.constant 0 : i32
    %dma_wait3A_1016 = tpu.memref_slice %arg5[%add3A_994, %dma_wait3A_1015] : memref<16384x1024xf32, #tpu.memory_space<hbm>> -> memref<32x1024xf32, #tpu.memory_space<hbm>>
    %dma_wait3A_1017 = arith.constant 0 : i32
    %dma_wait3A_1018 = arith.constant 0 : i32
    %dma_wait3A_1019 = tpu.memref_slice %arg8[%dma_wait3A_1008, %dma_wait3A_1017, %dma_wait3A_1018] : memref<2x32x1024xf32, #tpu.memory_space<vmem>> -> memref<1x32x1024xf32, #tpu.memory_space<vmem>>
    %dma_wait3A_1020 = tpu.memref_squeeze %dma_wait3A_1019 : memref<1x32x1024xf32, #tpu.memory_space<vmem>> -> memref<32x1024xf32, #tpu.memory_space<vmem>>
    tpu.wait_dma2 semaphore(%arg13 : memref<!tpu.dma_semaphore, #tpu.memory_space<semaphore_mem>>) src(%dma_wait3A_1020 : memref<32x1024xf32, #tpu.memory_space<vmem>>) dst(%dma_wait3A_1016 : memref<32x1024xf32, #tpu.memory_space<hbm>>)
    %get3A_1021 = arith.constant 256 : index
    %get3A_1022 = tpu.vector_load %arg6[%get3A_1021] {strides = array<i32>} : memref<512xi32, #tpu.memory_space<vmem>>, vector<16xi32>,
    %get3A_1023 = vector.shape_cast %get3A_1022 : vector<16xi32> to vector<16xi32>
    %swap3A_1024 = arith.constant 0 : index
    %swap3A_1025 = tpu.vector_load %arg9[%swap3A_1024] {strides = array<i32>} : memref<32xi32, #tpu.memory_space<vmem>>, vector<16xi32>,
    %swap3A_1026 = vector.shape_cast %swap3A_1025 : vector<16xi32> to vector<16xi32>
    %swap3A_1027 = vector.shape_cast %get3A_1023 : vector<16xi32> to vector<16xi32>
    tpu.vector_store %arg9[%swap3A_1024], %swap3A_1027 {strides = array<i32>} : memref<32xi32, #tpu.memory_space<vmem>>, vector<16xi32>,
    %get3A_1028 = arith.constant 272 : index
    %get3A_1029 = tpu.vector_load %arg6[%get3A_1028] {strides = array<i32>} : memref<512xi32, #tpu.memory_space<vmem>>, vector<16xi32>,
    %get3A_1030 = vector.shape_cast %get3A_1029 : vector<16xi32> to vector<16xi32>
    %swap3A_1031 = arith.constant 16 : index
    %swap3A_1032 = tpu.vector_load %arg9[%swap3A_1031] {strides = array<i32>} : memref<32xi32, #tpu.memory_space<vmem>>, vector<16xi32>,
    %swap3A_1033 = vector.shape_cast %swap3A_1032 : vector<16xi32> to vector<16xi32>
    %swap3A_1034 = vector.shape_cast %get3A_1030 : vector<16xi32> to vector<16xi32>
    tpu.vector_store %arg9[%swap3A_1031], %swap3A_1034 {strides = array<i32>} : memref<32xi32, #tpu.memory_space<vmem>>, vector<16xi32>,
    %dma_start3A_1035 = arith.constant 0 : i32
    %dma_start3A_1036 = arith.constant 0 : i32
    %dma_start3A_1037 = arith.constant 0 : i32
    %dma_start3A_1038 = tpu.memref_slice %arg8[%dma_start3A_1035, %dma_start3A_1036, %dma_start3A_1037] : memref<2x32x1024xf32, #tpu.memory_space<vmem>> -> memref<1x32x1024xf32, #tpu.memory_space<vmem>>
    %dma_start3A_1039 = tpu.memref_squeeze %dma_start3A_1038 : memref<1x32x1024xf32, #tpu.memory_space<vmem>> -> memref<32x1024xf32, #tpu.memory_space<vmem>>
    %dma_start3A_1040 = arith.constant 0 : i32
    %dma_start3A_1041 = arith.constant 0 : i32
    %dma_start3A_1042 = tpu.memref_slice %arg11[%dma_start3A_1040, %dma_start3A_1041] : memref<1001x1024xf32, #tpu.memory_space<vmem_shared>> -> memref<1001x1024xf32, #tpu.memory_space<vmem_shared>>
    tpu.enqueue_indirect_dma source(%dma_start3A_1042 : memref<1001x1024xf32, #tpu.memory_space<vmem_shared>>) target(%dma_start3A_1039 : memref<32x1024xf32, #tpu.memory_space<vmem>>) offsets(%arg9 : memref<32xi32, #tpu.memory_space<vmem>>) semaphore(%arg12 : memref<!tpu.dma_semaphore, #tpu.memory_space<semaphore_mem>>)
    %dma_wait3A_1043 = arith.constant 1 : i32
    %dma_wait3A_1044 = arith.constant 0 : i32
    %dma_wait3A_1045 = arith.constant 0 : i32
    %dma_wait3A_1046 = tpu.memref_slice %arg8[%dma_wait3A_1043, %dma_wait3A_1044, %dma_wait3A_1045] : memref<2x32x1024xf32, #tpu.memory_space<vmem>> -> memref<1x32x1024xf32, #tpu.memory_space<vmem>>
    %dma_wait3A_1047 = tpu.memref_squeeze %dma_wait3A_1046 : memref<1x32x1024xf32, #tpu.memory_space<vmem>> -> memref<32x1024xf32, #tpu.memory_space<vmem>>
    %dma_wait3A_1048 = arith.constant 0 : i32
    %dma_wait3A_1049 = arith.constant 0 : i32
    %dma_wait3A_1050 = tpu.memref_slice %arg11[%dma_wait3A_1048, %dma_wait3A_1049] : memref<1001x1024xf32, #tpu.memory_space<vmem_shared>> -> memref<1001x1024xf32, #tpu.memory_space<vmem_shared>>
    tpu.wait_indirect_dma semaphore(%arg12 : memref<!tpu.dma_semaphore, #tpu.memory_space<semaphore_mem>>) src(%dma_wait3A_1050 : memref<1001x1024xf32, #tpu.memory_space<vmem_shared>>) dst(%dma_wait3A_1047 : memref<32x1024xf32, #tpu.memory_space<vmem>>)
    %add3A_1051 = arith.constant 224 : i32
    %add3A_1052 = arith.addi %mul3A_2, %add3A_1051 : i32
    %dma_start3A_1053 = arith.constant 1 : i32
    %dma_start3A_1054 = arith.constant 0 : i32
    %dma_start3A_1055 = arith.constant 0 : i32
    %dma_start3A_1056 = tpu.memref_slice %arg8[%dma_start3A_1053, %dma_start3A_1054, %dma_start3A_1055] : memref<2x32x1024xf32, #tpu.memory_space<vmem>> -> memref<1x32x1024xf32, #tpu.memory_space<vmem>>
    %dma_start3A_1057 = tpu.memref_squeeze %dma_start3A_1056 : memref<1x32x1024xf32, #tpu.memory_space<vmem>> -> memref<32x1024xf32, #tpu.memory_space<vmem>>
    %dma_start3A_1058 = arith.constant 0 : i32
    %dma_start3A_1059 = tpu.memref_slice %arg5[%add3A_1052, %dma_start3A_1058] : memref<16384x1024xf32, #tpu.memory_space<hbm>> -> memref<32x1024xf32, #tpu.memory_space<hbm>>
    %dma_start3A_1060 = arith.constant 0 : i32
    %dma_start3A_1061 = tpu.memref_slice %arg5[%add3A_1052, %dma_start3A_1060] : memref<16384x1024xf32, #tpu.memory_space<hbm>> -> memref<32x1024xf32, #tpu.memory_space<hbm>>
    %dma_start3A_1062 = arith.constant 0 : i32
    %dma_start3A_1063 = arith.constant 0 : i32
    %dma_start3A_1064 = tpu.memref_slice %arg8[%dma_start3A_1053, %dma_start3A_1062, %dma_start3A_1063] : memref<2x32x1024xf32, #tpu.memory_space<vmem>> -> memref<1x32x1024xf32, #tpu.memory_space<vmem>>
    %dma_start3A_1065 = tpu.memref_squeeze %dma_start3A_1064 : memref<1x32x1024xf32, #tpu.memory_space<vmem>> -> memref<32x1024xf32, #tpu.memory_space<vmem>>
    tpu.enqueue_dma source(%dma_start3A_1065 : memref<32x1024xf32, #tpu.memory_space<vmem>>) target(%dma_start3A_1061 : memref<32x1024xf32, #tpu.memory_space<hbm>>) target_semaphore(%arg13 : memref<!tpu.dma_semaphore, #tpu.memory_space<semaphore_mem>>)
    %dma_wait3A_1066 = arith.constant 1 : i32
    %dma_wait3A_1067 = arith.constant 0 : i32
    %dma_wait3A_1068 = arith.constant 0 : i32
    %dma_wait3A_1069 = tpu.memref_slice %arg8[%dma_wait3A_1066, %dma_wait3A_1067, %dma_wait3A_1068] : memref<2x32x1024xf32, #tpu.memory_space<vmem>> -> memref<1x32x1024xf32, #tpu.memory_space<vmem>>
    %dma_wait3A_1070 = tpu.memref_squeeze %dma_wait3A_1069 : memref<1x32x1024xf32, #tpu.memory_space<vmem>> -> memref<32x1024xf32, #tpu.memory_space<vmem>>
    %dma_wait3A_1071 = arith.constant 0 : i32
    %dma_wait3A_1072 = tpu.memref_slice %arg5[%add3A_1052, %dma_wait3A_1071] : memref<16384x1024xf32, #tpu.memory_space<hbm>> -> memref<32x1024xf32, #tpu.memory_space<hbm>>
    %dma_wait3A_1073 = arith.constant 0 : i32
    %dma_wait3A_1074 = tpu.memref_slice %arg5[%add3A_1052, %dma_wait3A_1073] : memref<16384x1024xf32, #tpu.memory_space<hbm>> -> memref<32x1024xf32, #tpu.memory_space<hbm>>
    %dma_wait3A_1075 = arith.constant 0 : i32
    %dma_wait3A_1076 = arith.constant 0 : i32
    %dma_wait3A_1077 = tpu.memref_slice %arg8[%dma_wait3A_1066, %dma_wait3A_1075, %dma_wait3A_1076] : memref<2x32x1024xf32, #tpu.memory_space<vmem>> -> memref<1x32x1024xf32, #tpu.memory_space<vmem>>
    %dma_wait3A_1078 = tpu.memref_squeeze %dma_wait3A_1077 : memref<1x32x1024xf32, #tpu.memory_space<vmem>> -> memref<32x1024xf32, #tpu.memory_space<vmem>>
    tpu.wait_dma2 semaphore(%arg13 : memref<!tpu.dma_semaphore, #tpu.memory_space<semaphore_mem>>) src(%dma_wait3A_1078 : memref<32x1024xf32, #tpu.memory_space<vmem>>) dst(%dma_wait3A_1074 : memref<32x1024xf32, #tpu.memory_space<hbm>>)
    %get3A_1079 = arith.constant 288 : index
    %get3A_1080 = tpu.vector_load %arg6[%get3A_1079] {strides = array<i32>} : memref<512xi32, #tpu.memory_space<vmem>>, vector<16xi32>,
    %get3A_1081 = vector.shape_cast %get3A_1080 : vector<16xi32> to vector<16xi32>
    %swap3A_1082 = arith.constant 0 : index
    %swap3A_1083 = tpu.vector_load %arg10[%swap3A_1082] {strides = array<i32>} : memref<32xi32, #tpu.memory_space<vmem>>, vector<16xi32>,
    %swap3A_1084 = vector.shape_cast %swap3A_1083 : vector<16xi32> to vector<16xi32>
    %swap3A_1085 = vector.shape_cast %get3A_1081 : vector<16xi32> to vector<16xi32>
    tpu.vector_store %arg10[%swap3A_1082], %swap3A_1085 {strides = array<i32>} : memref<32xi32, #tpu.memory_space<vmem>>, vector<16xi32>,
    %get3A_1086 = arith.constant 304 : index
    %get3A_1087 = tpu.vector_load %arg6[%get3A_1086] {strides = array<i32>} : memref<512xi32, #tpu.memory_space<vmem>>, vector<16xi32>,
    %get3A_1088 = vector.shape_cast %get3A_1087 : vector<16xi32> to vector<16xi32>
    %swap3A_1089 = arith.constant 16 : index
    %swap3A_1090 = tpu.vector_load %arg10[%swap3A_1089] {strides = array<i32>} : memref<32xi32, #tpu.memory_space<vmem>>, vector<16xi32>,
    %swap3A_1091 = vector.shape_cast %swap3A_1090 : vector<16xi32> to vector<16xi32>
    %swap3A_1092 = vector.shape_cast %get3A_1088 : vector<16xi32> to vector<16xi32>
    tpu.vector_store %arg10[%swap3A_1089], %swap3A_1092 {strides = array<i32>} : memref<32xi32, #tpu.memory_space<vmem>>, vector<16xi32>,
    %dma_start3A_1093 = arith.constant 1 : i32
    %dma_start3A_1094 = arith.constant 0 : i32
    %dma_start3A_1095 = arith.constant 0 : i32
    %dma_start3A_1096 = tpu.memref_slice %arg8[%dma_start3A_1093, %dma_start3A_1094, %dma_start3A_1095] : memref<2x32x1024xf32, #tpu.memory_space<vmem>> -> memref<1x32x1024xf32, #tpu.memory_space<vmem>>
    %dma_start3A_1097 = tpu.memref_squeeze %dma_start3A_1096 : memref<1x32x1024xf32, #tpu.memory_space<vmem>> -> memref<32x1024xf32, #tpu.memory_space<vmem>>
    %dma_start3A_1098 = arith.constant 0 : i32
    %dma_start3A_1099 = arith.constant 0 : i32
    %dma_start3A_1100 = tpu.memref_slice %arg11[%dma_start3A_1098, %dma_start3A_1099] : memref<1001x1024xf32, #tpu.memory_space<vmem_shared>> -> memref<1001x1024xf32, #tpu.memory_space<vmem_shared>>
    tpu.enqueue_indirect_dma source(%dma_start3A_1100 : memref<1001x1024xf32, #tpu.memory_space<vmem_shared>>) target(%dma_start3A_1097 : memref<32x1024xf32, #tpu.memory_space<vmem>>) offsets(%arg10 : memref<32xi32, #tpu.memory_space<vmem>>) semaphore(%arg12 : memref<!tpu.dma_semaphore, #tpu.memory_space<semaphore_mem>>)
    %dma_wait3A_1101 = arith.constant 0 : i32
    %dma_wait3A_1102 = arith.constant 0 : i32
    %dma_wait3A_1103 = arith.constant 0 : i32
    %dma_wait3A_1104 = tpu.memref_slice %arg8[%dma_wait3A_1101, %dma_wait3A_1102, %dma_wait3A_1103] : memref<2x32x1024xf32, #tpu.memory_space<vmem>> -> memref<1x32x1024xf32, #tpu.memory_space<vmem>>
    %dma_wait3A_1105 = tpu.memref_squeeze %dma_wait3A_1104 : memref<1x32x1024xf32, #tpu.memory_space<vmem>> -> memref<32x1024xf32, #tpu.memory_space<vmem>>
    %dma_wait3A_1106 = arith.constant 0 : i32
    %dma_wait3A_1107 = arith.constant 0 : i32
    %dma_wait3A_1108 = tpu.memref_slice %arg11[%dma_wait3A_1106, %dma_wait3A_1107] : memref<1001x1024xf32, #tpu.memory_space<vmem_shared>> -> memref<1001x1024xf32, #tpu.memory_space<vmem_shared>>
    tpu.wait_indirect_dma semaphore(%arg12 : memref<!tpu.dma_semaphore, #tpu.memory_space<semaphore_mem>>) src(%dma_wait3A_1108 : memref<1001x1024xf32, #tpu.memory_space<vmem_shared>>) dst(%dma_wait3A_1105 : memref<32x1024xf32, #tpu.memory_space<vmem>>)
    %add3A_1109 = arith.constant 256 : i32
    %add3A_1110 = arith.addi %mul3A_2, %add3A_1109 : i32
    %dma_start3A_1111 = arith.constant 0 : i32
    %dma_start3A_1112 = arith.constant 0 : i32
    %dma_start3A_1113 = arith.constant 0 : i32
    %dma_start3A_1114 = tpu.memref_slice %arg8[%dma_start3A_1111, %dma_start3A_1112, %dma_start3A_1113] : memref<2x32x1024xf32, #tpu.memory_space<vmem>> -> memref<1x32x1024xf32, #tpu.memory_space<vmem>>
    %dma_start3A_1115 = tpu.memref_squeeze %dma_start3A_1114 : memref<1x32x1024xf32, #tpu.memory_space<vmem>> -> memref<32x1024xf32, #tpu.memory_space<vmem>>
    %dma_start3A_1116 = arith.constant 0 : i32
    %dma_start3A_1117 = tpu.memref_slice %arg5[%add3A_1110, %dma_start3A_1116] : memref<16384x1024xf32, #tpu.memory_space<hbm>> -> memref<32x1024xf32, #tpu.memory_space<hbm>>
    %dma_start3A_1118 = arith.constant 0 : i32
    %dma_start3A_1119 = tpu.memref_slice %arg5[%add3A_1110, %dma_start3A_1118] : memref<16384x1024xf32, #tpu.memory_space<hbm>> -> memref<32x1024xf32, #tpu.memory_space<hbm>>
    %dma_start3A_1120 = arith.constant 0 : i32
    %dma_start3A_1121 = arith.constant 0 : i32
    %dma_start3A_1122 = tpu.memref_slice %arg8[%dma_start3A_1111, %dma_start3A_1120, %dma_start3A_1121] : memref<2x32x1024xf32, #tpu.memory_space<vmem>> -> memref<1x32x1024xf32, #tpu.memory_space<vmem>>
    %dma_start3A_1123 = tpu.memref_squeeze %dma_start3A_1122 : memref<1x32x1024xf32, #tpu.memory_space<vmem>> -> memref<32x1024xf32, #tpu.memory_space<vmem>>
    tpu.enqueue_dma source(%dma_start3A_1123 : memref<32x1024xf32, #tpu.memory_space<vmem>>) target(%dma_start3A_1119 : memref<32x1024xf32, #tpu.memory_space<hbm>>) target_semaphore(%arg13 : memref<!tpu.dma_semaphore, #tpu.memory_space<semaphore_mem>>)
    %dma_wait3A_1124 = arith.constant 0 : i32
    %dma_wait3A_1125 = arith.constant 0 : i32
    %dma_wait3A_1126 = arith.constant 0 : i32
    %dma_wait3A_1127 = tpu.memref_slice %arg8[%dma_wait3A_1124, %dma_wait3A_1125, %dma_wait3A_1126] : memref<2x32x1024xf32, #tpu.memory_space<vmem>> -> memref<1x32x1024xf32, #tpu.memory_space<vmem>>
    %dma_wait3A_1128 = tpu.memref_squeeze %dma_wait3A_1127 : memref<1x32x1024xf32, #tpu.memory_space<vmem>> -> memref<32x1024xf32, #tpu.memory_space<vmem>>
    %dma_wait3A_1129 = arith.constant 0 : i32
    %dma_wait3A_1130 = tpu.memref_slice %arg5[%add3A_1110, %dma_wait3A_1129] : memref<16384x1024xf32, #tpu.memory_space<hbm>> -> memref<32x1024xf32, #tpu.memory_space<hbm>>
    %dma_wait3A_1131 = arith.constant 0 : i32
    %dma_wait3A_1132 = tpu.memref_slice %arg5[%add3A_1110, %dma_wait3A_1131] : memref<16384x1024xf32, #tpu.memory_space<hbm>> -> memref<32x1024xf32, #tpu.memory_space<hbm>>
    %dma_wait3A_1133 = arith.constant 0 : i32
    %dma_wait3A_1134 = arith.constant 0 : i32
    %dma_wait3A_1135 = tpu.memref_slice %arg8[%dma_wait3A_1124, %dma_wait3A_1133, %dma_wait3A_1134] : memref<2x32x1024xf32, #tpu.memory_space<vmem>> -> memref<1x32x1024xf32, #tpu.memory_space<vmem>>
    %dma_wait3A_1136 = tpu.memref_squeeze %dma_wait3A_1135 : memref<1x32x1024xf32, #tpu.memory_space<vmem>> -> memref<32x1024xf32, #tpu.memory_space<vmem>>
    tpu.wait_dma2 semaphore(%arg13 : memref<!tpu.dma_semaphore, #tpu.memory_space<semaphore_mem>>) src(%dma_wait3A_1136 : memref<32x1024xf32, #tpu.memory_space<vmem>>) dst(%dma_wait3A_1132 : memref<32x1024xf32, #tpu.memory_space<hbm>>)
    %get3A_1137 = arith.constant 320 : index
    %get3A_1138 = tpu.vector_load %arg6[%get3A_1137] {strides = array<i32>} : memref<512xi32, #tpu.memory_space<vmem>>, vector<16xi32>,
    %get3A_1139 = vector.shape_cast %get3A_1138 : vector<16xi32> to vector<16xi32>
    %swap3A_1140 = arith.constant 0 : index
    %swap3A_1141 = tpu.vector_load %arg9[%swap3A_1140] {strides = array<i32>} : memref<32xi32, #tpu.memory_space<vmem>>, vector<16xi32>,
    %swap3A_1142 = vector.shape_cast %swap3A_1141 : vector<16xi32> to vector<16xi32>
    %swap3A_1143 = vector.shape_cast %get3A_1139 : vector<16xi32> to vector<16xi32>
    tpu.vector_store %arg9[%swap3A_1140], %swap3A_1143 {strides = array<i32>} : memref<32xi32, #tpu.memory_space<vmem>>, vector<16xi32>,
    %get3A_1144 = arith.constant 336 : index
    %get3A_1145 = tpu.vector_load %arg6[%get3A_1144] {strides = array<i32>} : memref<512xi32, #tpu.memory_space<vmem>>, vector<16xi32>,
    %get3A_1146 = vector.shape_cast %get3A_1145 : vector<16xi32> to vector<16xi32>
    %swap3A_1147 = arith.constant 16 : index
    %swap3A_1148 = tpu.vector_load %arg9[%swap3A_1147] {strides = array<i32>} : memref<32xi32, #tpu.memory_space<vmem>>, vector<16xi32>,
    %swap3A_1149 = vector.shape_cast %swap3A_1148 : vector<16xi32> to vector<16xi32>
    %swap3A_1150 = vector.shape_cast %get3A_1146 : vector<16xi32> to vector<16xi32>
    tpu.vector_store %arg9[%swap3A_1147], %swap3A_1150 {strides = array<i32>} : memref<32xi32, #tpu.memory_space<vmem>>, vector<16xi32>,
    %dma_start3A_1151 = arith.constant 0 : i32
    %dma_start3A_1152 = arith.constant 0 : i32
    %dma_start3A_1153 = arith.constant 0 : i32
    %dma_start3A_1154 = tpu.memref_slice %arg8[%dma_start3A_1151, %dma_start3A_1152, %dma_start3A_1153] : memref<2x32x1024xf32, #tpu.memory_space<vmem>> -> memref<1x32x1024xf32, #tpu.memory_space<vmem>>
    %dma_start3A_1155 = tpu.memref_squeeze %dma_start3A_1154 : memref<1x32x1024xf32, #tpu.memory_space<vmem>> -> memref<32x1024xf32, #tpu.memory_space<vmem>>
    %dma_start3A_1156 = arith.constant 0 : i32
    %dma_start3A_1157 = arith.constant 0 : i32
    %dma_start3A_1158 = tpu.memref_slice %arg11[%dma_start3A_1156, %dma_start3A_1157] : memref<1001x1024xf32, #tpu.memory_space<vmem_shared>> -> memref<1001x1024xf32, #tpu.memory_space<vmem_shared>>
    tpu.enqueue_indirect_dma source(%dma_start3A_1158 : memref<1001x1024xf32, #tpu.memory_space<vmem_shared>>) target(%dma_start3A_1155 : memref<32x1024xf32, #tpu.memory_space<vmem>>) offsets(%arg9 : memref<32xi32, #tpu.memory_space<vmem>>) semaphore(%arg12 : memref<!tpu.dma_semaphore, #tpu.memory_space<semaphore_mem>>)
    %dma_wait3A_1159 = arith.constant 1 : i32
    %dma_wait3A_1160 = arith.constant 0 : i32
    %dma_wait3A_1161 = arith.constant 0 : i32
    %dma_wait3A_1162 = tpu.memref_slice %arg8[%dma_wait3A_1159, %dma_wait3A_1160, %dma_wait3A_1161] : memref<2x32x1024xf32, #tpu.memory_space<vmem>> -> memref<1x32x1024xf32, #tpu.memory_space<vmem>>
    %dma_wait3A_1163 = tpu.memref_squeeze %dma_wait3A_1162 : memref<1x32x1024xf32, #tpu.memory_space<vmem>> -> memref<32x1024xf32, #tpu.memory_space<vmem>>
    %dma_wait3A_1164 = arith.constant 0 : i32
    %dma_wait3A_1165 = arith.constant 0 : i32
    %dma_wait3A_1166 = tpu.memref_slice %arg11[%dma_wait3A_1164, %dma_wait3A_1165] : memref<1001x1024xf32, #tpu.memory_space<vmem_shared>> -> memref<1001x1024xf32, #tpu.memory_space<vmem_shared>>
    tpu.wait_indirect_dma semaphore(%arg12 : memref<!tpu.dma_semaphore, #tpu.memory_space<semaphore_mem>>) src(%dma_wait3A_1166 : memref<1001x1024xf32, #tpu.memory_space<vmem_shared>>) dst(%dma_wait3A_1163 : memref<32x1024xf32, #tpu.memory_space<vmem>>)
    %add3A_1167 = arith.constant 288 : i32
    %add3A_1168 = arith.addi %mul3A_2, %add3A_1167 : i32
    %dma_start3A_1169 = arith.constant 1 : i32
    %dma_start3A_1170 = arith.constant 0 : i32
    %dma_start3A_1171 = arith.constant 0 : i32
    %dma_start3A_1172 = tpu.memref_slice %arg8[%dma_start3A_1169, %dma_start3A_1170, %dma_start3A_1171] : memref<2x32x1024xf32, #tpu.memory_space<vmem>> -> memref<1x32x1024xf32, #tpu.memory_space<vmem>>
    %dma_start3A_1173 = tpu.memref_squeeze %dma_start3A_1172 : memref<1x32x1024xf32, #tpu.memory_space<vmem>> -> memref<32x1024xf32, #tpu.memory_space<vmem>>
    %dma_start3A_1174 = arith.constant 0 : i32
    %dma_start3A_1175 = tpu.memref_slice %arg5[%add3A_1168, %dma_start3A_1174] : memref<16384x1024xf32, #tpu.memory_space<hbm>> -> memref<32x1024xf32, #tpu.memory_space<hbm>>
    %dma_start3A_1176 = arith.constant 0 : i32
    %dma_start3A_1177 = tpu.memref_slice %arg5[%add3A_1168, %dma_start3A_1176] : memref<16384x1024xf32, #tpu.memory_space<hbm>> -> memref<32x1024xf32, #tpu.memory_space<hbm>>
    %dma_start3A_1178 = arith.constant 0 : i32
    %dma_start3A_1179 = arith.constant 0 : i32
    %dma_start3A_1180 = tpu.memref_slice %arg8[%dma_start3A_1169, %dma_start3A_1178, %dma_start3A_1179] : memref<2x32x1024xf32, #tpu.memory_space<vmem>> -> memref<1x32x1024xf32, #tpu.memory_space<vmem>>
    %dma_start3A_1181 = tpu.memref_squeeze %dma_start3A_1180 : memref<1x32x1024xf32, #tpu.memory_space<vmem>> -> memref<32x1024xf32, #tpu.memory_space<vmem>>
    tpu.enqueue_dma source(%dma_start3A_1181 : memref<32x1024xf32, #tpu.memory_space<vmem>>) target(%dma_start3A_1177 : memref<32x1024xf32, #tpu.memory_space<hbm>>) target_semaphore(%arg13 : memref<!tpu.dma_semaphore, #tpu.memory_space<semaphore_mem>>)
    %dma_wait3A_1182 = arith.constant 1 : i32
    %dma_wait3A_1183 = arith.constant 0 : i32
    %dma_wait3A_1184 = arith.constant 0 : i32
    %dma_wait3A_1185 = tpu.memref_slice %arg8[%dma_wait3A_1182, %dma_wait3A_1183, %dma_wait3A_1184] : memref<2x32x1024xf32, #tpu.memory_space<vmem>> -> memref<1x32x1024xf32, #tpu.memory_space<vmem>>
    %dma_wait3A_1186 = tpu.memref_squeeze %dma_wait3A_1185 : memref<1x32x1024xf32, #tpu.memory_space<vmem>> -> memref<32x1024xf32, #tpu.memory_space<vmem>>
    %dma_wait3A_1187 = arith.constant 0 : i32
    %dma_wait3A_1188 = tpu.memref_slice %arg5[%add3A_1168, %dma_wait3A_1187] : memref<16384x1024xf32, #tpu.memory_space<hbm>> -> memref<32x1024xf32, #tpu.memory_space<hbm>>
    %dma_wait3A_1189 = arith.constant 0 : i32
    %dma_wait3A_1190 = tpu.memref_slice %arg5[%add3A_1168, %dma_wait3A_1189] : memref<16384x1024xf32, #tpu.memory_space<hbm>> -> memref<32x1024xf32, #tpu.memory_space<hbm>>
    %dma_wait3A_1191 = arith.constant 0 : i32
    %dma_wait3A_1192 = arith.constant 0 : i32
    %dma_wait3A_1193 = tpu.memref_slice %arg8[%dma_wait3A_1182, %dma_wait3A_1191, %dma_wait3A_1192] : memref<2x32x1024xf32, #tpu.memory_space<vmem>> -> memref<1x32x1024xf32, #tpu.memory_space<vmem>>
    %dma_wait3A_1194 = tpu.memref_squeeze %dma_wait3A_1193 : memref<1x32x1024xf32, #tpu.memory_space<vmem>> -> memref<32x1024xf32, #tpu.memory_space<vmem>>
    tpu.wait_dma2 semaphore(%arg13 : memref<!tpu.dma_semaphore, #tpu.memory_space<semaphore_mem>>) src(%dma_wait3A_1194 : memref<32x1024xf32, #tpu.memory_space<vmem>>) dst(%dma_wait3A_1190 : memref<32x1024xf32, #tpu.memory_space<hbm>>)
    %get3A_1195 = arith.constant 352 : index
    %get3A_1196 = tpu.vector_load %arg6[%get3A_1195] {strides = array<i32>} : memref<512xi32, #tpu.memory_space<vmem>>, vector<16xi32>,
    %get3A_1197 = vector.shape_cast %get3A_1196 : vector<16xi32> to vector<16xi32>
    %swap3A_1198 = arith.constant 0 : index
    %swap3A_1199 = tpu.vector_load %arg10[%swap3A_1198] {strides = array<i32>} : memref<32xi32, #tpu.memory_space<vmem>>, vector<16xi32>,
    %swap3A_1200 = vector.shape_cast %swap3A_1199 : vector<16xi32> to vector<16xi32>
    %swap3A_1201 = vector.shape_cast %get3A_1197 : vector<16xi32> to vector<16xi32>
    tpu.vector_store %arg10[%swap3A_1198], %swap3A_1201 {strides = array<i32>} : memref<32xi32, #tpu.memory_space<vmem>>, vector<16xi32>,
    %get3A_1202 = arith.constant 368 : index
    %get3A_1203 = tpu.vector_load %arg6[%get3A_1202] {strides = array<i32>} : memref<512xi32, #tpu.memory_space<vmem>>, vector<16xi32>,
    %get3A_1204 = vector.shape_cast %get3A_1203 : vector<16xi32> to vector<16xi32>
    %swap3A_1205 = arith.constant 16 : index
    %swap3A_1206 = tpu.vector_load %arg10[%swap3A_1205] {strides = array<i32>} : memref<32xi32, #tpu.memory_space<vmem>>, vector<16xi32>,
    %swap3A_1207 = vector.shape_cast %swap3A_1206 : vector<16xi32> to vector<16xi32>
    %swap3A_1208 = vector.shape_cast %get3A_1204 : vector<16xi32> to vector<16xi32>
    tpu.vector_store %arg10[%swap3A_1205], %swap3A_1208 {strides = array<i32>} : memref<32xi32, #tpu.memory_space<vmem>>, vector<16xi32>,
    %dma_start3A_1209 = arith.constant 1 : i32
    %dma_start3A_1210 = arith.constant 0 : i32
    %dma_start3A_1211 = arith.constant 0 : i32
    %dma_start3A_1212 = tpu.memref_slice %arg8[%dma_start3A_1209, %dma_start3A_1210, %dma_start3A_1211] : memref<2x32x1024xf32, #tpu.memory_space<vmem>> -> memref<1x32x1024xf32, #tpu.memory_space<vmem>>
    %dma_start3A_1213 = tpu.memref_squeeze %dma_start3A_1212 : memref<1x32x1024xf32, #tpu.memory_space<vmem>> -> memref<32x1024xf32, #tpu.memory_space<vmem>>
    %dma_start3A_1214 = arith.constant 0 : i32
    %dma_start3A_1215 = arith.constant 0 : i32
    %dma_start3A_1216 = tpu.memref_slice %arg11[%dma_start3A_1214, %dma_start3A_1215] : memref<1001x1024xf32, #tpu.memory_space<vmem_shared>> -> memref<1001x1024xf32, #tpu.memory_space<vmem_shared>>
    tpu.enqueue_indirect_dma source(%dma_start3A_1216 : memref<1001x1024xf32, #tpu.memory_space<vmem_shared>>) target(%dma_start3A_1213 : memref<32x1024xf32, #tpu.memory_space<vmem>>) offsets(%arg10 : memref<32xi32, #tpu.memory_space<vmem>>) semaphore(%arg12 : memref<!tpu.dma_semaphore, #tpu.memory_space<semaphore_mem>>)
    %dma_wait3A_1217 = arith.constant 0 : i32
    %dma_wait3A_1218 = arith.constant 0 : i32
    %dma_wait3A_1219 = arith.constant 0 : i32
    %dma_wait3A_1220 = tpu.memref_slice %arg8[%dma_wait3A_1217, %dma_wait3A_1218, %dma_wait3A_1219] : memref<2x32x1024xf32, #tpu.memory_space<vmem>> -> memref<1x32x1024xf32, #tpu.memory_space<vmem>>
    %dma_wait3A_1221 = tpu.memref_squeeze %dma_wait3A_1220 : memref<1x32x1024xf32, #tpu.memory_space<vmem>> -> memref<32x1024xf32, #tpu.memory_space<vmem>>
    %dma_wait3A_1222 = arith.constant 0 : i32
    %dma_wait3A_1223 = arith.constant 0 : i32
    %dma_wait3A_1224 = tpu.memref_slice %arg11[%dma_wait3A_1222, %dma_wait3A_1223] : memref<1001x1024xf32, #tpu.memory_space<vmem_shared>> -> memref<1001x1024xf32, #tpu.memory_space<vmem_shared>>
    tpu.wait_indirect_dma semaphore(%arg12 : memref<!tpu.dma_semaphore, #tpu.memory_space<semaphore_mem>>) src(%dma_wait3A_1224 : memref<1001x1024xf32, #tpu.memory_space<vmem_shared>>) dst(%dma_wait3A_1221 : memref<32x1024xf32, #tpu.memory_space<vmem>>)
    %add3A_1225 = arith.constant 320 : i32
    %add3A_1226 = arith.addi %mul3A_2, %add3A_1225 : i32
    %dma_start3A_1227 = arith.constant 0 : i32
    %dma_start3A_1228 = arith.constant 0 : i32
    %dma_start3A_1229 = arith.constant 0 : i32
    %dma_start3A_1230 = tpu.memref_slice %arg8[%dma_start3A_1227, %dma_start3A_1228, %dma_start3A_1229] : memref<2x32x1024xf32, #tpu.memory_space<vmem>> -> memref<1x32x1024xf32, #tpu.memory_space<vmem>>
    %dma_start3A_1231 = tpu.memref_squeeze %dma_start3A_1230 : memref<1x32x1024xf32, #tpu.memory_space<vmem>> -> memref<32x1024xf32, #tpu.memory_space<vmem>>
    %dma_start3A_1232 = arith.constant 0 : i32
    %dma_start3A_1233 = tpu.memref_slice %arg5[%add3A_1226, %dma_start3A_1232] : memref<16384x1024xf32, #tpu.memory_space<hbm>> -> memref<32x1024xf32, #tpu.memory_space<hbm>>
    %dma_start3A_1234 = arith.constant 0 : i32
    %dma_start3A_1235 = tpu.memref_slice %arg5[%add3A_1226, %dma_start3A_1234] : memref<16384x1024xf32, #tpu.memory_space<hbm>> -> memref<32x1024xf32, #tpu.memory_space<hbm>>
    %dma_start3A_1236 = arith.constant 0 : i32
    %dma_start3A_1237 = arith.constant 0 : i32
    %dma_start3A_1238 = tpu.memref_slice %arg8[%dma_start3A_1227, %dma_start3A_1236, %dma_start3A_1237] : memref<2x32x1024xf32, #tpu.memory_space<vmem>> -> memref<1x32x1024xf32, #tpu.memory_space<vmem>>
    %dma_start3A_1239 = tpu.memref_squeeze %dma_start3A_1238 : memref<1x32x1024xf32, #tpu.memory_space<vmem>> -> memref<32x1024xf32, #tpu.memory_space<vmem>>
    tpu.enqueue_dma source(%dma_start3A_1239 : memref<32x1024xf32, #tpu.memory_space<vmem>>) target(%dma_start3A_1235 : memref<32x1024xf32, #tpu.memory_space<hbm>>) target_semaphore(%arg13 : memref<!tpu.dma_semaphore, #tpu.memory_space<semaphore_mem>>)
    %dma_wait3A_1240 = arith.constant 0 : i32
    %dma_wait3A_1241 = arith.constant 0 : i32
    %dma_wait3A_1242 = arith.constant 0 : i32
    %dma_wait3A_1243 = tpu.memref_slice %arg8[%dma_wait3A_1240, %dma_wait3A_1241, %dma_wait3A_1242] : memref<2x32x1024xf32, #tpu.memory_space<vmem>> -> memref<1x32x1024xf32, #tpu.memory_space<vmem>>
    %dma_wait3A_1244 = tpu.memref_squeeze %dma_wait3A_1243 : memref<1x32x1024xf32, #tpu.memory_space<vmem>> -> memref<32x1024xf32, #tpu.memory_space<vmem>>
    %dma_wait3A_1245 = arith.constant 0 : i32
    %dma_wait3A_1246 = tpu.memref_slice %arg5[%add3A_1226, %dma_wait3A_1245] : memref<16384x1024xf32, #tpu.memory_space<hbm>> -> memref<32x1024xf32, #tpu.memory_space<hbm>>
    %dma_wait3A_1247 = arith.constant 0 : i32
    %dma_wait3A_1248 = tpu.memref_slice %arg5[%add3A_1226, %dma_wait3A_1247] : memref<16384x1024xf32, #tpu.memory_space<hbm>> -> memref<32x1024xf32, #tpu.memory_space<hbm>>
    %dma_wait3A_1249 = arith.constant 0 : i32
    %dma_wait3A_1250 = arith.constant 0 : i32
    %dma_wait3A_1251 = tpu.memref_slice %arg8[%dma_wait3A_1240, %dma_wait3A_1249, %dma_wait3A_1250] : memref<2x32x1024xf32, #tpu.memory_space<vmem>> -> memref<1x32x1024xf32, #tpu.memory_space<vmem>>
    %dma_wait3A_1252 = tpu.memref_squeeze %dma_wait3A_1251 : memref<1x32x1024xf32, #tpu.memory_space<vmem>> -> memref<32x1024xf32, #tpu.memory_space<vmem>>
    tpu.wait_dma2 semaphore(%arg13 : memref<!tpu.dma_semaphore, #tpu.memory_space<semaphore_mem>>) src(%dma_wait3A_1252 : memref<32x1024xf32, #tpu.memory_space<vmem>>) dst(%dma_wait3A_1248 : memref<32x1024xf32, #tpu.memory_space<hbm>>)
    %get3A_1253 = arith.constant 384 : index
    %get3A_1254 = tpu.vector_load %arg6[%get3A_1253] {strides = array<i32>} : memref<512xi32, #tpu.memory_space<vmem>>, vector<16xi32>,
    %get3A_1255 = vector.shape_cast %get3A_1254 : vector<16xi32> to vector<16xi32>
    %swap3A_1256 = arith.constant 0 : index
    %swap3A_1257 = tpu.vector_load %arg9[%swap3A_1256] {strides = array<i32>} : memref<32xi32, #tpu.memory_space<vmem>>, vector<16xi32>,
    %swap3A_1258 = vector.shape_cast %swap3A_1257 : vector<16xi32> to vector<16xi32>
    %swap3A_1259 = vector.shape_cast %get3A_1255 : vector<16xi32> to vector<16xi32>
    tpu.vector_store %arg9[%swap3A_1256], %swap3A_1259 {strides = array<i32>} : memref<32xi32, #tpu.memory_space<vmem>>, vector<16xi32>,
    %get3A_1260 = arith.constant 400 : index
    %get3A_1261 = tpu.vector_load %arg6[%get3A_1260] {strides = array<i32>} : memref<512xi32, #tpu.memory_space<vmem>>, vector<16xi32>,
    %get3A_1262 = vector.shape_cast %get3A_1261 : vector<16xi32> to vector<16xi32>
    %swap3A_1263 = arith.constant 16 : index
    %swap3A_1264 = tpu.vector_load %arg9[%swap3A_1263] {strides = array<i32>} : memref<32xi32, #tpu.memory_space<vmem>>, vector<16xi32>,
    %swap3A_1265 = vector.shape_cast %swap3A_1264 : vector<16xi32> to vector<16xi32>
    %swap3A_1266 = vector.shape_cast %get3A_1262 : vector<16xi32> to vector<16xi32>
    tpu.vector_store %arg9[%swap3A_1263], %swap3A_1266 {strides = array<i32>} : memref<32xi32, #tpu.memory_space<vmem>>, vector<16xi32>,
    %dma_start3A_1267 = arith.constant 0 : i32
    %dma_start3A_1268 = arith.constant 0 : i32
    %dma_start3A_1269 = arith.constant 0 : i32
    %dma_start3A_1270 = tpu.memref_slice %arg8[%dma_start3A_1267, %dma_start3A_1268, %dma_start3A_1269] : memref<2x32x1024xf32, #tpu.memory_space<vmem>> -> memref<1x32x1024xf32, #tpu.memory_space<vmem>>
    %dma_start3A_1271 = tpu.memref_squeeze %dma_start3A_1270 : memref<1x32x1024xf32, #tpu.memory_space<vmem>> -> memref<32x1024xf32, #tpu.memory_space<vmem>>
    %dma_start3A_1272 = arith.constant 0 : i32
    %dma_start3A_1273 = arith.constant 0 : i32
    %dma_start3A_1274 = tpu.memref_slice %arg11[%dma_start3A_1272, %dma_start3A_1273] : memref<1001x1024xf32, #tpu.memory_space<vmem_shared>> -> memref<1001x1024xf32, #tpu.memory_space<vmem_shared>>
    tpu.enqueue_indirect_dma source(%dma_start3A_1274 : memref<1001x1024xf32, #tpu.memory_space<vmem_shared>>) target(%dma_start3A_1271 : memref<32x1024xf32, #tpu.memory_space<vmem>>) offsets(%arg9 : memref<32xi32, #tpu.memory_space<vmem>>) semaphore(%arg12 : memref<!tpu.dma_semaphore, #tpu.memory_space<semaphore_mem>>)
    %dma_wait3A_1275 = arith.constant 1 : i32
    %dma_wait3A_1276 = arith.constant 0 : i32
    %dma_wait3A_1277 = arith.constant 0 : i32
    %dma_wait3A_1278 = tpu.memref_slice %arg8[%dma_wait3A_1275, %dma_wait3A_1276, %dma_wait3A_1277] : memref<2x32x1024xf32, #tpu.memory_space<vmem>> -> memref<1x32x1024xf32, #tpu.memory_space<vmem>>
    %dma_wait3A_1279 = tpu.memref_squeeze %dma_wait3A_1278 : memref<1x32x1024xf32, #tpu.memory_space<vmem>> -> memref<32x1024xf32, #tpu.memory_space<vmem>>
    %dma_wait3A_1280 = arith.constant 0 : i32
    %dma_wait3A_1281 = arith.constant 0 : i32
    %dma_wait3A_1282 = tpu.memref_slice %arg11[%dma_wait3A_1280, %dma_wait3A_1281] : memref<1001x1024xf32, #tpu.memory_space<vmem_shared>> -> memref<1001x1024xf32, #tpu.memory_space<vmem_shared>>
    tpu.wait_indirect_dma semaphore(%arg12 : memref<!tpu.dma_semaphore, #tpu.memory_space<semaphore_mem>>) src(%dma_wait3A_1282 : memref<1001x1024xf32, #tpu.memory_space<vmem_shared>>) dst(%dma_wait3A_1279 : memref<32x1024xf32, #tpu.memory_space<vmem>>)
    %add3A_1283 = arith.constant 352 : i32
    %add3A_1284 = arith.addi %mul3A_2, %add3A_1283 : i32
    %dma_start3A_1285 = arith.constant 1 : i32
    %dma_start3A_1286 = arith.constant 0 : i32
    %dma_start3A_1287 = arith.constant 0 : i32
    %dma_start3A_1288 = tpu.memref_slice %arg8[%dma_start3A_1285, %dma_start3A_1286, %dma_start3A_1287] : memref<2x32x1024xf32, #tpu.memory_space<vmem>> -> memref<1x32x1024xf32, #tpu.memory_space<vmem>>
    %dma_start3A_1289 = tpu.memref_squeeze %dma_start3A_1288 : memref<1x32x1024xf32, #tpu.memory_space<vmem>> -> memref<32x1024xf32, #tpu.memory_space<vmem>>
    %dma_start3A_1290 = arith.constant 0 : i32
    %dma_start3A_1291 = tpu.memref_slice %arg5[%add3A_1284, %dma_start3A_1290] : memref<16384x1024xf32, #tpu.memory_space<hbm>> -> memref<32x1024xf32, #tpu.memory_space<hbm>>
    %dma_start3A_1292 = arith.constant 0 : i32
    %dma_start3A_1293 = tpu.memref_slice %arg5[%add3A_1284, %dma_start3A_1292] : memref<16384x1024xf32, #tpu.memory_space<hbm>> -> memref<32x1024xf32, #tpu.memory_space<hbm>>
    %dma_start3A_1294 = arith.constant 0 : i32
    %dma_start3A_1295 = arith.constant 0 : i32
    %dma_start3A_1296 = tpu.memref_slice %arg8[%dma_start3A_1285, %dma_start3A_1294, %dma_start3A_1295] : memref<2x32x1024xf32, #tpu.memory_space<vmem>> -> memref<1x32x1024xf32, #tpu.memory_space<vmem>>
    %dma_start3A_1297 = tpu.memref_squeeze %dma_start3A_1296 : memref<1x32x1024xf32, #tpu.memory_space<vmem>> -> memref<32x1024xf32, #tpu.memory_space<vmem>>
    tpu.enqueue_dma source(%dma_start3A_1297 : memref<32x1024xf32, #tpu.memory_space<vmem>>) target(%dma_start3A_1293 : memref<32x1024xf32, #tpu.memory_space<hbm>>) target_semaphore(%arg13 : memref<!tpu.dma_semaphore, #tpu.memory_space<semaphore_mem>>)
    %dma_wait3A_1298 = arith.constant 1 : i32
    %dma_wait3A_1299 = arith.constant 0 : i32
    %dma_wait3A_1300 = arith.constant 0 : i32
    %dma_wait3A_1301 = tpu.memref_slice %arg8[%dma_wait3A_1298, %dma_wait3A_1299, %dma_wait3A_1300] : memref<2x32x1024xf32, #tpu.memory_space<vmem>> -> memref<1x32x1024xf32, #tpu.memory_space<vmem>>
    %dma_wait3A_1302 = tpu.memref_squeeze %dma_wait3A_1301 : memref<1x32x1024xf32, #tpu.memory_space<vmem>> -> memref<32x1024xf32, #tpu.memory_space<vmem>>
    %dma_wait3A_1303 = arith.constant 0 : i32
    %dma_wait3A_1304 = tpu.memref_slice %arg5[%add3A_1284, %dma_wait3A_1303] : memref<16384x1024xf32, #tpu.memory_space<hbm>> -> memref<32x1024xf32, #tpu.memory_space<hbm>>
    %dma_wait3A_1305 = arith.constant 0 : i32
    %dma_wait3A_1306 = tpu.memref_slice %arg5[%add3A_1284, %dma_wait3A_1305] : memref<16384x1024xf32, #tpu.memory_space<hbm>> -> memref<32x1024xf32, #tpu.memory_space<hbm>>
    %dma_wait3A_1307 = arith.constant 0 : i32
    %dma_wait3A_1308 = arith.constant 0 : i32
    %dma_wait3A_1309 = tpu.memref_slice %arg8[%dma_wait3A_1298, %dma_wait3A_1307, %dma_wait3A_1308] : memref<2x32x1024xf32, #tpu.memory_space<vmem>> -> memref<1x32x1024xf32, #tpu.memory_space<vmem>>
    %dma_wait3A_1310 = tpu.memref_squeeze %dma_wait3A_1309 : memref<1x32x1024xf32, #tpu.memory_space<vmem>> -> memref<32x1024xf32, #tpu.memory_space<vmem>>
    tpu.wait_dma2 semaphore(%arg13 : memref<!tpu.dma_semaphore, #tpu.memory_space<semaphore_mem>>) src(%dma_wait3A_1310 : memref<32x1024xf32, #tpu.memory_space<vmem>>) dst(%dma_wait3A_1306 : memref<32x1024xf32, #tpu.memory_space<hbm>>)
    %get3A_1311 = arith.constant 416 : index
    %get3A_1312 = tpu.vector_load %arg6[%get3A_1311] {strides = array<i32>} : memref<512xi32, #tpu.memory_space<vmem>>, vector<16xi32>,
    %get3A_1313 = vector.shape_cast %get3A_1312 : vector<16xi32> to vector<16xi32>
    %swap3A_1314 = arith.constant 0 : index
    %swap3A_1315 = tpu.vector_load %arg10[%swap3A_1314] {strides = array<i32>} : memref<32xi32, #tpu.memory_space<vmem>>, vector<16xi32>,
    %swap3A_1316 = vector.shape_cast %swap3A_1315 : vector<16xi32> to vector<16xi32>
    %swap3A_1317 = vector.shape_cast %get3A_1313 : vector<16xi32> to vector<16xi32>
    tpu.vector_store %arg10[%swap3A_1314], %swap3A_1317 {strides = array<i32>} : memref<32xi32, #tpu.memory_space<vmem>>, vector<16xi32>,
    %get3A_1318 = arith.constant 432 : index
    %get3A_1319 = tpu.vector_load %arg6[%get3A_1318] {strides = array<i32>} : memref<512xi32, #tpu.memory_space<vmem>>, vector<16xi32>,
    %get3A_1320 = vector.shape_cast %get3A_1319 : vector<16xi32> to vector<16xi32>
    %swap3A_1321 = arith.constant 16 : index
    %swap3A_1322 = tpu.vector_load %arg10[%swap3A_1321] {strides = array<i32>} : memref<32xi32, #tpu.memory_space<vmem>>, vector<16xi32>,
    %swap3A_1323 = vector.shape_cast %swap3A_1322 : vector<16xi32> to vector<16xi32>
    %swap3A_1324 = vector.shape_cast %get3A_1320 : vector<16xi32> to vector<16xi32>
    tpu.vector_store %arg10[%swap3A_1321], %swap3A_1324 {strides = array<i32>} : memref<32xi32, #tpu.memory_space<vmem>>, vector<16xi32>,
    %dma_start3A_1325 = arith.constant 1 : i32
    %dma_start3A_1326 = arith.constant 0 : i32
    %dma_start3A_1327 = arith.constant 0 : i32
    %dma_start3A_1328 = tpu.memref_slice %arg8[%dma_start3A_1325, %dma_start3A_1326, %dma_start3A_1327] : memref<2x32x1024xf32, #tpu.memory_space<vmem>> -> memref<1x32x1024xf32, #tpu.memory_space<vmem>>
    %dma_start3A_1329 = tpu.memref_squeeze %dma_start3A_1328 : memref<1x32x1024xf32, #tpu.memory_space<vmem>> -> memref<32x1024xf32, #tpu.memory_space<vmem>>
    %dma_start3A_1330 = arith.constant 0 : i32
    %dma_start3A_1331 = arith.constant 0 : i32
    %dma_start3A_1332 = tpu.memref_slice %arg11[%dma_start3A_1330, %dma_start3A_1331] : memref<1001x1024xf32, #tpu.memory_space<vmem_shared>> -> memref<1001x1024xf32, #tpu.memory_space<vmem_shared>>
    tpu.enqueue_indirect_dma source(%dma_start3A_1332 : memref<1001x1024xf32, #tpu.memory_space<vmem_shared>>) target(%dma_start3A_1329 : memref<32x1024xf32, #tpu.memory_space<vmem>>) offsets(%arg10 : memref<32xi32, #tpu.memory_space<vmem>>) semaphore(%arg12 : memref<!tpu.dma_semaphore, #tpu.memory_space<semaphore_mem>>)
    %dma_wait3A_1333 = arith.constant 0 : i32
    %dma_wait3A_1334 = arith.constant 0 : i32
    %dma_wait3A_1335 = arith.constant 0 : i32
    %dma_wait3A_1336 = tpu.memref_slice %arg8[%dma_wait3A_1333, %dma_wait3A_1334, %dma_wait3A_1335] : memref<2x32x1024xf32, #tpu.memory_space<vmem>> -> memref<1x32x1024xf32, #tpu.memory_space<vmem>>
    %dma_wait3A_1337 = tpu.memref_squeeze %dma_wait3A_1336 : memref<1x32x1024xf32, #tpu.memory_space<vmem>> -> memref<32x1024xf32, #tpu.memory_space<vmem>>
    %dma_wait3A_1338 = arith.constant 0 : i32
    %dma_wait3A_1339 = arith.constant 0 : i32
    %dma_wait3A_1340 = tpu.memref_slice %arg11[%dma_wait3A_1338, %dma_wait3A_1339] : memref<1001x1024xf32, #tpu.memory_space<vmem_shared>> -> memref<1001x1024xf32, #tpu.memory_space<vmem_shared>>
    tpu.wait_indirect_dma semaphore(%arg12 : memref<!tpu.dma_semaphore, #tpu.memory_space<semaphore_mem>>) src(%dma_wait3A_1340 : memref<1001x1024xf32, #tpu.memory_space<vmem_shared>>) dst(%dma_wait3A_1337 : memref<32x1024xf32, #tpu.memory_space<vmem>>)
    %add3A_1341 = arith.constant 384 : i32
    %add3A_1342 = arith.addi %mul3A_2, %add3A_1341 : i32
    %dma_start3A_1343 = arith.constant 0 : i32
    %dma_start3A_1344 = arith.constant 0 : i32
    %dma_start3A_1345 = arith.constant 0 : i32
    %dma_start3A_1346 = tpu.memref_slice %arg8[%dma_start3A_1343, %dma_start3A_1344, %dma_start3A_1345] : memref<2x32x1024xf32, #tpu.memory_space<vmem>> -> memref<1x32x1024xf32, #tpu.memory_space<vmem>>
    %dma_start3A_1347 = tpu.memref_squeeze %dma_start3A_1346 : memref<1x32x1024xf32, #tpu.memory_space<vmem>> -> memref<32x1024xf32, #tpu.memory_space<vmem>>
    %dma_start3A_1348 = arith.constant 0 : i32
    %dma_start3A_1349 = tpu.memref_slice %arg5[%add3A_1342, %dma_start3A_1348] : memref<16384x1024xf32, #tpu.memory_space<hbm>> -> memref<32x1024xf32, #tpu.memory_space<hbm>>
    %dma_start3A_1350 = arith.constant 0 : i32
    %dma_start3A_1351 = tpu.memref_slice %arg5[%add3A_1342, %dma_start3A_1350] : memref<16384x1024xf32, #tpu.memory_space<hbm>> -> memref<32x1024xf32, #tpu.memory_space<hbm>>
    %dma_start3A_1352 = arith.constant 0 : i32
    %dma_start3A_1353 = arith.constant 0 : i32
    %dma_start3A_1354 = tpu.memref_slice %arg8[%dma_start3A_1343, %dma_start3A_1352, %dma_start3A_1353] : memref<2x32x1024xf32, #tpu.memory_space<vmem>> -> memref<1x32x1024xf32, #tpu.memory_space<vmem>>
    %dma_start3A_1355 = tpu.memref_squeeze %dma_start3A_1354 : memref<1x32x1024xf32, #tpu.memory_space<vmem>> -> memref<32x1024xf32, #tpu.memory_space<vmem>>
    tpu.enqueue_dma source(%dma_start3A_1355 : memref<32x1024xf32, #tpu.memory_space<vmem>>) target(%dma_start3A_1351 : memref<32x1024xf32, #tpu.memory_space<hbm>>) target_semaphore(%arg13 : memref<!tpu.dma_semaphore, #tpu.memory_space<semaphore_mem>>)
    %dma_wait3A_1356 = arith.constant 0 : i32
    %dma_wait3A_1357 = arith.constant 0 : i32
    %dma_wait3A_1358 = arith.constant 0 : i32
    %dma_wait3A_1359 = tpu.memref_slice %arg8[%dma_wait3A_1356, %dma_wait3A_1357, %dma_wait3A_1358] : memref<2x32x1024xf32, #tpu.memory_space<vmem>> -> memref<1x32x1024xf32, #tpu.memory_space<vmem>>
    %dma_wait3A_1360 = tpu.memref_squeeze %dma_wait3A_1359 : memref<1x32x1024xf32, #tpu.memory_space<vmem>> -> memref<32x1024xf32, #tpu.memory_space<vmem>>
    %dma_wait3A_1361 = arith.constant 0 : i32
    %dma_wait3A_1362 = tpu.memref_slice %arg5[%add3A_1342, %dma_wait3A_1361] : memref<16384x1024xf32, #tpu.memory_space<hbm>> -> memref<32x1024xf32, #tpu.memory_space<hbm>>
    %dma_wait3A_1363 = arith.constant 0 : i32
    %dma_wait3A_1364 = tpu.memref_slice %arg5[%add3A_1342, %dma_wait3A_1363] : memref<16384x1024xf32, #tpu.memory_space<hbm>> -> memref<32x1024xf32, #tpu.memory_space<hbm>>
    %dma_wait3A_1365 = arith.constant 0 : i32
    %dma_wait3A_1366 = arith.constant 0 : i32
    %dma_wait3A_1367 = tpu.memref_slice %arg8[%dma_wait3A_1356, %dma_wait3A_1365, %dma_wait3A_1366] : memref<2x32x1024xf32, #tpu.memory_space<vmem>> -> memref<1x32x1024xf32, #tpu.memory_space<vmem>>
    %dma_wait3A_1368 = tpu.memref_squeeze %dma_wait3A_1367 : memref<1x32x1024xf32, #tpu.memory_space<vmem>> -> memref<32x1024xf32, #tpu.memory_space<vmem>>
    tpu.wait_dma2 semaphore(%arg13 : memref<!tpu.dma_semaphore, #tpu.memory_space<semaphore_mem>>) src(%dma_wait3A_1368 : memref<32x1024xf32, #tpu.memory_space<vmem>>) dst(%dma_wait3A_1364 : memref<32x1024xf32, #tpu.memory_space<hbm>>)
    %get3A_1369 = arith.constant 448 : index
    %get3A_1370 = tpu.vector_load %arg6[%get3A_1369] {strides = array<i32>} : memref<512xi32, #tpu.memory_space<vmem>>, vector<16xi32>,
    %get3A_1371 = vector.shape_cast %get3A_1370 : vector<16xi32> to vector<16xi32>
    %swap3A_1372 = arith.constant 0 : index
    %swap3A_1373 = tpu.vector_load %arg9[%swap3A_1372] {strides = array<i32>} : memref<32xi32, #tpu.memory_space<vmem>>, vector<16xi32>,
    %swap3A_1374 = vector.shape_cast %swap3A_1373 : vector<16xi32> to vector<16xi32>
    %swap3A_1375 = vector.shape_cast %get3A_1371 : vector<16xi32> to vector<16xi32>
    tpu.vector_store %arg9[%swap3A_1372], %swap3A_1375 {strides = array<i32>} : memref<32xi32, #tpu.memory_space<vmem>>, vector<16xi32>,
    %get3A_1376 = arith.constant 464 : index
    %get3A_1377 = tpu.vector_load %arg6[%get3A_1376] {strides = array<i32>} : memref<512xi32, #tpu.memory_space<vmem>>, vector<16xi32>,
    %get3A_1378 = vector.shape_cast %get3A_1377 : vector<16xi32> to vector<16xi32>
    %swap3A_1379 = arith.constant 16 : index
    %swap3A_1380 = tpu.vector_load %arg9[%swap3A_1379] {strides = array<i32>} : memref<32xi32, #tpu.memory_space<vmem>>, vector<16xi32>,
    %swap3A_1381 = vector.shape_cast %swap3A_1380 : vector<16xi32> to vector<16xi32>
    %swap3A_1382 = vector.shape_cast %get3A_1378 : vector<16xi32> to vector<16xi32>
    tpu.vector_store %arg9[%swap3A_1379], %swap3A_1382 {strides = array<i32>} : memref<32xi32, #tpu.memory_space<vmem>>, vector<16xi32>,
    %dma_start3A_1383 = arith.constant 0 : i32
    %dma_start3A_1384 = arith.constant 0 : i32
    %dma_start3A_1385 = arith.constant 0 : i32
    %dma_start3A_1386 = tpu.memref_slice %arg8[%dma_start3A_1383, %dma_start3A_1384, %dma_start3A_1385] : memref<2x32x1024xf32, #tpu.memory_space<vmem>> -> memref<1x32x1024xf32, #tpu.memory_space<vmem>>
    %dma_start3A_1387 = tpu.memref_squeeze %dma_start3A_1386 : memref<1x32x1024xf32, #tpu.memory_space<vmem>> -> memref<32x1024xf32, #tpu.memory_space<vmem>>
    %dma_start3A_1388 = arith.constant 0 : i32
    %dma_start3A_1389 = arith.constant 0 : i32
    %dma_start3A_1390 = tpu.memref_slice %arg11[%dma_start3A_1388, %dma_start3A_1389] : memref<1001x1024xf32, #tpu.memory_space<vmem_shared>> -> memref<1001x1024xf32, #tpu.memory_space<vmem_shared>>
    tpu.enqueue_indirect_dma source(%dma_start3A_1390 : memref<1001x1024xf32, #tpu.memory_space<vmem_shared>>) target(%dma_start3A_1387 : memref<32x1024xf32, #tpu.memory_space<vmem>>) offsets(%arg9 : memref<32xi32, #tpu.memory_space<vmem>>) semaphore(%arg12 : memref<!tpu.dma_semaphore, #tpu.memory_space<semaphore_mem>>)
    %dma_wait3A_1391 = arith.constant 1 : i32
    %dma_wait3A_1392 = arith.constant 0 : i32
    %dma_wait3A_1393 = arith.constant 0 : i32
    %dma_wait3A_1394 = tpu.memref_slice %arg8[%dma_wait3A_1391, %dma_wait3A_1392, %dma_wait3A_1393] : memref<2x32x1024xf32, #tpu.memory_space<vmem>> -> memref<1x32x1024xf32, #tpu.memory_space<vmem>>
    %dma_wait3A_1395 = tpu.memref_squeeze %dma_wait3A_1394 : memref<1x32x1024xf32, #tpu.memory_space<vmem>> -> memref<32x1024xf32, #tpu.memory_space<vmem>>
    %dma_wait3A_1396 = arith.constant 0 : i32
    %dma_wait3A_1397 = arith.constant 0 : i32
    %dma_wait3A_1398 = tpu.memref_slice %arg11[%dma_wait3A_1396, %dma_wait3A_1397] : memref<1001x1024xf32, #tpu.memory_space<vmem_shared>> -> memref<1001x1024xf32, #tpu.memory_space<vmem_shared>>
    tpu.wait_indirect_dma semaphore(%arg12 : memref<!tpu.dma_semaphore, #tpu.memory_space<semaphore_mem>>) src(%dma_wait3A_1398 : memref<1001x1024xf32, #tpu.memory_space<vmem_shared>>) dst(%dma_wait3A_1395 : memref<32x1024xf32, #tpu.memory_space<vmem>>)
    %add3A_1399 = arith.constant 416 : i32
    %add3A_1400 = arith.addi %mul3A_2, %add3A_1399 : i32
    %dma_start3A_1401 = arith.constant 1 : i32
    %dma_start3A_1402 = arith.constant 0 : i32
    %dma_start3A_1403 = arith.constant 0 : i32
    %dma_start3A_1404 = tpu.memref_slice %arg8[%dma_start3A_1401, %dma_start3A_1402, %dma_start3A_1403] : memref<2x32x1024xf32, #tpu.memory_space<vmem>> -> memref<1x32x1024xf32, #tpu.memory_space<vmem>>
    %dma_start3A_1405 = tpu.memref_squeeze %dma_start3A_1404 : memref<1x32x1024xf32, #tpu.memory_space<vmem>> -> memref<32x1024xf32, #tpu.memory_space<vmem>>
    %dma_start3A_1406 = arith.constant 0 : i32
    %dma_start3A_1407 = tpu.memref_slice %arg5[%add3A_1400, %dma_start3A_1406] : memref<16384x1024xf32, #tpu.memory_space<hbm>> -> memref<32x1024xf32, #tpu.memory_space<hbm>>
    %dma_start3A_1408 = arith.constant 0 : i32
    %dma_start3A_1409 = tpu.memref_slice %arg5[%add3A_1400, %dma_start3A_1408] : memref<16384x1024xf32, #tpu.memory_space<hbm>> -> memref<32x1024xf32, #tpu.memory_space<hbm>>
    %dma_start3A_1410 = arith.constant 0 : i32
    %dma_start3A_1411 = arith.constant 0 : i32
    %dma_start3A_1412 = tpu.memref_slice %arg8[%dma_start3A_1401, %dma_start3A_1410, %dma_start3A_1411] : memref<2x32x1024xf32, #tpu.memory_space<vmem>> -> memref<1x32x1024xf32, #tpu.memory_space<vmem>>
    %dma_start3A_1413 = tpu.memref_squeeze %dma_start3A_1412 : memref<1x32x1024xf32, #tpu.memory_space<vmem>> -> memref<32x1024xf32, #tpu.memory_space<vmem>>
    tpu.enqueue_dma source(%dma_start3A_1413 : memref<32x1024xf32, #tpu.memory_space<vmem>>) target(%dma_start3A_1409 : memref<32x1024xf32, #tpu.memory_space<hbm>>) target_semaphore(%arg13 : memref<!tpu.dma_semaphore, #tpu.memory_space<semaphore_mem>>)
    %dma_wait3A_1414 = arith.constant 1 : i32
    %dma_wait3A_1415 = arith.constant 0 : i32
    %dma_wait3A_1416 = arith.constant 0 : i32
    %dma_wait3A_1417 = tpu.memref_slice %arg8[%dma_wait3A_1414, %dma_wait3A_1415, %dma_wait3A_1416] : memref<2x32x1024xf32, #tpu.memory_space<vmem>> -> memref<1x32x1024xf32, #tpu.memory_space<vmem>>
    %dma_wait3A_1418 = tpu.memref_squeeze %dma_wait3A_1417 : memref<1x32x1024xf32, #tpu.memory_space<vmem>> -> memref<32x1024xf32, #tpu.memory_space<vmem>>
    %dma_wait3A_1419 = arith.constant 0 : i32
    %dma_wait3A_1420 = tpu.memref_slice %arg5[%add3A_1400, %dma_wait3A_1419] : memref<16384x1024xf32, #tpu.memory_space<hbm>> -> memref<32x1024xf32, #tpu.memory_space<hbm>>
    %dma_wait3A_1421 = arith.constant 0 : i32
    %dma_wait3A_1422 = tpu.memref_slice %arg5[%add3A_1400, %dma_wait3A_1421] : memref<16384x1024xf32, #tpu.memory_space<hbm>> -> memref<32x1024xf32, #tpu.memory_space<hbm>>
    %dma_wait3A_1423 = arith.constant 0 : i32
    %dma_wait3A_1424 = arith.constant 0 : i32
    %dma_wait3A_1425 = tpu.memref_slice %arg8[%dma_wait3A_1414, %dma_wait3A_1423, %dma_wait3A_1424] : memref<2x32x1024xf32, #tpu.memory_space<vmem>> -> memref<1x32x1024xf32, #tpu.memory_space<vmem>>
    %dma_wait3A_1426 = tpu.memref_squeeze %dma_wait3A_1425 : memref<1x32x1024xf32, #tpu.memory_space<vmem>> -> memref<32x1024xf32, #tpu.memory_space<vmem>>
    tpu.wait_dma2 semaphore(%arg13 : memref<!tpu.dma_semaphore, #tpu.memory_space<semaphore_mem>>) src(%dma_wait3A_1426 : memref<32x1024xf32, #tpu.memory_space<vmem>>) dst(%dma_wait3A_1422 : memref<32x1024xf32, #tpu.memory_space<hbm>>)
    %get3A_1427 = arith.constant 480 : index
    %get3A_1428 = tpu.vector_load %arg6[%get3A_1427] {strides = array<i32>} : memref<512xi32, #tpu.memory_space<vmem>>, vector<16xi32>,
    %get3A_1429 = vector.shape_cast %get3A_1428 : vector<16xi32> to vector<16xi32>
    %swap3A_1430 = arith.constant 0 : index
    %swap3A_1431 = tpu.vector_load %arg10[%swap3A_1430] {strides = array<i32>} : memref<32xi32, #tpu.memory_space<vmem>>, vector<16xi32>,
    %swap3A_1432 = vector.shape_cast %swap3A_1431 : vector<16xi32> to vector<16xi32>
    %swap3A_1433 = vector.shape_cast %get3A_1429 : vector<16xi32> to vector<16xi32>
    tpu.vector_store %arg10[%swap3A_1430], %swap3A_1433 {strides = array<i32>} : memref<32xi32, #tpu.memory_space<vmem>>, vector<16xi32>,
    %get3A_1434 = arith.constant 496 : index
    %get3A_1435 = tpu.vector_load %arg6[%get3A_1434] {strides = array<i32>} : memref<512xi32, #tpu.memory_space<vmem>>, vector<16xi32>,
    %get3A_1436 = vector.shape_cast %get3A_1435 : vector<16xi32> to vector<16xi32>
    %swap3A_1437 = arith.constant 16 : index
    %swap3A_1438 = tpu.vector_load %arg10[%swap3A_1437] {strides = array<i32>} : memref<32xi32, #tpu.memory_space<vmem>>, vector<16xi32>,
    %swap3A_1439 = vector.shape_cast %swap3A_1438 : vector<16xi32> to vector<16xi32>
    %swap3A_1440 = vector.shape_cast %get3A_1436 : vector<16xi32> to vector<16xi32>
    tpu.vector_store %arg10[%swap3A_1437], %swap3A_1440 {strides = array<i32>} : memref<32xi32, #tpu.memory_space<vmem>>, vector<16xi32>,
    %dma_start3A_1441 = arith.constant 1 : i32
    %dma_start3A_1442 = arith.constant 0 : i32
    %dma_start3A_1443 = arith.constant 0 : i32
    %dma_start3A_1444 = tpu.memref_slice %arg8[%dma_start3A_1441, %dma_start3A_1442, %dma_start3A_1443] : memref<2x32x1024xf32, #tpu.memory_space<vmem>> -> memref<1x32x1024xf32, #tpu.memory_space<vmem>>
    %dma_start3A_1445 = tpu.memref_squeeze %dma_start3A_1444 : memref<1x32x1024xf32, #tpu.memory_space<vmem>> -> memref<32x1024xf32, #tpu.memory_space<vmem>>
    %dma_start3A_1446 = arith.constant 0 : i32
    %dma_start3A_1447 = arith.constant 0 : i32
    %dma_start3A_1448 = tpu.memref_slice %arg11[%dma_start3A_1446, %dma_start3A_1447] : memref<1001x1024xf32, #tpu.memory_space<vmem_shared>> -> memref<1001x1024xf32, #tpu.memory_space<vmem_shared>>
    tpu.enqueue_indirect_dma source(%dma_start3A_1448 : memref<1001x1024xf32, #tpu.memory_space<vmem_shared>>) target(%dma_start3A_1445 : memref<32x1024xf32, #tpu.memory_space<vmem>>) offsets(%arg10 : memref<32xi32, #tpu.memory_space<vmem>>) semaphore(%arg12 : memref<!tpu.dma_semaphore, #tpu.memory_space<semaphore_mem>>)
    %dma_wait3A_1449 = arith.constant 0 : i32
    %dma_wait3A_1450 = arith.constant 0 : i32
    %dma_wait3A_1451 = arith.constant 0 : i32
    %dma_wait3A_1452 = tpu.memref_slice %arg8[%dma_wait3A_1449, %dma_wait3A_1450, %dma_wait3A_1451] : memref<2x32x1024xf32, #tpu.memory_space<vmem>> -> memref<1x32x1024xf32, #tpu.memory_space<vmem>>
    %dma_wait3A_1453 = tpu.memref_squeeze %dma_wait3A_1452 : memref<1x32x1024xf32, #tpu.memory_space<vmem>> -> memref<32x1024xf32, #tpu.memory_space<vmem>>
    %dma_wait3A_1454 = arith.constant 0 : i32
    %dma_wait3A_1455 = arith.constant 0 : i32
    %dma_wait3A_1456 = tpu.memref_slice %arg11[%dma_wait3A_1454, %dma_wait3A_1455] : memref<1001x1024xf32, #tpu.memory_space<vmem_shared>> -> memref<1001x1024xf32, #tpu.memory_space<vmem_shared>>
    tpu.wait_indirect_dma semaphore(%arg12 : memref<!tpu.dma_semaphore, #tpu.memory_space<semaphore_mem>>) src(%dma_wait3A_1456 : memref<1001x1024xf32, #tpu.memory_space<vmem_shared>>) dst(%dma_wait3A_1453 : memref<32x1024xf32, #tpu.memory_space<vmem>>)
    %add3A_1457 = arith.constant 448 : i32
    %add3A_1458 = arith.addi %mul3A_2, %add3A_1457 : i32
    %dma_start3A_1459 = arith.constant 0 : i32
    %dma_start3A_1460 = arith.constant 0 : i32
    %dma_start3A_1461 = arith.constant 0 : i32
    %dma_start3A_1462 = tpu.memref_slice %arg8[%dma_start3A_1459, %dma_start3A_1460, %dma_start3A_1461] : memref<2x32x1024xf32, #tpu.memory_space<vmem>> -> memref<1x32x1024xf32, #tpu.memory_space<vmem>>
    %dma_start3A_1463 = tpu.memref_squeeze %dma_start3A_1462 : memref<1x32x1024xf32, #tpu.memory_space<vmem>> -> memref<32x1024xf32, #tpu.memory_space<vmem>>
    %dma_start3A_1464 = arith.constant 0 : i32
    %dma_start3A_1465 = tpu.memref_slice %arg5[%add3A_1458, %dma_start3A_1464] : memref<16384x1024xf32, #tpu.memory_space<hbm>> -> memref<32x1024xf32, #tpu.memory_space<hbm>>
    %dma_start3A_1466 = arith.constant 0 : i32
    %dma_start3A_1467 = tpu.memref_slice %arg5[%add3A_1458, %dma_start3A_1466] : memref<16384x1024xf32, #tpu.memory_space<hbm>> -> memref<32x1024xf32, #tpu.memory_space<hbm>>
    %dma_start3A_1468 = arith.constant 0 : i32
    %dma_start3A_1469 = arith.constant 0 : i32
    %dma_start3A_1470 = tpu.memref_slice %arg8[%dma_start3A_1459, %dma_start3A_1468, %dma_start3A_1469] : memref<2x32x1024xf32, #tpu.memory_space<vmem>> -> memref<1x32x1024xf32, #tpu.memory_space<vmem>>
    %dma_start3A_1471 = tpu.memref_squeeze %dma_start3A_1470 : memref<1x32x1024xf32, #tpu.memory_space<vmem>> -> memref<32x1024xf32, #tpu.memory_space<vmem>>
    tpu.enqueue_dma source(%dma_start3A_1471 : memref<32x1024xf32, #tpu.memory_space<vmem>>) target(%dma_start3A_1467 : memref<32x1024xf32, #tpu.memory_space<hbm>>) target_semaphore(%arg13 : memref<!tpu.dma_semaphore, #tpu.memory_space<semaphore_mem>>)
    %dma_wait3A_1472 = arith.constant 1 : i32
    %dma_wait3A_1473 = arith.constant 0 : i32
    %dma_wait3A_1474 = arith.constant 0 : i32
    %dma_wait3A_1475 = tpu.memref_slice %arg8[%dma_wait3A_1472, %dma_wait3A_1473, %dma_wait3A_1474] : memref<2x32x1024xf32, #tpu.memory_space<vmem>> -> memref<1x32x1024xf32, #tpu.memory_space<vmem>>
    %dma_wait3A_1476 = tpu.memref_squeeze %dma_wait3A_1475 : memref<1x32x1024xf32, #tpu.memory_space<vmem>> -> memref<32x1024xf32, #tpu.memory_space<vmem>>
    %dma_wait3A_1477 = arith.constant 0 : i32
    %dma_wait3A_1478 = arith.constant 0 : i32
    %dma_wait3A_1479 = tpu.memref_slice %arg11[%dma_wait3A_1477, %dma_wait3A_1478] : memref<1001x1024xf32, #tpu.memory_space<vmem_shared>> -> memref<1001x1024xf32, #tpu.memory_space<vmem_shared>>
    tpu.wait_indirect_dma semaphore(%arg12 : memref<!tpu.dma_semaphore, #tpu.memory_space<semaphore_mem>>) src(%dma_wait3A_1479 : memref<1001x1024xf32, #tpu.memory_space<vmem_shared>>) dst(%dma_wait3A_1476 : memref<32x1024xf32, #tpu.memory_space<vmem>>)
    %add3A_1480 = arith.constant 480 : i32
    %add3A_1481 = arith.addi %mul3A_2, %add3A_1480 : i32
    %dma_start3A_1482 = arith.constant 1 : i32
    %dma_start3A_1483 = arith.constant 0 : i32
    %dma_start3A_1484 = arith.constant 0 : i32
    %dma_start3A_1485 = tpu.memref_slice %arg8[%dma_start3A_1482, %dma_start3A_1483, %dma_start3A_1484] : memref<2x32x1024xf32, #tpu.memory_space<vmem>> -> memref<1x32x1024xf32, #tpu.memory_space<vmem>>
    %dma_start3A_1486 = tpu.memref_squeeze %dma_start3A_1485 : memref<1x32x1024xf32, #tpu.memory_space<vmem>> -> memref<32x1024xf32, #tpu.memory_space<vmem>>
    %dma_start3A_1487 = arith.constant 0 : i32
    %dma_start3A_1488 = tpu.memref_slice %arg5[%add3A_1481, %dma_start3A_1487] : memref<16384x1024xf32, #tpu.memory_space<hbm>> -> memref<32x1024xf32, #tpu.memory_space<hbm>>
    %dma_start3A_1489 = arith.constant 0 : i32
    %dma_start3A_1490 = tpu.memref_slice %arg5[%add3A_1481, %dma_start3A_1489] : memref<16384x1024xf32, #tpu.memory_space<hbm>> -> memref<32x1024xf32, #tpu.memory_space<hbm>>
    %dma_start3A_1491 = arith.constant 0 : i32
    %dma_start3A_1492 = arith.constant 0 : i32
    %dma_start3A_1493 = tpu.memref_slice %arg8[%dma_start3A_1482, %dma_start3A_1491, %dma_start3A_1492] : memref<2x32x1024xf32, #tpu.memory_space<vmem>> -> memref<1x32x1024xf32, #tpu.memory_space<vmem>>
    %dma_start3A_1494 = tpu.memref_squeeze %dma_start3A_1493 : memref<1x32x1024xf32, #tpu.memory_space<vmem>> -> memref<32x1024xf32, #tpu.memory_space<vmem>>
    tpu.enqueue_dma source(%dma_start3A_1494 : memref<32x1024xf32, #tpu.memory_space<vmem>>) target(%dma_start3A_1490 : memref<32x1024xf32, #tpu.memory_space<hbm>>) target_semaphore(%arg13 : memref<!tpu.dma_semaphore, #tpu.memory_space<semaphore_mem>>)
    %dma_wait3A_1495 = arith.constant 0 : i32
    %dma_wait3A_1496 = arith.constant 0 : i32
    %dma_wait3A_1497 = arith.constant 0 : i32
    %dma_wait3A_1498 = tpu.memref_slice %arg8[%dma_wait3A_1495, %dma_wait3A_1496, %dma_wait3A_1497] : memref<2x32x1024xf32, #tpu.memory_space<vmem>> -> memref<1x32x1024xf32, #tpu.memory_space<vmem>>
    %dma_wait3A_1499 = tpu.memref_squeeze %dma_wait3A_1498 : memref<1x32x1024xf32, #tpu.memory_space<vmem>> -> memref<32x1024xf32, #tpu.memory_space<vmem>>
    %dma_wait3A_1500 = arith.constant 0 : i32
    %dma_wait3A_1501 = tpu.memref_slice %arg5[%add3A_1458, %dma_wait3A_1500] : memref<16384x1024xf32, #tpu.memory_space<hbm>> -> memref<32x1024xf32, #tpu.memory_space<hbm>>
    %dma_wait3A_1502 = arith.constant 0 : i32
    %dma_wait3A_1503 = tpu.memref_slice %arg5[%add3A_1458, %dma_wait3A_1502] : memref<16384x1024xf32, #tpu.memory_space<hbm>> -> memref<32x1024xf32, #tpu.memory_space<hbm>>
    %dma_wait3A_1504 = arith.constant 0 : i32
    %dma_wait3A_1505 = arith.constant 0 : i32
    %dma_wait3A_1506 = tpu.memref_slice %arg8[%dma_wait3A_1495, %dma_wait3A_1504, %dma_wait3A_1505] : memref<2x32x1024xf32, #tpu.memory_space<vmem>> -> memref<1x32x1024xf32, #tpu.memory_space<vmem>>
    %dma_wait3A_1507 = tpu.memref_squeeze %dma_wait3A_1506 : memref<1x32x1024xf32, #tpu.memory_space<vmem>> -> memref<32x1024xf32, #tpu.memory_space<vmem>>
    tpu.wait_dma2 semaphore(%arg13 : memref<!tpu.dma_semaphore, #tpu.memory_space<semaphore_mem>>) src(%dma_wait3A_1507 : memref<32x1024xf32, #tpu.memory_space<vmem>>) dst(%dma_wait3A_1503 : memref<32x1024xf32, #tpu.memory_space<hbm>>)
    %dma_wait3A_1508 = arith.constant 1 : i32
    %dma_wait3A_1509 = arith.constant 0 : i32
    %dma_wait3A_1510 = arith.constant 0 : i32
    %dma_wait3A_1511 = tpu.memref_slice %arg8[%dma_wait3A_1508, %dma_wait3A_1509, %dma_wait3A_1510] : memref<2x32x1024xf32, #tpu.memory_space<vmem>> -> memref<1x32x1024xf32, #tpu.memory_space<vmem>>
    %dma_wait3A_1512 = tpu.memref_squeeze %dma_wait3A_1511 : memref<1x32x1024xf32, #tpu.memory_space<vmem>> -> memref<32x1024xf32, #tpu.memory_space<vmem>>
    %dma_wait3A_1513 = arith.constant 0 : i32
    %dma_wait3A_1514 = tpu.memref_slice %arg5[%add3A_1481, %dma_wait3A_1513] : memref<16384x1024xf32, #tpu.memory_space<hbm>> -> memref<32x1024xf32, #tpu.memory_space<hbm>>
    %dma_wait3A_1515 = arith.constant 0 : i32
    %dma_wait3A_1516 = tpu.memref_slice %arg5[%add3A_1481, %dma_wait3A_1515] : memref<16384x1024xf32, #tpu.memory_space<hbm>> -> memref<32x1024xf32, #tpu.memory_space<hbm>>
    %dma_wait3A_1517 = arith.constant 0 : i32
    %dma_wait3A_1518 = arith.constant 0 : i32
    %dma_wait3A_1519 = tpu.memref_slice %arg8[%dma_wait3A_1508, %dma_wait3A_1517, %dma_wait3A_1518] : memref<2x32x1024xf32, #tpu.memory_space<vmem>> -> memref<1x32x1024xf32, #tpu.memory_space<vmem>>
    %dma_wait3A_1520 = tpu.memref_squeeze %dma_wait3A_1519 : memref<1x32x1024xf32, #tpu.memory_space<vmem>> -> memref<32x1024xf32, #tpu.memory_space<vmem>>
    tpu.wait_dma2 semaphore(%arg13 : memref<!tpu.dma_semaphore, #tpu.memory_space<semaphore_mem>>) src(%dma_wait3A_1520 : memref<32x1024xf32, #tpu.memory_space<vmem>>) dst(%dma_wait3A_1516 : memref<32x1024xf32, #tpu.memory_space<hbm>>)
    return
  }
}

</mosaic_0001>

<sc_bundles>
// kernel: kernel.3.cloned.1.call-start
scs
__scs_entry_jumppad:
0x0: {  	(pc) =	sbr.rel $0x88, $3  }
0x1: {  	(tag) =	ssettag $0x0;
	lr =	simm.s32 $0x1  }
0x2: {  	[smem:$0x3F9E] =	sst lr;
	_ =	strace $0xD0000000  }
0x3: {  	_ = 	snop  }
0x4: {  	_ = 	snop  }
0x5: {  	_ = 	snop  }
0x6: {  	_ = 	snop  }
0x7: {  	_ = 	snop  }
__scs_overlays_trampoline_lowered:
0x8: {  	[smem:$0x3FAD] =	sst s0  }
0x9: {  	[smem:$0x3FAE] =	sst s1  }
0xa: {  	[smem:$0x3FAF] =	sst s2  }
0xb: {  	[smem:$0x3FB0] =	sst s3  }
0xc: {  	[smem:$0x3FB1] =	sst s4  }
0xd: {  	[smem:$0x3FB2] =	sst s5  }
0xe: {  	[smem:$0x3FB3] =	sst s6  }
0xf: {  	[smem:$0x3FB4] =	sst s7  }
0x10: {  	[smem:$0x3FB5] =	sst s8  }
0x11: {  	[smem:$0x3FB6] =	sst s9;
	s0 =	simm.s32 @!p0 $0x0  }
0x12: {  	s1 =	sld [smem:$0x3F9C];
	s0 =	simm.s32 @p0 $0x1  }
0x13: {  	[smem:$0x3FB7] =	sst s0;
	s0 =	simm.s32 @!p1 $0x0  }
0x14: {  	s2 =	sld [smem:$0x3F9B];
	s0 =	simm.s32 @p1 $0x1  }
0x15: {  	[smem:$0x3FB8] =	sst s0;
	s0 =	simm.s32 @!p2 $0x0  }
0x16: {  	s3 =	sld [smem:$0x3FDB];
	s0 =	simm.s32 @p2 $0x1  }
0x17: {  	s4 =	simm.s32 $0x1BF5;
	[smem:$0x3FBA] =	sst s0  }
0x18: {  	s0 =	sld [smem:$0x3F9D];
	_ =	swait.ge [sflag:s4], $0x0  }
0x19: {  	s7 =	sld [smem:$0x3F9E]  }
0x1a: {  	s8 =	sadd.s32 $0xFFFFE003, lr  }
0x1b: {  	s9 =	sadd.s32 $0xFFFFFEF7, lr;
	s5 =	simm.s32 $0xFFFFFFFF;
	p2 =	slt.u32 s8, $0xFFFFF086  }
0x1c: {  	p1 =	slt.u32 s9, $0xF7A;
	s5 =	simm.s32 @!p2 $0x0  }
0x1d: {  	s5 =	simm.s32 @p1 $0x1;
	p0 =	seq.s32 s7, s2  }
0x1e: {  	s7 =	smul.u32 @!p0 $0xF7A, s2;
	p2 =	seq.s32 @!p0 s5, $0x0  }
0x1f: {  	s9 =	smul.u32 $0xF7A, s1;
	s8 =	simm.s32 @!p0 $0x1BF5;
	p2 =	por !p2, p0  }
0x20: {  	[sflag:s8] =	ssyncset.s32 @!p0 $0xFFFFF086;
	s6 =	sadd.s32 @!p0 s3, s7;
	s7 =	simm.s32 @!p0 $0x108  }
0x21: {  	s3 =	sadd.s32 s3, s9;
	s6 =	sadd.s32 @!p0 $0x88, s6;
	s7 =	simm.s32 @p2 $0x1082  }
0x22: {  	[simem:s7], [sflag:s8] =	dma.local @!p0 [hbm:s6], $0xF7A  }
0x23: {  	s9 =	sor.u32 $0xD0000000, s2;
	s6 =	simm.s32 $0x108;
	_ =	swait.ge @!p0 [sflag:s8], $0x0  }
0x24: {  	s3 =	sadd.s32 $0x88, s3;
	s6 =	simm.s32 @!p1 $0x1082;
	[sflag:s4] =	ssyncset.s32 $0xFFFFF086  }
0x25: {  	[simem:s6], [sflag:s4] =	dma.local [hbm:s3], $0xF7A  }
0x26: {  	[smem:$0x3F9E] =	sst s1;
	(tag) =	ssettag s2;
	_ =	strace s9  }
0x27: {  	s1 =	sld [smem:$0x3FAE]  }
0x28: {  	s2 =	sld [smem:$0x3FAF]  }
0x29: {  	s4 =	sld [smem:$0x3FB1]  }
0x2a: {  	p0 =	seq.s32 s5, $0x0;
	s5 =	sld [smem:$0x3FB2]  }
0x2b: {  	s6 =	sld [smem:$0x3FB3]  }
0x2c: {  	s7 =	sld [smem:$0x3FB4]  }
0x2d: {  	s3 =	simm.s32 $0x108;
	s8 =	sld [smem:$0x3FB5]  }
0x2e: {  	s3 =	simm.s32 @!p0 $0x1082;
	s9 =	sld [smem:$0x3FB6]  }
0x2f: {  	lr =	sadd.s32 s0, s3;
	s0 =	sld [smem:$0x3FAD]  }
0x30: {  	s3 =	sld [smem:$0x3FB0]  }
0x31: {  	[smem:$0x3FB9] =	sst s10  }
0x32: {  	s10 =	sld [smem:$0x3FB7];
	_ =	sdelay $0x3  }
0x33: {  	p0 =	seq.s32 s10, $0x1;
	s10 =	sld [smem:$0x3FB9];
	_ =	sdelay $0x3  }
0x34: {  	[smem:$0x3FB9] =	sst s10  }
0x35: {  	s10 =	sld [smem:$0x3FB8];
	_ =	sdelay $0x3  }
0x36: {  	p1 =	seq.s32 s10, $0x1;
	s10 =	sld [smem:$0x3FB9];
	_ =	sdelay $0x3  }
0x37: {  	[smem:$0x3FB9] =	sst s10  }
0x38: {  	s10 =	sld [smem:$0x3FBA]  }
0x39: {  	_ = 	snop;
	(pc) =	sbr.ind lr, $3  }
0x3a: {  	_ = 	snop  }
0x3b: {  	_ = 	snop  }
0x3c: {  	p2 =	seq.s32 s10, $0x1;
	s10 =	sld [smem:$0x3FB9]  }
0x3d: {  	_ =	shalt  }
0x3e: {  	_ =	shalt  }
0x3f: {  	_ =	shalt  }
0x40: {  	_ =	shalt  }
0x41: {  	_ =	shalt  }
0x42: {  	_ =	shalt  }
0x43: {  	_ =	shalt  }
0x44: {  	_ =	shalt  }
0x45: {  	_ =	shalt  }
0x46: {  	_ =	shalt  }
0x47: {  	_ =	shalt  }
0x48: {  	_ =	shalt  }
0x49: {  	_ =	shalt  }
0x4a: {  	_ =	shalt  }
0x4b: {  	_ =	shalt  }
0x4c: {  	_ =	shalt  }
0x4d: {  	_ =	shalt  }
0x4e: {  	_ =	shalt  }
0x4f: {  	_ =	shalt  }
0x50: {  	_ =	shalt  }
0x51: {  	_ =	shalt  }
0x52: {  	_ =	shalt  }
0x53: {  	_ =	shalt  }
0x54: {  	_ =	shalt  }
0x55: {  	_ =	shalt  }
0x56: {  	_ =	shalt  }
0x57: {  	_ =	shalt  }
0x58: {  	_ =	shalt  }
0x59: {  	_ =	shalt  }
0x5a: {  	_ =	shalt  }
0x5b: {  	_ =	shalt  }
0x5c: {  	_ =	shalt  }
0x5d: {  	_ =	shalt  }
0x5e: {  	_ =	shalt  }
0x5f: {  	_ =	shalt  }
0x60: {  	_ =	shalt  }
0x61: {  	_ =	shalt  }
0x62: {  	_ =	shalt  }
0x63: {  	_ =	shalt  }
0x64: {  	_ =	shalt  }
0x65: {  	_ =	shalt  }
0x66: {  	_ =	shalt  }
0x67: {  	_ =	shalt  }
0x68: {  	_ =	shalt  }
0x69: {  	_ =	shalt  }
0x6a: {  	_ =	shalt  }
0x6b: {  	_ =	shalt  }
0x6c: {  	_ =	shalt  }
0x6d: {  	_ =	shalt  }
0x6e: {  	_ =	shalt  }
0x6f: {  	_ =	shalt  }
0x70: {  	_ =	shalt  }
0x71: {  	_ =	shalt  }
0x72: {  	_ =	shalt  }
0x73: {  	_ =	shalt  }
0x74: {  	_ =	shalt  }
0x75: {  	_ =	shalt  }
0x76: {  	_ =	shalt  }
0x77: {  	_ =	shalt  }
0x78: {  	_ =	shalt  }
0x79: {  	_ =	shalt  }
0x7a: {  	_ =	shalt  }
0x7b: {  	_ =	shalt  }
0x7c: {  	_ =	shalt  }
0x7d: {  	_ =	shalt  }
0x7e: {  	_ =	shalt  }
0x7f: {  	_ =	shalt  }
0x80: {  	_ =	shalt  }
0x81: {  	_ =	shalt  }
0x82: {  	_ =	shalt  }
0x83: {  	_ =	shalt  }
0x84: {  	_ =	shalt  }
0x85: {  	_ =	shalt  }
0x86: {  	_ =	shalt  }
0x87: {  	_ =	shalt  }
.Lfunc_end0:
.L_simem_size_0:
called_computation_lowered:
.L_overlay_start_0:
0x88: {  	s2 =	sld [smem:$0x3FD9]  }
0x89: {  	s3 =	sld [smem:$0x3FFE];
	_ =	sdelay $0x1  }
0x8a: {  	s1 =	srdreg.scid  }
0x8b: {  	s0 =	sand.u32 $0x1, s1  }
0x8c: {  	s17 =	sshll.u32 s0, $0xA;
	s2 =	sadd.s32 s3, s2  }
0x8d: {  	s2 =	sadd.s32 s2, s17  }
0x8e: {  	[smem:$0x3FC5] =	sst s2  }
0x8f: {  	_ = 	snop  }
0x90: {  	s2 =	sld [smem:$0x3FC9]  }
0x91: {  	s18 =	sld [smem:$0x3FC8]  }
0x92: {  	s4 =	sld [smem:$0x3FD0];
	(tm) =	ssettm $0x1  }
0x93: {  	s5 =	sld [smem:$0x3FFB];
	_ =	sdelay $0x3  }
0x94: {  	_ =	strace s5  }
0x95: {  	s5 =	sld [smem:$0x3FFC];
	_ =	sdelay $0x3  }
0x96: {  	_ =	strace s5  }
0x97: {  	s5 =	sld [smem:$0x3FFD];
	_ =	sdelay $0x3  }
0x98: {  	_ =	strace s5  }
0x99: {  	_ =	strace $0x8FFFFFFF  }
0x9a: {  	s19 =	sld [smem:$0x3FDB];
	_ =	sdelay $0x1  }
0x9b: {  	s6 =	simm.s32 $_scs_section_size  }
0x9c: {  	s7 =	simm.s32 $_size__tile_overlayer_lowered;
	s8 =	simm.s32 $_tile_overlayer_lowered  }
0x9d: {  	s22 =	simm.s32 $0x1BFF;
	s21 =	sshll.u32 s8, $0x1;
	s5 =	sadd.s32 s6, s19  }
0x9e: {  	s9 =	simm.s32 $0x0;
	s20 =	sshll.u32 s7, $0x1;
	s7 =	sadd.s32 s21, s5  }
0x9f: {  	[timem:s9], [sflag:s22] =	dma.local [hbm:s7], s20  }
0xa0: {  	_ =	swait.ge [sflag:s22], s20  }
0xa1: {  	s6 =	ssub.s32 $0x0, s20;
	[sflag:s22] =	ssyncset.done $0x0  }
0xa2: {  	[sflag:s22] =	ssyncadd.s32 s6;
	_ =	sdelay $0x1  }
0xa3: {  	s23 =	simm.s32 $0x1B8B  }
0xa4: {  	_ =	swait.ge [sflag:s23], $0x1  }
0xa5: {  	[sflag:s23] =	ssyncset.done $0x0  }
0xa6: {  	s25 =	simm.s32 $0x1B8E;
	s24 =	sld [smem:$0x3FFE];
	[sflag:s23] =	ssyncadd.s32 $0xFFFFFFFF  }
0xa7: {  	s26 =	simm.s32 $execute0_lowered;
	[smem:$0x3FD2] =	sst s25  }
0xa8: {  	s7 =	sshll.u32 s26, $0x1;
	_ =	strace $0x80000046;
	[dreg:$0x1] =	wrdreg $0xFFFFFFFF  }
0xa9: {  	s28 =	simm.s32 $_size_execute0_lowered;
	s5 =	sadd.s32 s5, s7;
	[dreg:$0x0] =	wrdreg $0x0  }
0xaa: {  	s7 =	sshll.u32 s28, $0x1;
	[dreg:$0x2] =	wrdreg s5  }
0xab: {  	[dreg:$0x3] =	wrdreg s7  }
0xac: {  	[dreg:$0x4] =	wrdreg $0xC0  }
0xad: {  	_ =	task [dreg:s9], $0x5FFFF  }
0xae: {  	[dreg:$0x1] =	wrdreg $0xFFFFFFFF  }
0xaf: {  	[dreg:$0x0] =	wrdreg $0x60  }
0xb0: {  	[dreg:$0x2] =	wrdreg s2  }
0xb1: {  	[dreg:$0x3] =	wrdreg s18  }
0xb2: {  	[dreg:$0x4] =	wrdreg s4  }
0xb3: {  	[dreg:$0x5] =	wrdreg s24  }
0xb4: {  	[dreg:$0x6] =	wrdreg $0x104400  }
0xb5: {  	[dreg:$0x7] =	wrdreg $0x9  }
0xb6: {  	_ =	task.clear_ibuf [dreg:s9], $0x8FFFF;
	_ =	strace $0x90000046  }
0xb7: {  	s29 =	simm.s32 $0x9;
	_ =	strace $0x80000048  }
0xb8: {  	_ =	swait.ge [sflag:s29], $0x1  }
0xb9: {  	[sflag:s29] =	ssyncadd.s32 $0xFFFFFFFF  }
0xba: {  	_ =	strace $0x90000048  }
0xbb: {  	_ =	sfence  }
0xbc: {  	s30 =	sld [smem:$0x0];
	_ =	sdelay $0x2  }
0xbd: {  	s31 =	sshll.u32 s1, $0xD;
	s1 =	sshrl.u32 s1, $0x2  }
0xbe: {  	s3 =	sand.u32 $0x4000, s31;
	s1 =	sadd.s32 s1, s30  }
0xbf: {  	s0 =	sor.u32 s3, s0;
	s1 =	sshll.u32 s1, $0x11  }
0xc0: {  	s0 =	sor.u32 s1, s0  }
0xc1: {  	s0 =	sadd.s32 $0x8F2B, s0  }
0xc2: {  	[sflag:s0] =	ssyncadd.remote.s32 $0x1  }
0xc3: {  	_ =	sfence.sel $0xFFFF  }
0xc4: {  	[dreg:$0x0] =	wrdreg $0xFFFFFFFF;
	(pc) =	sbr.abs _section_cstart, $3  }
0xc5: {  	[dreg:$0x1] =	wrdreg $0xFFFFFFFF  }
0xc6: {  	_ =	task.clear_ibuf [dreg:s9], $0x2FFFF;
	_ =	strace $0x9FFFFFFF  }
0xc7: {  	(tm) =	ssettm $0x7FFFFFFF  }
tec
execute0_lowered:
.L_overlay_start_1:
0x0: {  	(tag) =	ssettag $0x1  }
0x1: {  	s26 =	stileid.u32  }
0x2: {  	p0 =	sgt.s32 s26, $0x3  }
0x3: {  	p2 =	sgt.s32 @p0 s26, $0x5  }
0x4: {  	p1 =	por !p2, !p0  }
0x5: {  	p3 =	seq.s32 @!p1 s26, $0x6  }
0x6: {  	p1 =	por @p0 !p3, !p2  }
0x7: {  	p5 =	sgt.s32 @!p0 s26, $0x1;
	p4 =	por p2, !p0;
	s0 =	simm.s32 @!p1 $0x0  }
0x8: {  	p4 =	seq.s32 @!p4 s26, $0x4;
	s0 =	simm.s32 @p1 $0x1;
	p1 =	por @p0 p3, !p2  }
0x9: {  	p3 =	por p5, p0;
	[smem:$0x7E6] =	sst s0;
	s0 =	simm.s32 @!p1 $0x0  }
0xa: {  	s0 =	simm.s32 @p1 $0x1;
	p1 =	por @p0 !p4, p2;
	s15 =	sld [smem:$0x7E6]  }
0xb: {  	p2 =	por @p0 p4, p2;
	[smem:$0x7E7] =	sst s0;
	s0 =	simm.s32 @!p1 $0x0  }
0xc: {  	s0 =	simm.s32 @p1 $0x1;
	p1 =	por !p5, p0;
	s16 =	sld [smem:$0x7E7]  }
0xd: {  	[smem:$0x7E8] =	sst s0;
	s0 =	simm.s32 @!p2 $0x0;
	p1 =	seq.s32 @!p1 s26, $0x2  }
0xe: {  	s0 =	simm.s32 @p2 $0x1;
	p2 =	seq.s32 @!p3 s26, $0x0;
	p3 =	por @!p0 !p1, !p5  }
0xf: {  	p6 =	por @!p0 p1, !p5;
	[smem:$0x7E9] =	sst s0;
	p1 =	por @!p0 p2, p5  }
0x10: {  	p4 =	por @!p0 !p2, p5;
	p2 =	seq.s32 s15, $0x1;
	s0 =	simm.s32 @!p1 $0x0  }
0x11: {  	s17 =	sld [smem:$0x7E8];
	s0 =	simm.s32 @p1 $0x1;
	p1 =	por p2, !p0  }
0x12: {  	p5 =	seq.s32 s16, $0x1;
	[smem:$0x7EA] =	sst s0;
	s0 =	simm.s32 @!p1 $0x0  }
0x13: {  	s18 =	sld [smem:$0x7E9];
	s0 =	simm.s32 @p1 $0x1;
	p1 =	por p5, !p0  }
0x14: {  	p5 =	seq.s32 s17, $0x1;
	[smem:$0x7EF] =	sst s0;
	s0 =	simm.s32 @!p1 $0x0  }
0x15: {  	s0 =	simm.s32 @p1 $0x1;
	p1 =	por p5, !p0  }
0x16: {  	p5 =	seq.s32 s18, $0x1;
	[smem:$0x7F0] =	sst s0;
	s0 =	simm.s32 @!p1 $0x0  }
0x17: {  	p5 =	por p5, !p0;
	s0 =	simm.s32 @p1 $0x1  }
0x18: {  	[smem:$0x7F1] =	sst s0;
	s0 =	simm.s32 @!p5 $0x0  }
0x19: {  	p3 =	por p3, p0;
	s19 =	sld [smem:$0x7EA];
	s0 =	simm.s32 @p5 $0x1  }
0x1a: {  	[smem:$0x7F2] =	sst s0;
	s0 =	simm.s32 @!p3 $0x0  }
0x1b: {  	s20 =	rddreg [dreg:$0x0];
	p5 =	por p6, p0;
	s0 =	simm.s32 @p3 $0x1  }
0x1c: {  	p2 =	sgt.s32 s26, $0xB;
	[smem:$0x7F3] =	sst s0;
	s0 =	simm.s32 @!p5 $0x0  }
0x1d: {  	p1 =	sgt.s32 @p2 s26, $0xD;
	s0 =	simm.s32 @p5 $0x1;
	p5 =	seq.s32 s19, $0x1  }
0x1e: {  	p6 =	por p4, p0;
	p3 =	por !p1, !p2;
	p0 =	por p5, p0  }
0x1f: {  	p3 =	seq.s32 @!p3 s26, $0xE;
	[smem:$0x7F4] =	sst s0;
	s0 =	simm.s32 @!p0 $0x0  }
0x20: {  	s21 =	rddreg [dreg:$0x1];
	s0 =	simm.s32 @p0 $0x1;
	p0 =	por @p2 !p3, !p1  }
0x21: {  	[smem:$0x7F5] =	sst s0;
	s0 =	simm.s32 @!p0 $0x0  }
0x22: {  	p4 =	por p1, !p2;
	s0 =	simm.s32 @p0 $0x1;
	p0 =	por @p2 p3, !p1  }
0x23: {  	p4 =	seq.s32 @!p4 s26, $0xC;
	[smem:$0x7EB] =	sst s0;
	s0 =	simm.s32 @!p0 $0x0  }
0x24: {  	p3 =	por @p2 !p4, p1;
	s0 =	simm.s32 @p0 $0x1;
	p0 =	sgt.s32 @!p2 s26, $0x9  }
0x25: {  	p4 =	por @p2 p4, p1;
	s3 =	sld [smem:$0x7EB];
	p1 =	por !p0, p2  }
0x26: {  	[smem:$0x7EC] =	sst s0;
	p1 =	seq.s32 @!p1 s26, $0xA  }
0x27: {  	s0 =	simm.s32 @!p3 $0x0;
	p5 =	por @!p2 !p1, !p0;
	p1 =	por @!p2 p1, !p0  }
0x28: {  	s0 =	simm.s32 @p3 $0x1;
	p3 =	por p0, p2;
	s1 =	simm.s32 @!p1 $0x0  }
0x29: {  	s22 =	sld [smem:$0x7EC];
	p3 =	seq.s32 @!p3 s26, $0x8;
	s1 =	simm.s32 @p1 $0x1  }
0x2a: {  	p1 =	por @!p2 !p3, p0;
	p3 =	por @!p2 p3, p0;
	p0 =	seq.s32 s3, $0x1  }
0x2b: {  	s28 =	rddreg [dreg:$0x2];
	p0 =	por p0, !p2  }
0x2c: {  	[smem:$0x7ED] =	sst s0;
	s3 =	simm.s32 @!p0 $0x0  }
0x2d: {  	s23 =	sld [smem:$0x7ED];
	s3 =	simm.s32 @p0 $0x1;
	p0 =	seq.s32 s22, $0x1  }
0x2e: {  	s2 =	srdreg.scid;
	s5 =	rddreg [dreg:$0x3];
	p0 =	por p0, !p2  }
0x2f: {  	s4 =	simm.s32 $0x0;
	[smem:$0x7F6] =	sst s3;
	s3 =	simm.s32 @!p0 $0x0  }
0x30: {  	[smem:$0x7FF] =	sst s4;
	s3 =	simm.s32 @p0 $0x1;
	p0 =	seq.s32 s23, $0x1  }
0x31: {  	s2 =	sand.u32 $0x1, s2;
	[smem:$0x7EE] =	sst s1;
	p0 =	por p0, !p2  }
0x32: {  	s7 =	sshll.u32 s2, $0x9;
	[smem:$0x7F7] =	sst s3;
	s3 =	simm.s32 @!p0 $0x0  }
0x33: {  	s2 =	ssub.s32 $0x2, s2;
	s24 =	sld [smem:$0x7EE];
	s3 =	simm.s32 @p0 $0x1  }
0x34: {  	s25 =	sshrl.u32 s2, $0x1;
	[smem:$0x7F8] =	sst s3  }
0x35: {  	s2 =	ssub.s32 s2, s25;
	s3 =	rddreg [dreg:$0x4];
	_ =	strace $0x80000047  }
0x36: {  	s23 =	smax.u32 s2, $0x1;
	s2 =	sld [smem:$0x7EF]  }
0x37: {  	s29 =	simm.s32 $0x10420;
	p4 =	por p4, !p2;
	p0 =	seq.s32 s24, $0x1  }
0x38: {  	p5 =	por p5, p2;
	p1 =	por p1, p2;
	p0 =	por p0, p2  }
0x39: {  	p2 =	por p3, p2;
	p3 =	seq.s32 s2, $0x1;
	s2 =	sld [smem:$0x7F0]  }
0x3a: {  	s30 =	simm.s32 $0x8400;
	s6 =	sshll.u32 s26, $0xA;
	s25 =	sadd.s32 $0x5E800, s3  }
0x3b: {  	s31 =	simm.s32 $0x2;
	s6 =	sor.u32 s7, s6;
	s1 =	sshrl.u32 @!p3 s25, $0x3  }
0x3c: {  	s24 =	sadd.s32 $0x6E400, s3;
	[dreg:$0x6] =	wrdreg s1;
	p3 =	seq.s32 s2, $0x1  }
0x3d: {  	s7 =	sshll.u32 s6, $0x7;
	s1 =	sshrl.u32 @!p3 s24, $0x3;
	s24 =	sld [smem:$0x7F1]  }
0x3e: {  	s6 =	sshrl.u32 s6, $0x3;
	s22 =	sadd.s32 s7, s5;
	s25 =	sld [smem:$0x7F2]  }
0x3f: {  	s5 =	sadd.s32 s20, s6;
	s6 =	sadd.s32 s21, s6;
	s7 =	sadd.s32 $0x400, s22  }
0x40: {  	s0 =	sadd.s32 $0x3F000, s3;
	[dreg:$0x7] =	wrdreg s1;
	p3 =	seq.s32 s24, $0x1  }
0x41: {  	s0 =	sshrl.u32 @!p3 s0, $0x3;
	p3 =	seq.s32 s25, $0x1;
	s25 =	sld [smem:$0x7F3]  }
0x42: {  	s8 =	sadd.s32 $0x1400, s22;
	s9 =	sadd.s32 $0x2400, s22;
	s24 =	sld [smem:$0x7F4]  }
0x43: {  	s2 =	sadd.s32 $0x1F800, s3;
	[dreg:$0x8] =	wrdreg s0;
	s0 =	sadd.s32 $0x4EC00, s3  }
0x44: {  	s0 =	sshrl.u32 @!p3 s0, $0x3;
	p3 =	seq.s32 s25, $0x1;
	s25 =	sld [smem:$0x7F5]  }
0x45: {  	s10 =	sadd.s32 $0x3400, s22;
	[dreg:$0x9] =	wrdreg s0;
	s0 =	sshrl.u32 @!p3 s2, $0x3  }
0x46: {  	s1 =	sadd.s32 $0x2F400, s3;
	p3 =	seq.s32 s24, $0x1;
	[dreg:$0xa] =	wrdreg s0  }
0x47: {  	s0 =	sshrl.u32 @!p3 s1, $0x3;
	p3 =	seq.s32 s25, $0x1;
	s25 =	sld [smem:$0x7F6]  }
0x48: {  	s11 =	sadd.s32 $0x4400, s22;
	s2 =	sadd.s32 $0xFC00, s3;
	s24 =	sld [smem:$0x7F7]  }
0x49: {  	s12 =	sadd.s32 $0x5400, s22;
	[dreg:$0xb] =	wrdreg s0;
	s2 =	sshrl.u32 @!p3 s2, $0x3  }
0x4a: {  	s1 =	sadd.s32 $0xDC800, s3;
	[dreg:$0xc] =	wrdreg s2;
	p3 =	seq.s32 s25, $0x1  }
0x4b: {  	s0 =	sadd.s32 $0xEC400, s3;
	s25 =	sld [smem:$0x7F8];
	s1 =	sshrl.u32 @!p3 s1, $0x3  }
0x4c: {  	p3 =	seq.s32 s24, $0x1;
	s24 =	sadd.s32 $0x19980, s28;
	[dreg:$0xd] =	wrdreg s1  }
0x4d: {  	s13 =	sadd.s32 $0x6400, s22;
	s0 =	sshrl.u32 @!p3 s0, $0x3;
	[dreg:$0x17] =	wrdreg s24  }
0x4e: {  	s14 =	sadd.s32 $0x7400, s22;
	s24 =	sadd.s32 $0xFC00, s28;
	[dreg:$0xe] =	wrdreg s0  }
0x4f: {  	p3 =	seq.s32 s25, $0x1;
	s25 =	sadd.s32 $0x17A00, s28;
	[dreg:$0x1c] =	wrdreg s24  }
0x50: {  	s1 =	sadd.s32 $0xBD000, s3;
	s24 =	sadd.s32 $0x5E80, s28;
	[dreg:$0x18] =	wrdreg s25  }
0x51: {  	s0 =	sadd.s32 $0xCCC00, s3;
	s1 =	sshrl.u32 @!p3 s1, $0x3;
	[smem:$0x7FB] =	sst s24  }
0x52: {  	s15 =	sadd.s32 $0x8400, s22;
	s0 =	sshrl.u32 @!p4 s0, $0x3;
	[dreg:$0xf] =	wrdreg s1  }
0x53: {  	p3 =	sgt.s32 s26, $0x7;
	s26 =	sadd.s32 $0x15A80, s28;
	[dreg:$0x10] =	wrdreg s0  }
0x54: {  	s2 =	sadd.s32 $0x9D800, s3;
	s25 =	sadd.s32 $0xDC80, s28;
	[dreg:$0x19] =	wrdreg s26  }
0x55: {  	s16 =	sadd.s32 $0x9400, s22;
	s0 =	sshrl.u32 @!p5 s2, $0x3;
	[dreg:$0x1d] =	wrdreg s25  }
0x56: {  	s17 =	sadd.s32 $0xA400, s22;
	s26 =	sadd.s32 $0xBD00, s28;
	[dreg:$0x11] =	wrdreg s0  }
0x57: {  	s18 =	sadd.s32 $0xB400, s22;
	s25 =	sadd.s32 $0x3F00, s28;
	[dreg:$0x1e] =	wrdreg s26  }
0x58: {  	s0 =	sadd.s32 $0xAD400, s3;
	[smem:$0x7FC] =	sst s25;
	s26 =	sadd.s32 $0x1F80, s28  }
0x59: {  	s2 =	sadd.s32 $0x7E000, s3;
	s0 =	sshrl.u32 @!p0 s0, $0x3;
	[smem:$0x7FD] =	sst s26  }
0x5a: {  	s19 =	sadd.s32 $0xC400, s22;
	[dreg:$0x12] =	wrdreg s0;
	s0 =	sshrl.u32 @!p1 s2, $0x3  }
0x5b: {  	s1 =	sadd.s32 $0x8DC00, s3;
	s2 =	sadd.s32 $0x1B900, s28;
	[dreg:$0x13] =	wrdreg s0  }
0x5c: {  	s20 =	sadd.s32 $0xD400, s22;
	s0 =	sshrl.u32 @!p2 s1, $0x3;
	[dreg:$0x16] =	wrdreg s2  }
0x5d: {  	s21 =	sadd.s32 $0xE400, s22;
	s1 =	sadd.s32 $0x1D880, s28;
	[dreg:$0x14] =	wrdreg s0  }
0x5e: {  	s22 =	sadd.s32 $0xF400, s22;
	s2 =	sadd.s32 $0x11B80, s28;
	[dreg:$0x15] =	wrdreg s1  }
.Ltmp0:
0x5f: {  	s1 =	sadd.s32 $0x13B00, s28;
	[dreg:$0x1b] =	wrdreg s2;
	(pc) =	sbr.rel .LBB2_1-.Ltmp0, $4  }
0x60: {  	s0 =	simm.s32 @!p3 $0x0;
	s2 =	sadd.s32 $0x7E00, s28;
	[dreg:$0x1a] =	wrdreg s1  }
0x61: {  	s24 =	simm.s32 $0x1;
	s0 =	simm.s32 @p3 $0x1;
	[smem:$0x7FA] =	sst s2  }
0x62: {  	s25 =	simm.s32 $0x20;
	s1 =	sadd.s32 $0x9D80, s28;
	[smem:$0x7F9] =	sst s0  }
0x63: {  	s26 =	simm.s32 $0x10400;
	s28 =	simm.s32 $0x400;
	[dreg:$0x1f] =	wrdreg s1  }
.LBB2_3:
0x64: {  	s0 =	sld [smem:$0x7F6];
	_ =	sdelay $0x2  }
0x65: {  	s1 =	rddreg [dreg:$0xd];
	p3 =	seq.s32 s0, $0x1  }
0x66: {  	s2 =	rddreg [dreg:$0x16];
	s0 =	simm.s32 @!p3 $0x1F83  }
0x67: {  	[spmem:s1], [sflag:s0] =	dma.local @!p3 [hbm:s2], $0x1F80  }
0x68: {  	s0 =	simm.s32 @!p3 $0x3  }
0x69: {  	_ =	swait.ge @!p3 [sflag:s0], $0x1F80  }
0x6a: {  	s1 =	sld [smem:$0x7F7];
	_ =	sdelay $0x1  }
0x6b: {  	[sflag:s0] =	ssyncset.done @!p3 $0x0  }
0x6c: {  	s2 =	rddreg [dreg:$0x15];
	[sflag:s0] =	ssyncadd.s32 @!p3 $0xFFFFE080;
	p3 =	seq.s32 s1, $0x1  }
0x6d: {  	s1 =	rddreg [dreg:$0xe];
	s0 =	simm.s32 @!p3 $0x1FC3  }
0x6e: {  	[spmem:s1], [sflag:s0] =	dma.local @!p3 [hbm:s2], $0x1C00  }
0x6f: {  	s0 =	simm.s32 @!p3 $0x3  }
0x70: {  	_ =	swait.ge @!p3 [sflag:s0], $0x1C00  }
0x71: {  	s2 =	sld [smem:$0x7F8];
	_ =	sdelay $0x1  }
0x72: {  	[sflag:s0] =	ssyncset.done @!p3 $0x0  }
0x73: {  	s1 =	rddreg [dreg:$0xf];
	[sflag:s0] =	ssyncadd.s32 @!p3 $0xFFFFE400;
	p3 =	seq.s32 s2, $0x1  }
0x74: {  	s2 =	rddreg [dreg:$0x18];
	s0 =	simm.s32 @!p3 $0x1F03  }
0x75: {  	[spmem:s1], [sflag:s0] =	dma.local @!p3 [hbm:s2], $0x1F80  }
0x76: {  	s0 =	simm.s32 @!p3 $0x3  }
0x77: {  	_ =	swait.ge @!p3 [sflag:s0], $0x1F80  }
0x78: {  	[sflag:s0] =	ssyncset.done @!p3 $0x0;
	s1 =	rddreg [dreg:$0x10]  }
0x79: {  	s2 =	rddreg [dreg:$0x17];
	[sflag:s0] =	ssyncadd.s32 @!p3 $0xFFFFE080;
	s0 =	simm.s32 @!p4 $0x1F43  }
0x7a: {  	[spmem:s1], [sflag:s0] =	dma.local @!p4 [hbm:s2], $0x1F80  }
0x7b: {  	s0 =	simm.s32 @!p4 $0x3  }
0x7c: {  	_ =	swait.ge @!p4 [sflag:s0], $0x1F80  }
0x7d: {  	[sflag:s0] =	ssyncset.done @!p4 $0x0;
	s1 =	rddreg [dreg:$0x11]  }
0x7e: {  	s2 =	rddreg [dreg:$0x1a];
	[sflag:s0] =	ssyncadd.s32 @!p4 $0xFFFFE080;
	s0 =	simm.s32 @!p5 $0x1E83  }
0x7f: {  	[spmem:s1], [sflag:s0] =	dma.local @!p5 [hbm:s2], $0x1F80  }
0x80: {  	s0 =	simm.s32 @!p5 $0x3  }
0x81: {  	_ =	swait.ge @!p5 [sflag:s0], $0x1F80  }
0x82: {  	[sflag:s0] =	ssyncset.done @!p5 $0x0;
	s1 =	rddreg [dreg:$0x12]  }
0x83: {  	s2 =	rddreg [dreg:$0x19];
	[sflag:s0] =	ssyncadd.s32 @!p5 $0xFFFFE080;
	s0 =	simm.s32 @!p0 $0x1EC3  }
0x84: {  	[spmem:s1], [sflag:s0] =	dma.local @!p0 [hbm:s2], $0x1F80  }
0x85: {  	s0 =	simm.s32 @!p0 $0x3  }
0x86: {  	_ =	swait.ge @!p0 [sflag:s0], $0x1F80  }
0x87: {  	[sflag:s0] =	ssyncset.done @!p0 $0x0;
	s1 =	rddreg [dreg:$0x13]  }
0x88: {  	s2 =	rddreg [dreg:$0x1c];
	[sflag:s0] =	ssyncadd.s32 @!p0 $0xFFFFE080;
	s0 =	simm.s32 @!p1 $0x1E03  }
0x89: {  	[spmem:s1], [sflag:s0] =	dma.local @!p1 [hbm:s2], $0x1F80  }
0x8a: {  	s0 =	simm.s32 @!p1 $0x3  }
0x8b: {  	_ =	swait.ge @!p1 [sflag:s0], $0x1F80  }
0x8c: {  	[sflag:s0] =	ssyncset.done @!p1 $0x0;
	s1 =	rddreg [dreg:$0x14]  }
0x8d: {  	s2 =	rddreg [dreg:$0x1b];
	[sflag:s0] =	ssyncadd.s32 @!p1 $0xFFFFE080;
	s0 =	simm.s32 @!p2 $0x1E43  }
0x8e: {  	[spmem:s1], [sflag:s0] =	dma.local @!p2 [hbm:s2], $0x1F80  }
0x8f: {  	s0 =	simm.s32 @!p2 $0x3  }
0x90: {  	_ =	swait.ge @!p2 [sflag:s0], $0x1F80  }
0x91: {  	[sflag:s0] =	ssyncset.done @!p2 $0x0  }
0x92: {  	[sflag:s0] =	ssyncadd.s32 @!p2 $0xFFFFE080  }
.LBB2_4:
0x93: {  	[tilespmem:s4], [sflag:$0x1] =	stream.linear.gather [hbm4b:s5+s4], $0x200, $0x38;
	[tilespmem:$0x1FE80] =	vst v63  }
0x94: {  	_ =	swait.ge [sflag:s24], $0x200  }
0x95: {  	[sflag:s24] =	ssyncset.done $0x0  }
0x96: {  	s0 =	simm.s32 $0x200;
	[sflag:s24] =	ssyncadd.s32 $0xFFFFFE00  }
0x97: {  	[tilespmem:s0], [sflag:$0x1] =	stream.linear.gather [hbm4b:s6+s4], $0x200, $0x38;
	[tilespmem:$0x1FE80] =	vst v63  }
0x98: {  	_ =	swait.ge [sflag:s24], $0x200  }
0x99: {  	[sflag:s24] =	ssyncset.done $0x0  }
0x9a: {  	[sflag:s24] =	ssyncadd.s32 $0xFFFFFE00  }
0x9b: {  	v0 =	vld [tilespmem:$0x200]  }
0x9c: {  	v1 =	vld [tilespmem:$0x0]  }
0x9d: {  	v2 =	vld [tilespmem:$0x210]  }
0x9e: {  	v3 =	vld [tilespmem:$0x10]  }
0x9f: {  	v4 =	vld [tilespmem:$0x220]  }
0xa0: {  	v5 =	vld [tilespmem:$0x20]  }
0xa1: {  	v6 =	vld [tilespmem:$0x230]  }
0xa2: {  	v7 =	vld [tilespmem:$0x30]  }
0xa3: {  	v8 =	vld [tilespmem:$0x240]  }
0xa4: {  	v9 =	vld [tilespmem:$0x40]  }
0xa5: {  	v10 =	vld [tilespmem:$0x250]  }
0xa6: {  	v11 =	vld [tilespmem:$0x50]  }
0xa7: {  	v12 =	vld [tilespmem:$0x260]  }
0xa8: {  	v13 =	vld [tilespmem:$0x60]  }
0xa9: {  	v14 =	vld [tilespmem:$0x270]  }
0xaa: {  	v15 =	vld [tilespmem:$0x70]  }
0xab: {  	v16 =	vld [tilespmem:$0x280]  }
0xac: {  	v17 =	vld [tilespmem:$0x80]  }
0xad: {  	v18 =	vld [tilespmem:$0x290]  }
0xae: {  	v19 =	vld [tilespmem:$0x90]  }
0xaf: {  	v20 =	vld [tilespmem:$0x2A0]  }
0xb0: {  	v21 =	vld [tilespmem:$0xA0]  }
0xb1: {  	v22 =	vld [tilespmem:$0x2B0]  }
0xb2: {  	v23 =	vld [tilespmem:$0xB0]  }
0xb3: {  	v24 =	vld [tilespmem:$0x2C0]  }
0xb4: {  	v25 =	vld [tilespmem:$0xC0]  }
0xb5: {  	v26 =	vld [tilespmem:$0x2D0]  }
0xb6: {  	v27 =	vld [tilespmem:$0xD0]  }
0xb7: {  	v28 =	vld [tilespmem:$0x2E0]  }
0xb8: {  	v29 =	vld [tilespmem:$0xE0]  }
0xb9: {  	v30 =	vld [tilespmem:$0x2F0]  }
0xba: {  	v31 =	vld [tilespmem:$0xF0]  }
0xbb: {  	v32 =	vld [tilespmem:$0x300]  }
0xbc: {  	v33 =	vld [tilespmem:$0x100]  }
0xbd: {  	v34 =	vld [tilespmem:$0x310]  }
0xbe: {  	v35 =	vld [tilespmem:$0x110]  }
0xbf: {  	v55 =	vld [tilespmem:$0x320];
	vm0 =	veq.s32 v0, $0x1  }
0xc0: {  	v63 =	vld [tilespmem:$0x360];
	vm9 =	veq.s32 v2, $0x1;
	v1 =	vsel vm0, $0x3E8, v1  }
0xc1: {  	v37 =	vld [tilespmem:$0x160];
	vm10 =	veq.s32 v4, $0x1;
	v56 =	vsel vm9, $0x3E8, v3;
	[tilespmem:$0x0] =	vst v1  }
0xc2: {  	v39 =	vld [tilespmem:$0x370];
	vm11 =	veq.s32 v6, $0x1;
	v57 =	vsel vm10, $0x3E8, v5;
	[tilespmem:$0x10] =	vst v56  }
0xc3: {  	v41 =	vld [tilespmem:$0x170];
	vm12 =	veq.s32 v8, $0x1;
	v58 =	vsel vm11, $0x3E8, v7;
	[tilespmem:$0x20] =	vst v57  }
0xc4: {  	v43 =	vld [tilespmem:$0x380];
	vm13 =	veq.s32 v10, $0x1;
	v59 =	vsel vm12, $0x3E8, v9;
	[tilespmem:$0x30] =	vst v58  }
0xc5: {  	v45 =	vld [tilespmem:$0x180];
	vm14 =	veq.s32 v12, $0x1;
	v60 =	vsel vm13, $0x3E8, v11;
	[tilespmem:$0x40] =	vst v59  }
0xc6: {  	v47 =	vld [tilespmem:$0x390];
	vm15 =	veq.s32 v14, $0x1;
	v61 =	vsel vm14, $0x3E8, v13;
	[tilespmem:$0x50] =	vst v60  }
0xc7: {  	v49 =	vld [tilespmem:$0x190];
	vm4 =	veq.s32 v16, $0x1;
	v62 =	vsel vm15, $0x3E8, v15;
	[tilespmem:$0x60] =	vst v61  }
0xc8: {  	v51 =	vld [tilespmem:$0x3A0];
	vm5 =	veq.s32 v18, $0x1;
	v36 =	vsel vm4, $0x3E8, v17;
	[tilespmem:$0x70] =	vst v62  }
0xc9: {  	v53 =	vld [tilespmem:$0x1A0];
	vm6 =	veq.s32 v20, $0x1;
	v38 =	vsel vm5, $0x3E8, v19;
	[tilespmem:$0x80] =	vst v36  }
0xca: {  	v2 =	vld [tilespmem:$0x120];
	vm7 =	veq.s32 v22, $0x1;
	v40 =	vsel vm6, $0x3E8, v21;
	[tilespmem:$0x90] =	vst v38  }
0xcb: {  	v4 =	vld [tilespmem:$0x130];
	vm8 =	veq.s32 v24, $0x1;
	v42 =	vsel vm7, $0x3E8, v23;
	[tilespmem:$0xA0] =	vst v40  }
0xcc: {  	v6 =	vld [tilespmem:$0x140];
	v44 =	vsel vm8, $0x3E8, v25;
	vm9 =	veq.s32 v26, $0x1;
	[tilespmem:$0xB0] =	vst v42  }
0xcd: {  	v8 =	vld [tilespmem:$0x150];
	vm10 =	veq.s32 v28, $0x1;
	[tilespmem:$0xC0] =	vst v44;
	v46 =	vsel vm9, $0x3E8, v27  }
0xce: {  	v3 =	vld [tilespmem:$0x330];
	vm11 =	veq.s32 v30, $0x1;
	v48 =	vsel vm10, $0x3E8, v29;
	[tilespmem:$0xD0] =	vst v46  }
0xcf: {  	v5 =	vld [tilespmem:$0x340];
	vm12 =	veq.s32 v32, $0x1;
	v50 =	vsel vm11, $0x3E8, v31;
	[tilespmem:$0xE0] =	vst v48  }
0xd0: {  	v7 =	vld [tilespmem:$0x350];
	vm13 =	veq.s32 v34, $0x1;
	v52 =	vsel vm12, $0x3E8, v33;
	[tilespmem:$0xF0] =	vst v50  }
0xd1: {  	vm14 =	veq.s32 v55, $0x1;
	v55 =	vld [tilespmem:$0x3B0];
	vm6 =	veq.s32 v63, $0x1;
	v54 =	vsel vm13, $0x3E8, v35;
	[tilespmem:$0x100] =	vst v52  }
0xd2: {  	v63 =	vld [tilespmem:$0x3D0];
	vm7 =	veq.s32 v39, $0x1;
	v10 =	vsel vm6, $0x3E8, v37;
	[tilespmem:$0x110] =	vst v54  }
0xd3: {  	v19 =	vld [tilespmem:$0x1D0];
	vm8 =	veq.s32 v43, $0x1;
	v20 =	vsel vm7, $0x3E8, v41;
	[tilespmem:$0x160] =	vst v10  }
0xd4: {  	v21 =	vld [tilespmem:$0x3E0];
	v22 =	vsel vm8, $0x3E8, v45;
	vm9 =	veq.s32 v47, $0x1;
	[tilespmem:$0x170] =	vst v20  }
0xd5: {  	v23 =	vld [tilespmem:$0x1E0];
	vm10 =	veq.s32 v51, $0x1;
	[tilespmem:$0x180] =	vst v22;
	v24 =	vsel vm9, $0x3E8, v49  }
0xd6: {  	v57 =	vld [tilespmem:$0x1B0];
	v26 =	vsel vm10, $0x3E8, v53;
	[tilespmem:$0x190] =	vst v24  }
0xd7: {  	v25 =	vld [tilespmem:$0x3F0];
	[tilespmem:$0x1A0] =	vst v26;
	v56 =	vsel vm14, $0x3E8, v2;
	vm15 =	veq.s32 v3, $0x1  }
0xd8: {  	v59 =	vld [tilespmem:$0x3C0];
	[tilespmem:$0x120] =	vst v56;
	vm4 =	veq.s32 v5, $0x1;
	v58 =	vsel vm15, $0x3E8, v4  }
0xd9: {  	v61 =	vld [tilespmem:$0x1C0];
	vm5 =	veq.s32 v7, $0x1;
	v60 =	vsel vm4, $0x3E8, v6;
	[tilespmem:$0x130] =	vst v58  }
0xda: {  	v27 =	vld [tilespmem:$0x1F0];
	vm11 =	veq.s32 v55, $0x1;
	v62 =	vsel vm5, $0x3E8, v8;
	[tilespmem:$0x140] =	vst v60  }
0xdb: {  	vm13 =	veq.s32 v63, $0x1;
	v28 =	vsel vm11, $0x3E8, v57;
	[tilespmem:$0x150] =	vst v62  }
0xdc: {  	vm14 =	veq.s32 v21, $0x1;
	v30 =	vsel vm13, $0x3E8, v19;
	[tilespmem:$0x1B0] =	vst v28  }
0xdd: {  	vm12 =	veq.s32 v59, $0x1;
	v31 =	vsel vm14, $0x3E8, v23;
	[tilespmem:$0x1D0] =	vst v30  }
0xde: {  	vm15 =	veq.s32 v25, $0x1;
	v29 =	vsel vm12, $0x3E8, v61;
	[tilespmem:$0x1E0] =	vst v31  }
0xdf: {  	v0 =	vsel vm15, $0x3E8, v27;
	[tilespmem:$0x1C0] =	vst v29  }
0xe0: {  	[tilespmem:$0x1F0] =	vst v0  }
0xe1: {  	[bflag:$0x0] =	sbarrier.arrive $0xFFFF  }
0xe2: {  	v32 =	vld [tilespmem:$0x0]  }
0xe3: {  	v33 =	vld [tilespmem:$0x10];
	_ =	sdelay $0x3  }
0xe4: {  	[tilespmem:$0x10400] =	vst v32  }
0xe5: {  	[tilespmem:$0x10410] =	vst v33  }
0xe6: {  	[tilespmem:s28], [sflag:$0x1] =	stream.indirect.gather [spmem:s3], $0x400, s26, s25, $0xb8;
	[tilespmem:$0x1FE80] =	vst v63  }
0xe7: {  	v34 =	vld [tilespmem:$0x20]  }
0xe8: {  	v35 =	vld [tilespmem:$0x30];
	_ =	sdelay $0x3  }
0xe9: {  	[tilespmem:$0x10420] =	vst v34  }
0xea: {  	[tilespmem:$0x10430] =	vst v35  }
0xeb: {  	[tilespmem:s30], [sflag:$0x1] =	stream.indirect.gather [spmem:s3], $0x400, s29, s25, $0xb8;
	[tilespmem:$0x1FE80] =	vst v63  }
0xec: {  	_ =	swait.ge [sflag:s24], $0x8000  }
0xed: {  	[sflag:s24] =	ssyncset.done $0x0  }
0xee: {  	[sflag:s24] =	ssyncadd.s32 $0xFFFF8000  }
0xef: {  	[hbm4b:s7+s4] =	stream.linear.scatter [tilespmem:s28], [sflag:$0x2], $0x8000, $0x38;
	[tilespmem:$0x1FE80] =	vst v63  }
0xf0: {  	_ =	swait.ge [sflag:s31], $0x8000  }
0xf1: {  	[sflag:s31] =	ssyncset.done $0x0  }
0xf2: {  	[sflag:s31] =	ssyncadd.s32 $0xFFFF8000  }
0xf3: {  	v36 =	vld [tilespmem:$0x40]  }
0xf4: {  	v37 =	vld [tilespmem:$0x50];
	_ =	sdelay $0x3  }
0xf5: {  	[tilespmem:$0x10400] =	vst v36  }
0xf6: {  	[tilespmem:$0x10410] =	vst v37  }
0xf7: {  	[tilespmem:s28], [sflag:$0x1] =	stream.indirect.gather [spmem:s3], $0x400, s26, s25, $0xb8;
	[tilespmem:$0x1FE80] =	vst v63  }
0xf8: {  	_ =	swait.ge [sflag:s24], $0x8000  }
0xf9: {  	[sflag:s24] =	ssyncset.done $0x0  }
0xfa: {  	[sflag:s24] =	ssyncadd.s32 $0xFFFF8000  }
0xfb: {  	[hbm4b:s8+s4] =	stream.linear.scatter [tilespmem:s30], [sflag:$0x2], $0x8000, $0x38;
	[tilespmem:$0x1FE80] =	vst v63  }
0xfc: {  	_ =	swait.ge [sflag:s31], $0x8000  }
0xfd: {  	[sflag:s31] =	ssyncset.done $0x0  }
0xfe: {  	[sflag:s31] =	ssyncadd.s32 $0xFFFF8000  }
0xff: {  	v38 =	vld [tilespmem:$0x60]  }
0x100: {  	v39 =	vld [tilespmem:$0x70];
	_ =	sdelay $0x3  }
0x101: {  	[tilespmem:$0x10420] =	vst v38  }
0x102: {  	[tilespmem:$0x10430] =	vst v39  }
0x103: {  	[tilespmem:s30], [sflag:$0x1] =	stream.indirect.gather [spmem:s3], $0x400, s29, s25, $0xb8;
	[tilespmem:$0x1FE80] =	vst v63  }
0x104: {  	_ =	swait.ge [sflag:s24], $0x8000  }
0x105: {  	[sflag:s24] =	ssyncset.done $0x0  }
0x106: {  	[sflag:s24] =	ssyncadd.s32 $0xFFFF8000  }
0x107: {  	[hbm4b:s9+s4] =	stream.linear.scatter [tilespmem:s28], [sflag:$0x2], $0x8000, $0x38;
	[tilespmem:$0x1FE80] =	vst v63  }
0x108: {  	_ =	swait.ge [sflag:s31], $0x8000  }
0x109: {  	[sflag:s31] =	ssyncset.done $0x0  }
0x10a: {  	[sflag:s31] =	ssyncadd.s32 $0xFFFF8000  }
0x10b: {  	v40 =	vld [tilespmem:$0x80]  }
0x10c: {  	v41 =	vld [tilespmem:$0x90];
	_ =	sdelay $0x3  }
0x10d: {  	[tilespmem:$0x10400] =	vst v40  }
0x10e: {  	[tilespmem:$0x10410] =	vst v41  }
0x10f: {  	[tilespmem:s28], [sflag:$0x1] =	stream.indirect.gather [spmem:s3], $0x400, s26, s25, $0xb8;
	[tilespmem:$0x1FE80] =	vst v63  }
0x110: {  	_ =	swait.ge [sflag:s24], $0x8000  }
0x111: {  	[sflag:s24] =	ssyncset.done $0x0  }
0x112: {  	[sflag:s24] =	ssyncadd.s32 $0xFFFF8000  }
0x113: {  	[hbm4b:s10+s4] =	stream.linear.scatter [tilespmem:s30], [sflag:$0x2], $0x8000, $0x38;
	[tilespmem:$0x1FE80] =	vst v63  }
0x114: {  	_ =	swait.ge [sflag:s31], $0x8000  }
0x115: {  	[sflag:s31] =	ssyncset.done $0x0  }
0x116: {  	[sflag:s31] =	ssyncadd.s32 $0xFFFF8000  }
0x117: {  	v42 =	vld [tilespmem:$0xA0]  }
0x118: {  	v43 =	vld [tilespmem:$0xB0];
	_ =	sdelay $0x3  }
0x119: {  	[tilespmem:$0x10420] =	vst v42  }
0x11a: {  	[tilespmem:$0x10430] =	vst v43  }
0x11b: {  	[tilespmem:s30], [sflag:$0x1] =	stream.indirect.gather [spmem:s3], $0x400, s29, s25, $0xb8;
	[tilespmem:$0x1FE80] =	vst v63  }
0x11c: {  	_ =	swait.ge [sflag:s24], $0x8000  }
0x11d: {  	[sflag:s24] =	ssyncset.done $0x0  }
0x11e: {  	[sflag:s24] =	ssyncadd.s32 $0xFFFF8000  }
0x11f: {  	[hbm4b:s11+s4] =	stream.linear.scatter [tilespmem:s28], [sflag:$0x2], $0x8000, $0x38;
	[tilespmem:$0x1FE80] =	vst v63  }
0x120: {  	_ =	swait.ge [sflag:s31], $0x8000  }
0x121: {  	[sflag:s31] =	ssyncset.done $0x0  }
0x122: {  	[sflag:s31] =	ssyncadd.s32 $0xFFFF8000  }
0x123: {  	v44 =	vld [tilespmem:$0xC0]  }
0x124: {  	v45 =	vld [tilespmem:$0xD0];
	_ =	sdelay $0x3  }
0x125: {  	[tilespmem:$0x10400] =	vst v44  }
0x126: {  	[tilespmem:$0x10410] =	vst v45  }
0x127: {  	[tilespmem:s28], [sflag:$0x1] =	stream.indirect.gather [spmem:s3], $0x400, s26, s25, $0xb8;
	[tilespmem:$0x1FE80] =	vst v63  }
0x128: {  	_ =	swait.ge [sflag:s24], $0x8000  }
0x129: {  	[sflag:s24] =	ssyncset.done $0x0  }
0x12a: {  	[sflag:s24] =	ssyncadd.s32 $0xFFFF8000  }
0x12b: {  	[hbm4b:s12+s4] =	stream.linear.scatter [tilespmem:s30], [sflag:$0x2], $0x8000, $0x38;
	[tilespmem:$0x1FE80] =	vst v63  }
0x12c: {  	_ =	swait.ge [sflag:s31], $0x8000  }
0x12d: {  	[sflag:s31] =	ssyncset.done $0x0  }
0x12e: {  	[sflag:s31] =	ssyncadd.s32 $0xFFFF8000  }
0x12f: {  	v46 =	vld [tilespmem:$0xE0]  }
0x130: {  	v47 =	vld [tilespmem:$0xF0];
	_ =	sdelay $0x3  }
0x131: {  	[tilespmem:$0x10420] =	vst v46  }
0x132: {  	[tilespmem:$0x10430] =	vst v47  }
0x133: {  	[tilespmem:s30], [sflag:$0x1] =	stream.indirect.gather [spmem:s3], $0x400, s29, s25, $0xb8;
	[tilespmem:$0x1FE80] =	vst v63  }
0x134: {  	_ =	swait.ge [sflag:s24], $0x8000  }
0x135: {  	[sflag:s24] =	ssyncset.done $0x0  }
0x136: {  	[sflag:s24] =	ssyncadd.s32 $0xFFFF8000  }
0x137: {  	[hbm4b:s13+s4] =	stream.linear.scatter [tilespmem:s28], [sflag:$0x2], $0x8000, $0x38;
	[tilespmem:$0x1FE80] =	vst v63  }
0x138: {  	_ =	swait.ge [sflag:s31], $0x8000  }
0x139: {  	[sflag:s31] =	ssyncset.done $0x0  }
0x13a: {  	[sflag:s31] =	ssyncadd.s32 $0xFFFF8000  }
0x13b: {  	v48 =	vld [tilespmem:$0x100]  }
0x13c: {  	v49 =	vld [tilespmem:$0x110];
	_ =	sdelay $0x3  }
0x13d: {  	[tilespmem:$0x10400] =	vst v48  }
0x13e: {  	[tilespmem:$0x10410] =	vst v49  }
0x13f: {  	[tilespmem:s28], [sflag:$0x1] =	stream.indirect.gather [spmem:s3], $0x400, s26, s25, $0xb8;
	[tilespmem:$0x1FE80] =	vst v63  }
0x140: {  	_ =	swait.ge [sflag:s24], $0x8000  }
0x141: {  	[sflag:s24] =	ssyncset.done $0x0  }
0x142: {  	[sflag:s24] =	ssyncadd.s32 $0xFFFF8000  }
0x143: {  	[hbm4b:s14+s4] =	stream.linear.scatter [tilespmem:s30], [sflag:$0x2], $0x8000, $0x38;
	[tilespmem:$0x1FE80] =	vst v63  }
0x144: {  	_ =	swait.ge [sflag:s31], $0x8000  }
0x145: {  	[sflag:s31] =	ssyncset.done $0x0  }
0x146: {  	[sflag:s31] =	ssyncadd.s32 $0xFFFF8000  }
0x147: {  	v50 =	vld [tilespmem:$0x120]  }
0x148: {  	v51 =	vld [tilespmem:$0x130];
	_ =	sdelay $0x3  }
0x149: {  	[tilespmem:$0x10420] =	vst v50  }
0x14a: {  	[tilespmem:$0x10430] =	vst v51  }
0x14b: {  	[tilespmem:s30], [sflag:$0x1] =	stream.indirect.gather [spmem:s3], $0x400, s29, s25, $0xb8;
	[tilespmem:$0x1FE80] =	vst v63  }
0x14c: {  	_ =	swait.ge [sflag:s24], $0x8000  }
0x14d: {  	[sflag:s24] =	ssyncset.done $0x0  }
0x14e: {  	[sflag:s24] =	ssyncadd.s32 $0xFFFF8000  }
0x14f: {  	[hbm4b:s15+s4] =	stream.linear.scatter [tilespmem:s28], [sflag:$0x2], $0x8000, $0x38;
	[tilespmem:$0x1FE80] =	vst v63  }
0x150: {  	_ =	swait.ge [sflag:s31], $0x8000  }
0x151: {  	[sflag:s31] =	ssyncset.done $0x0  }
0x152: {  	[sflag:s31] =	ssyncadd.s32 $0xFFFF8000  }
0x153: {  	v52 =	vld [tilespmem:$0x140]  }
0x154: {  	v53 =	vld [tilespmem:$0x150];
	_ =	sdelay $0x3  }
0x155: {  	[tilespmem:$0x10400] =	vst v52  }
0x156: {  	[tilespmem:$0x10410] =	vst v53  }
0x157: {  	[tilespmem:s28], [sflag:$0x1] =	stream.indirect.gather [spmem:s3], $0x400, s26, s25, $0xb8;
	[tilespmem:$0x1FE80] =	vst v63  }
0x158: {  	_ =	swait.ge [sflag:s24], $0x8000  }
0x159: {  	[sflag:s24] =	ssyncset.done $0x0  }
0x15a: {  	[sflag:s24] =	ssyncadd.s32 $0xFFFF8000  }
0x15b: {  	[hbm4b:s16+s4] =	stream.linear.scatter [tilespmem:s30], [sflag:$0x2], $0x8000, $0x38;
	[tilespmem:$0x1FE80] =	vst v63  }
0x15c: {  	_ =	swait.ge [sflag:s31], $0x8000  }
0x15d: {  	[sflag:s31] =	ssyncset.done $0x0  }
0x15e: {  	[sflag:s31] =	ssyncadd.s32 $0xFFFF8000  }
0x15f: {  	v54 =	vld [tilespmem:$0x160]  }
0x160: {  	v55 =	vld [tilespmem:$0x170];
	_ =	sdelay $0x3  }
0x161: {  	[tilespmem:$0x10420] =	vst v54  }
0x162: {  	[tilespmem:$0x10430] =	vst v55  }
0x163: {  	[tilespmem:s30], [sflag:$0x1] =	stream.indirect.gather [spmem:s3], $0x400, s29, s25, $0xb8;
	[tilespmem:$0x1FE80] =	vst v63  }
0x164: {  	_ =	swait.ge [sflag:s24], $0x8000  }
0x165: {  	[sflag:s24] =	ssyncset.done $0x0  }
0x166: {  	[sflag:s24] =	ssyncadd.s32 $0xFFFF8000  }
0x167: {  	[hbm4b:s17+s4] =	stream.linear.scatter [tilespmem:s28], [sflag:$0x2], $0x8000, $0x38;
	[tilespmem:$0x1FE80] =	vst v63  }
0x168: {  	_ =	swait.ge [sflag:s31], $0x8000  }
0x169: {  	[sflag:s31] =	ssyncset.done $0x0  }
0x16a: {  	[sflag:s31] =	ssyncadd.s32 $0xFFFF8000  }
0x16b: {  	v56 =	vld [tilespmem:$0x180]  }
0x16c: {  	v57 =	vld [tilespmem:$0x190];
	_ =	sdelay $0x3  }
0x16d: {  	[tilespmem:$0x10400] =	vst v56  }
0x16e: {  	[tilespmem:$0x10410] =	vst v57  }
0x16f: {  	[tilespmem:s28], [sflag:$0x1] =	stream.indirect.gather [spmem:s3], $0x400, s26, s25, $0xb8;
	[tilespmem:$0x1FE80] =	vst v63  }
0x170: {  	_ =	swait.ge [sflag:s24], $0x8000  }
0x171: {  	[sflag:s24] =	ssyncset.done $0x0  }
0x172: {  	[sflag:s24] =	ssyncadd.s32 $0xFFFF8000  }
0x173: {  	[hbm4b:s18+s4] =	stream.linear.scatter [tilespmem:s30], [sflag:$0x2], $0x8000, $0x38;
	[tilespmem:$0x1FE80] =	vst v63  }
0x174: {  	_ =	swait.ge [sflag:s31], $0x8000  }
0x175: {  	[sflag:s31] =	ssyncset.done $0x0  }
0x176: {  	[sflag:s31] =	ssyncadd.s32 $0xFFFF8000  }
0x177: {  	v58 =	vld [tilespmem:$0x1A0]  }
0x178: {  	v59 =	vld [tilespmem:$0x1B0];
	_ =	sdelay $0x3  }
0x179: {  	[tilespmem:$0x10420] =	vst v58  }
0x17a: {  	[tilespmem:$0x10430] =	vst v59  }
0x17b: {  	[tilespmem:s30], [sflag:$0x1] =	stream.indirect.gather [spmem:s3], $0x400, s29, s25, $0xb8;
	[tilespmem:$0x1FE80] =	vst v63  }
0x17c: {  	_ =	swait.ge [sflag:s24], $0x8000  }
0x17d: {  	[sflag:s24] =	ssyncset.done $0x0  }
0x17e: {  	[sflag:s24] =	ssyncadd.s32 $0xFFFF8000  }
0x17f: {  	[hbm4b:s19+s4] =	stream.linear.scatter [tilespmem:s28], [sflag:$0x2], $0x8000, $0x38;
	[tilespmem:$0x1FE80] =	vst v63  }
0x180: {  	_ =	swait.ge [sflag:s31], $0x8000  }
0x181: {  	[sflag:s31] =	ssyncset.done $0x0  }
0x182: {  	[sflag:s31] =	ssyncadd.s32 $0xFFFF8000  }
0x183: {  	v60 =	vld [tilespmem:$0x1C0]  }
0x184: {  	v61 =	vld [tilespmem:$0x1D0];
	_ =	sdelay $0x3  }
0x185: {  	[tilespmem:$0x10400] =	vst v60  }
0x186: {  	[tilespmem:$0x10410] =	vst v61  }
0x187: {  	[tilespmem:s28], [sflag:$0x1] =	stream.indirect.gather [spmem:s3], $0x400, s26, s25, $0xb8;
	[tilespmem:$0x1FE80] =	vst v63  }
0x188: {  	_ =	swait.ge [sflag:s24], $0x8000  }
0x189: {  	[sflag:s24] =	ssyncset.done $0x0  }
0x18a: {  	[sflag:s24] =	ssyncadd.s32 $0xFFFF8000  }
0x18b: {  	[hbm4b:s20+s4] =	stream.linear.scatter [tilespmem:s30], [sflag:$0x2], $0x8000, $0x38;
	[tilespmem:$0x1FE80] =	vst v63  }
0x18c: {  	_ =	swait.ge [sflag:s31], $0x8000  }
0x18d: {  	[sflag:s31] =	ssyncset.done $0x0  }
0x18e: {  	[sflag:s31] =	ssyncadd.s32 $0xFFFF8000  }
0x18f: {  	v62 =	vld [tilespmem:$0x1E0]  }
0x190: {  	v63 =	vld [tilespmem:$0x1F0];
	_ =	sdelay $0x3  }
0x191: {  	[tilespmem:$0x10420] =	vst v62  }
0x192: {  	[tilespmem:$0x10430] =	vst v63  }
0x193: {  	[tilespmem:s30], [sflag:$0x1] =	stream.indirect.gather [spmem:s3], $0x400, s29, s25, $0xb8;
	[tilespmem:$0x1FE80] =	vst v63  }
0x194: {  	_ =	swait.ge [sflag:s24], $0x8000  }
0x195: {  	[sflag:s24] =	ssyncset.done $0x0  }
0x196: {  	[sflag:s24] =	ssyncadd.s32 $0xFFFF8000  }
0x197: {  	[hbm4b:s21+s4] =	stream.linear.scatter [tilespmem:s28], [sflag:$0x2], $0x8000, $0x38;
	[tilespmem:$0x1FE80] =	vst v63  }
0x198: {  	_ =	swait.ge [sflag:s24], $0x8000  }
0x199: {  	[sflag:s24] =	ssyncset.done $0x0  }
0x19a: {  	s23 =	sadd.s32 $0xFFFFFFFF, s23;
	[sflag:s24] =	ssyncadd.s32 $0xFFFF8000  }
0x19b: {  	[hbm4b:s22+s4] =	stream.linear.scatter [tilespmem:s30], [sflag:$0x2], $0x8000, $0x38;
	[tilespmem:$0x1FE80] =	vst v63  }
0x19c: {  	p3 =	sne.s32 s23, $0x0;
	_ =	swait.ge [sflag:s31], $0x8000  }
.Ltmp1:
0x19d: {  	[sflag:s31] =	ssyncset.done $0x0;
	(pc) =	sbr.rel @!p3 .LBB2_5-.Ltmp1, $4  }
0x19e: {  	[sflag:s31] =	ssyncadd.s32 $0xFFFF8000  }
0x19f: {  	_ =	swait.ge [sflag:s31], $0x8000  }
0x1a0: {  	[sflag:s31] =	ssyncset.done $0x0  }
0x1a1: {  	[sflag:s31] =	ssyncadd.s32 $0xFFFF8000  }
.LBB2_1:
0x1a2: {  	s0 =	sld [smem:$0x7F9];
	_ =	sdelay $0x2  }
0x1a3: {  	p3 =	seq.s32 s0, $0x1  }
.Ltmp2:
0x1a4: {  	_ = 	snop;
	(pc) =	sbr.rel @p3 .LBB2_3-.Ltmp2, $1  }
0x1a5: {  	_ =	sdelay $0x3  }
0x1a6: {  	s0 =	sld [smem:$0x7EF];
	_ =	sdelay $0x2  }
0x1a7: {  	s1 =	rddreg [dreg:$0x1e];
	p3 =	seq.s32 s0, $0x1  }
0x1a8: {  	s0 =	rddreg [dreg:$0x6];
	s2 =	simm.s32 @!p3 $0x1D83  }
0x1a9: {  	[spmem:s0], [sflag:s2] =	dma.local @!p3 [hbm:s1], $0x1F80  }
0x1aa: {  	s2 =	simm.s32 @!p3 $0x3  }
0x1ab: {  	_ =	swait.ge @!p3 [sflag:s2], $0x1F80  }
0x1ac: {  	s1 =	sld [smem:$0x7F0];
	_ =	sdelay $0x1  }
0x1ad: {  	[sflag:s2] =	ssyncset.done @!p3 $0x0  }
0x1ae: {  	s0 =	rddreg [dreg:$0x7];
	[sflag:s2] =	ssyncadd.s32 @!p3 $0xFFFFE080;
	p3 =	seq.s32 s1, $0x1  }
0x1af: {  	s1 =	rddreg [dreg:$0x1d];
	s2 =	simm.s32 @!p3 $0x1DC3  }
0x1b0: {  	[spmem:s0], [sflag:s2] =	dma.local @!p3 [hbm:s1], $0x1F80  }
0x1b1: {  	s2 =	simm.s32 @!p3 $0x3  }
0x1b2: {  	_ =	swait.ge @!p3 [sflag:s2], $0x1F80  }
0x1b3: {  	[sflag:s2] =	ssyncset.done @!p3 $0x0  }
0x1b4: {  	[sflag:s2] =	ssyncadd.s32 @!p3 $0xFFFFE080;
	s2 =	sld [smem:$0x7F1];
	_ =	sdelay $0x1  }
0x1b5: {  	s1 =	sld [smem:$0x7FA]  }
0x1b6: {  	p3 =	seq.s32 s2, $0x1  }
0x1b7: {  	s0 =	rddreg [dreg:$0x8];
	s2 =	simm.s32 @!p3 $0x1D03  }
0x1b8: {  	[spmem:s0], [sflag:s2] =	dma.local @!p3 [hbm:s1], $0x1F80  }
0x1b9: {  	s2 =	simm.s32 @!p3 $0x3  }
0x1ba: {  	_ =	swait.ge @!p3 [sflag:s2], $0x1F80  }
0x1bb: {  	s1 =	sld [smem:$0x7F2];
	_ =	sdelay $0x1  }
0x1bc: {  	[sflag:s2] =	ssyncset.done @!p3 $0x0  }
0x1bd: {  	s0 =	rddreg [dreg:$0x9];
	[sflag:s2] =	ssyncadd.s32 @!p3 $0xFFFFE080;
	p3 =	seq.s32 s1, $0x1  }
0x1be: {  	s1 =	rddreg [dreg:$0x1f];
	s2 =	simm.s32 @!p3 $0x1D43  }
0x1bf: {  	[spmem:s0], [sflag:s2] =	dma.local @!p3 [hbm:s1], $0x1F80  }
0x1c0: {  	s2 =	simm.s32 @!p3 $0x3  }
0x1c1: {  	_ =	swait.ge @!p3 [sflag:s2], $0x1F80  }
0x1c2: {  	[sflag:s2] =	ssyncset.done @!p3 $0x0  }
0x1c3: {  	[sflag:s2] =	ssyncadd.s32 @!p3 $0xFFFFE080;
	s2 =	sld [smem:$0x7F3];
	_ =	sdelay $0x1  }
0x1c4: {  	s1 =	sld [smem:$0x7FC]  }
0x1c5: {  	p3 =	seq.s32 s2, $0x1  }
0x1c6: {  	s0 =	rddreg [dreg:$0xa];
	s2 =	simm.s32 @!p3 $0x1C83  }
0x1c7: {  	[spmem:s0], [sflag:s2] =	dma.local @!p3 [hbm:s1], $0x1F80  }
0x1c8: {  	s2 =	simm.s32 @!p3 $0x3  }
0x1c9: {  	_ =	swait.ge @!p3 [sflag:s2], $0x1F80  }
0x1ca: {  	s1 =	sld [smem:$0x7F4];
	_ =	sdelay $0x1  }
0x1cb: {  	[sflag:s2] =	ssyncset.done @!p3 $0x0  }
0x1cc: {  	[sflag:s2] =	ssyncadd.s32 @!p3 $0xFFFFE080;
	p3 =	seq.s32 s1, $0x1;
	s1 =	sld [smem:$0x7FB]  }
0x1cd: {  	_ = 	snop  }
0x1ce: {  	s0 =	rddreg [dreg:$0xb];
	s2 =	simm.s32 @!p3 $0x1CC3  }
0x1cf: {  	[spmem:s0], [sflag:s2] =	dma.local @!p3 [hbm:s1], $0x1F80  }
0x1d0: {  	s2 =	simm.s32 @!p3 $0x3  }
0x1d1: {  	_ =	swait.ge @!p3 [sflag:s2], $0x1F80  }
0x1d2: {  	[sflag:s2] =	ssyncset.done @!p3 $0x0  }
0x1d3: {  	[sflag:s2] =	ssyncadd.s32 @!p3 $0xFFFFE080  }
0x1d4: {  	s0 =	simm.s32 @!p6 $0x1C03;
	s2 =	sshrl.u32 @!p6 s3, $0x3;
	s1 =	rddreg [dreg:$0x2]  }
0x1d5: {  	[spmem:s2], [sflag:s0] =	dma.local @!p6 [hbm:s1], $0x1F80  }
0x1d6: {  	s0 =	simm.s32 @!p6 $0x3  }
0x1d7: {  	_ =	swait.ge @!p6 [sflag:s0], $0x1F80  }
0x1d8: {  	s2 =	sld [smem:$0x7F5];
	_ =	sdelay $0x2  }
0x1d9: {  	p3 =	seq.s32 s2, $0x1;
	s2 =	sld [smem:$0x7FD]  }
0x1da: {  	[sflag:s0] =	ssyncset.done @!p6 $0x0  }
0x1db: {  	s1 =	rddreg [dreg:$0xc];
	[sflag:s0] =	ssyncadd.s32 @!p6 $0xFFFFE080;
	s0 =	simm.s32 @!p3 $0x1C43  }
0x1dc: {  	[spmem:s1], [sflag:s0] =	dma.local @!p3 [hbm:s2], $0x1F80  }
.Ltmp3:
0x1dd: {  	_ = 	snop;
	(pc) =	sbr.rel .LBB2_4-.Ltmp3, $4  }
0x1de: {  	s0 =	simm.s32 @!p3 $0x3  }
0x1df: {  	_ =	swait.ge @!p3 [sflag:s0], $0x1F80  }
0x1e0: {  	[sflag:s0] =	ssyncset.done @!p3 $0x0  }
0x1e1: {  	[sflag:s0] =	ssyncadd.s32 @!p3 $0xFFFFE080  }
.LBB2_5:
0x1e2: {  	_ =	sfence.sel $0x180000  }
0x1e3: {  	[bflag:$0x0] =	sbarrier.arrive $0xFFFF  }
0x1e4: {  	_ =	strace $0x90000047  }
0x1e5: {  	s0 =	stileid.u32;
	[bflag:$0x2] =	sbarrier.arrive $0xFFFF  }
0x1e6: {  	p0 =	sne.s32 s0, $0x0;
	s0 =	rddreg [dreg:$0x5]  }
0x1e7: {  	s0 =	sadd.s32 @!p0 $0x100000, s0  }
0x1e8: {  	[sflag:s0] =	ssyncadd.tile.s32 @!p0 $0x1;
	_ =	shalt  }
.Lfunc_end2:
_tile_overlayer_lowered:
.L_overlay_start_2:
0x1e9: {  	(tag) =	ssettag $0x2  }
0x1ea: {  	s0 =	rddreg [dreg:$0x0];
	s2 =	stileid.u32  }
0x1eb: {  	s1 =	rddreg [dreg:$0x1];
	p0 =	sne.s32 s2, $0x0  }
0x1ec: {  	s3 =	rddreg [dreg:$0x2];
	[bflag:$0x3] =	sbarrier.arrive $0xFFFF;
	s2 =	simm.s32 @!p0 $0x1C03  }
0x1ed: {  	[timem:s3], [sflag:s2] =	dma.local @!p0 [hbm:s0], s1  }
0x1ee: {  	s0 =	simm.s32 @!p0 $0x3  }
0x1ef: {  	_ =	swait.ge @!p0 [sflag:s0], s1  }
0x1f0: {  	s1 =	ssub.s32 @!p0 $0x0, s1;
	[sflag:s0] =	ssyncset.done @!p0 $0x0  }
0x1f1: {  	[sflag:s0] =	ssyncadd.s32 @!p0 s1  }
0x1f2: {  	[bflag:$0x3] =	sbarrier.arrive $0xFFFF  }
0x1f3: {  	_ =	shalt  }

</sc_bundles>
